<compile_context>
chip_gen: v7x
topology: tpu7x:2x2x1
jax: 0.10.2.dev20260603
libtpu: 0.0.44.dev20260713+nightly
codegen_flags: <defaults>
</compile_context>

<pallas_src>
import functools

import jax
import jax.numpy as jnp
from jax import lax
from jax.experimental import pallas as pl
from jax.experimental.pallas import tpu as pltpu
from jax.experimental.pallas import tpu_sc as plsc

NC = 2
NS = 16
LANES = 16
NW = NC * NS
CHUNK = 128
HIGHEST = lax.Precision.HIGHEST


def _sc_mesh():
    return plsc.VectorSubcoreMesh(core_axis_name="c", subcore_axis_name="s")


def _fill_vmem(ref, rows, cols, value):
    val = jnp.full((LANES,), value, jnp.float32)

    @pl.loop(0, rows)
    def _(i):
        @pl.loop(0, cols, step=LANES)
        def _(j):
            ref[i, pl.ds(j, LANES)] = val


SF = 4
SS = 4


def _edge_pass(table, src3, dst3, NP, C):
    SEG = src3.shape[1]
    rows_per_sub = NP // NS
    spread = rows_per_sub // CHUNK

    @functools.partial(
        pl.kernel,
        out_type=jax.ShapeDtypeStruct((NC, NP, C), jnp.float32),
        mesh=_sc_mesh(),
        scratch_types=[
            pltpu.VMEM((SEG, CHUNK), jnp.int32),
            pltpu.VMEM((SEG, CHUNK), jnp.int32),
            pltpu.VMEM((CHUNK, C), jnp.float32),
            pltpu.VMEM((CHUNK, C), jnp.float32),
            pltpu.VMEM_SHARED((NP, C), jnp.float32),
            pltpu.SemaphoreType.DMA,
        ],
    )
    def edge_k(table_hbm, src_hbm, dst_hbm, out_hbm, src_v, dst_v,
               msg0, msg1, acc_sh, gsem):
        c = lax.axis_index("c")
        s = lax.axis_index("s")
        nseg = jnp.where(c == 0, SF, SS)
        base = jnp.where(c == 0, s * SF, NS * SF + s * SS)

        with jax.named_scope("zero_fill"):
            _fill_vmem(msg0, CHUNK, C, 0.0)

        if True:
            with jax.named_scope("zero_spread"):
                @pl.loop(0, spread)
                def _(j):
                    pltpu.sync_copy(
                        msg0,
                        acc_sh.at[pl.ds(s * rows_per_sub + j * CHUNK, CHUNK)])
            with jax.named_scope("barrier0"):
                plsc.subcore_barrier()

            @pl.loop(0, nseg)
            def _(q):
                with jax.named_scope("idx_load"):
                    pltpu.sync_copy(src_hbm.at[base + q], src_v)
                    pltpu.sync_copy(dst_hbm.at[base + q], dst_v)

                pltpu.async_copy(table_hbm.at[src_v.at[0]], msg0, gsem)

                @pl.loop(0, SEG, step=2)
                @jax.named_scope("chunk_pair")
                def _(g):
                    pltpu.make_async_copy(
                        table_hbm.at[src_v.at[g]], msg0, gsem).wait()
                    pltpu.async_copy(table_hbm.at[src_v.at[g + 1]], msg1, gsem)
                    pltpu.sync_copy(msg0, acc_sh.at[dst_v.at[g]], add=True)
                    pltpu.make_async_copy(
                        table_hbm.at[src_v.at[g + 1]], msg1, gsem).wait()

                    @pl.when(g + 2 < SEG)
                    def _():
                        pltpu.async_copy(
                            table_hbm.at[src_v.at[g + 2]], msg0, gsem)

                    pltpu.sync_copy(msg1, acc_sh.at[dst_v.at[g + 1]], add=True)

            with jax.named_scope("barrier1"):
                plsc.subcore_barrier()
            with jax.named_scope("writeout"):
                pltpu.sync_copy(
                    acc_sh.at[pl.ds(s * rows_per_sub, rows_per_sub)],
                    out_hbm.at[c, pl.ds(s * rows_per_sub, rows_per_sub)])

    return edge_k(table, src3, dst3)


def _tc_scale(degp, x_pad, NP, C):
    BR = 1024

    def body(dp_ref, x_ref, dis_ref, xs_ref):
        p = dp_ref[0] + dp_ref[1]
        deg = 1.0 + jnp.sum(p, axis=1, keepdims=True) * (1.0 / C)
        dis = lax.rsqrt(deg)
        dis_ref[...] = dis
        xs_ref[...] = x_ref[...] * dis

    return pl.pallas_call(
        body,
        grid=(NP // BR,),
        in_specs=[
            pl.BlockSpec((NC, BR, C), lambda i: (0, i, 0)),
            pl.BlockSpec((BR, C), lambda i: (i, 0)),
        ],
        out_specs=[
            pl.BlockSpec((BR, 1), lambda i: (i, 0)),
            pl.BlockSpec((BR, C), lambda i: (i, 0)),
        ],
        out_shape=[
            jax.ShapeDtypeStruct((NP, 1), jnp.float32),
            jax.ShapeDtypeStruct((NP, C), jnp.float32),
        ],
    )(degp, x_pad)


def _tc_mlp(t1a, xs, dis, W1, b1r, W2, NP, C, CH):
    BR = 1024

    def body(t_ref, xs_r, dis_r, w1_r, b1_r, w2_r, g_ref):
        d = dis_r[...]
        y1 = d * (t_ref[0] + t_ref[1] + xs_r[...])
        h = jnp.dot(y1, w1_r[...], preferred_element_type=jnp.float32,
                    precision=HIGHEST)
        h = jnp.maximum(h + b1_r[...], 0.0)
        g_ref[...] = jnp.dot(d * h, w2_r[...],
                             preferred_element_type=jnp.float32,
                             precision=HIGHEST)

    return pl.pallas_call(
        body,
        grid=(NP // BR,),
        in_specs=[
            pl.BlockSpec((NC, BR, C), lambda i: (0, i, 0)),
            pl.BlockSpec((BR, C), lambda i: (i, 0)),
            pl.BlockSpec((BR, 1), lambda i: (i, 0)),
            pl.BlockSpec((C, CH), lambda i: (0, 0)),
            pl.BlockSpec((1, CH), lambda i: (0, 0)),
            pl.BlockSpec((CH, C), lambda i: (0, 0)),
        ],
        out_specs=pl.BlockSpec((BR, C), lambda i: (i, 0)),
        out_shape=jax.ShapeDtypeStruct((NP, C), jnp.float32),
    )(t1a, xs, dis, W1, b1r, W2)


def _tc_final(t2a, g, dis, b2r, NP, C):
    BR = 1024

    def body(t_ref, g_r, dis_r, b2_r, out_ref):
        out_ref[...] = dis_r[...] * (t_ref[0] + t_ref[1] + g_r[...]) + b2_r[...]

    return pl.pallas_call(
        body,
        grid=(NP // BR,),
        in_specs=[
            pl.BlockSpec((NC, BR, C), lambda i: (0, i, 0)),
            pl.BlockSpec((BR, C), lambda i: (i, 0)),
            pl.BlockSpec((BR, 1), lambda i: (i, 0)),
            pl.BlockSpec((1, C), lambda i: (0, 0)),
        ],
        out_specs=pl.BlockSpec((BR, C), lambda i: (i, 0)),
        out_shape=jax.ShapeDtypeStruct((NP, C), jnp.float32),
    )(t2a, g, dis, b2r)


def kernel(x, edge_index, W1, b1, W2, b2):
    N, C = x.shape
    CH = W1.shape[1]
    E = edge_index.shape[1]

    src = edge_index[0].astype(jnp.int32)
    dst = edge_index[1].astype(jnp.int32)

    NP = -(-N // (NS * CHUNK)) * (NS * CHUNK)
    if NP == N:
        NP += NS * CHUNK
    NSEG = NS * (SF + SS)
    SEG = -(-E // (CHUNK * NSEG))
    SEG += SEG % 2
    EP = NSEG * SEG * CHUNK

    pad_i = jnp.arange(EP - E, dtype=jnp.int32)
    src_p = jnp.concatenate(
        [src, pad_i % N]).reshape(NSEG, SEG, CHUNK)
    dst_p = jnp.concatenate(
        [dst, N + pad_i % (NP - N)]).reshape(NSEG, SEG, CHUNK)
    x_pad = jnp.pad(x, ((0, NP - N), (0, 0)))
    b1r = b1.reshape(1, CH)
    b2r = b2.reshape(1, C)

    ones_tab = jnp.ones((NP, C), jnp.float32)
    degp = _edge_pass(ones_tab, src_p, dst_p, NP, C)
    dis, xs = _tc_scale(degp, x_pad, NP, C)
    t1 = _edge_pass(xs, src_p, dst_p, NP, C)
    g = _tc_mlp(t1, xs, dis, W1, b1r, W2, NP, C, CH)
    t2 = _edge_pass(g, src_p, dst_p, NP, C)
    out = _tc_final(t2, g, dis, b2r, NP, C)
    return out[:N]

# --- scband reference (transcript-rebuilt; emitter-appended) ---
"""Pipeline reference for scband-gnnmodel-38053410242648 (READ-ONLY COPY).

The authoritative reference and input builder live on the scoring server;
editing this copy changes nothing except your own understanding.
"""

import jax, jax.numpy as jnp
import numpy as np


def gcn_conv(x, src, dst, W, b):
    num_nodes = x.shape[0]
    # add self loops (PyG GCNConv default add_self_loops=True)
    loop = jnp.arange(num_nodes, dtype=src.dtype)
    src_sl = jnp.concatenate([src, loop])
    dst_sl = jnp.concatenate([dst, loop])
    # symmetric normalization D^{-1/2} (A+I) D^{-1/2}
    deg = jnp.zeros((num_nodes,), dtype=jnp.float32).at[dst_sl].add(1.0)
    deg_inv_sqrt = jnp.where(deg > 0, 1.0 / jnp.sqrt(deg), 0.0)
    norm = deg_inv_sqrt[src_sl] * deg_inv_sqrt[dst_sl]
    h = x @ W
    msg = jnp.take(h, src_sl, axis=0) * norm[:, None]
    out = jnp.zeros((num_nodes, W.shape[1]), dtype=h.dtype).at[dst_sl].add(msg)
    return out + b


def setup_inputs(seed: int = 0) -> dict:
    key = jax.random.key(seed)
    k1, k2, k3, k4, k5, k6 = jax.random.split(key, 6)
    n_nodes = 10000
    n_edges = 320000
    c_in, c_hidden, c_out = 128, 256, 128
    x = jax.random.normal(k1, (n_nodes, c_in), dtype=jnp.float32)
    edge_index = jax.random.randint(k2, (2, n_edges), 0, n_nodes, dtype=jnp.int64)
    W1 = jax.random.normal(k3, (c_in, c_hidden), dtype=jnp.float32) * (1.0 / np.sqrt(c_in))
    b1 = jnp.zeros((c_hidden,), dtype=jnp.float32)
    W2 = jax.random.normal(k4, (c_hidden, c_out), dtype=jnp.float32) * (1.0 / np.sqrt(c_hidden))
    b2 = jnp.zeros((c_out,), dtype=jnp.float32)
    return {"x": x, "edge_index": edge_index, "W1": W1, "b1": b1, "W2": W2, "b2": b2}


def reference(x, edge_index, W1, b1, W2, b2):
    # GNNModel forward (eval mode: dropout is identity)
    src, dst = edge_index[0], edge_index[1]
    h = gcn_conv(x, src, dst, W1, b1)
    h = jax.nn.relu(h)
    out = gcn_conv(h, src, dst, W2, b2)
    return out

if __name__ == "__main__":
    import jax
    _d = setup_inputs()
    print(jax.jit(kernel)(*tuple(_d.values())))

</pallas_src>

<mosaic_0001>
#map = affine_map<(d0, d1) -> (0, 0)>
#map1 = affine_map<(d0, d1) -> (0, 0, 0)>
module attributes {stable_mosaic.version = 14 : i64} {
  func.func @edge_k(%arg0: i32, %arg1: i32, %arg2: memref<10240x128xf32, #tpu.memory_space<hbm>>, %arg3: memref<128x20x128xi32, #tpu.memory_space<hbm>>, %arg4: memref<128x20x128xi32, #tpu.memory_space<hbm>>, %arg5: memref<2x10240x128xf32, #tpu.memory_space<hbm>>, %arg6: memref<20x128xi32, #tpu.memory_space<vmem>>, %arg7: memref<20x128xi32, #tpu.memory_space<vmem>>, %arg8: memref<128x128xf32, #tpu.memory_space<vmem>>, %arg9: memref<128x128xf32, #tpu.memory_space<vmem>>, %arg10: memref<10240x128xf32, #tpu.memory_space<vmem_shared>>, %arg11: memref<!tpu.dma_semaphore, #tpu.memory_space<semaphore_mem>>) attributes {dimension_semantics = [#tpu.dimension_semantics<core_parallel>, #tpu.dimension_semantics<subcore_parallel>], iteration_bounds = array<i64: 2, 16>, scalar_prefetch = 0 : i64, scratch_operands = 6 : i64, tpu.core_type = #tpu.core_type<sc_vector_subcore>, window_params = [{transform_indices = #map}, {transform_indices = #map1}, {transform_indices = #map1}, {transform_indices = #map1}]} {
    %eq3A = arith.constant 0 : i32
    %eq3A_0 = arith.cmpi eq, %arg0, %eq3A : i32
    %jit3A = arith.constant 4 : i32
    %jit3A_1 = arith.constant 4 : i32
    %select_n3A = arith.select %eq3A_0, %jit3A, %jit3A_1 : i32
    %eq3A_2 = arith.constant 0 : i32
    %eq3A_3 = arith.cmpi eq, %arg0, %eq3A_2 : i32
    %mul3A = arith.constant 4 : i32
    %mul3A_4 = arith.muli %arg1, %mul3A : i32
    %mul3A_5 = arith.constant 4 : i32
    %mul3A_6 = arith.muli %arg1, %mul3A_5 : i32
    %add3A = arith.constant 64 : i32
    %add3A_7 = arith.addi %add3A, %mul3A_6 : i32
    %select_n3A_8 = arith.select %eq3A_3, %mul3A_4, %add3A_7 : i32
    %broadcast_in_dim3A = arith.constant 0.000000e+00 : f32
    "tpu.trace_start"() <{level = 10 : i32, message = "zero_fill"}> : () -> ()
    %broadcast_in_dim3A_9 = vector.broadcast %broadcast_in_dim3A : f32 to vector<16xf32>
    %scan3A = arith.constant 0 : i32
    %scan3A_10 = arith.constant 128 : i32
    %scan3A_11 = arith.addi %scan3A, %scan3A_10 : i32
    %scan3A_12 = arith.constant 1 : i32
    scf.for %scan3A_40 = %scan3A to %scan3A_11 step %scan3A_12  : i32 {
      %mul3A_41 = arith.constant 1 : i32
      %mul3A_42 = arith.muli %scan3A_40, %mul3A_41 : i32
      %add3A_43 = arith.constant 0 : i32
      %add3A_44 = arith.addi %add3A_43, %mul3A_42 : i32
      %scan3A_45 = arith.constant 0 : i32
      %scan3A_46 = arith.constant 8 : i32
      %scan3A_47 = arith.addi %scan3A_45, %scan3A_46 : i32
      %scan3A_48 = arith.constant 1 : i32
      scf.for %scan3A_50 = %scan3A_45 to %scan3A_47 step %scan3A_48  : i32 {
        %mul3A_51 = arith.constant 16 : i32
        %mul3A_52 = arith.muli %scan3A_50, %mul3A_51 : i32
        %add3A_53 = arith.constant 0 : i32
        %add3A_54 = arith.addi %add3A_53, %mul3A_52 : i32
        %swap3A = arith.index_cast %add3A_44 : i32 to index
        %swap3A_55 = arith.index_cast %add3A_54 : i32 to index
        %swap3A_56 = tpu.vector_load %arg8[%swap3A, %swap3A_55] {strides = array<i32>} : memref<128x128xf32, #tpu.memory_space<vmem>>, vector<1x16xf32>,
        %swap3A_57 = vector.shape_cast %swap3A_56 : vector<1x16xf32> to vector<16xf32>
        %swap3A_58 = vector.shape_cast %broadcast_in_dim3A_9 : vector<16xf32> to vector<1x16xf32>
        tpu.vector_store %arg8[%swap3A, %swap3A_55], %swap3A_58 {strides = array<i32>} : memref<128x128xf32, #tpu.memory_space<vmem>>, vector<1x16xf32>,
      }
      %scan3A_49 = arith.constant 8 : i32
    }
    %scan3A_13 = arith.constant 128 : i32
    "tpu.trace_stop"() : () -> ()
    "tpu.trace_start"() <{level = 10 : i32, message = "zero_spread"}> : () -> ()
    %scan3A_14 = arith.constant 0 : i32
    %scan3A_15 = arith.constant 5 : i32
    %scan3A_16 = arith.addi %scan3A_14, %scan3A_15 : i32
    %scan3A_17 = arith.constant 1 : i32
    scf.for %scan3A_40 = %scan3A_14 to %scan3A_16 step %scan3A_17  : i32 {
      %mul3A_41 = arith.constant 1 : i32
      %mul3A_42 = arith.muli %scan3A_40, %mul3A_41 : i32
      %add3A_43 = arith.constant 0 : i32
      %add3A_44 = arith.addi %add3A_43, %mul3A_42 : i32
      %mul3A_45 = arith.constant 640 : i32
      %mul3A_46 = arith.muli %arg1, %mul3A_45 : i32
      %mul3A_47 = arith.constant 128 : i32
      %mul3A_48 = arith.muli %add3A_44, %mul3A_47 : i32
      %add3A_49 = arith.addi %mul3A_46, %mul3A_48 : i32
      "tpu.region"() ({
        %run_scoped3A = tpu.sem_alloc : memref<!tpu.dma_semaphore, #tpu.memory_space<semaphore_mem>>
        %dma_start3A = arith.constant 0 : i32
        %dma_start3A_50 = tpu.memref_slice %arg10[%add3A_49, %dma_start3A] : memref<10240x128xf32, #tpu.memory_space<vmem_shared>> -> memref<128x128xf32, #tpu.memory_space<vmem_shared>>
        %dma_start3A_51 = arith.constant 0 : i32
        %dma_start3A_52 = tpu.memref_slice %arg10[%add3A_49, %dma_start3A_51] : memref<10240x128xf32, #tpu.memory_space<vmem_shared>> -> memref<128x128xf32, #tpu.memory_space<vmem_shared>>
        tpu.enqueue_dma source(%arg8 : memref<128x128xf32, #tpu.memory_space<vmem>>) target(%dma_start3A_52 : memref<128x128xf32, #tpu.memory_space<vmem_shared>>) target_semaphore(%run_scoped3A : memref<!tpu.dma_semaphore, #tpu.memory_space<semaphore_mem>>)
        %dma_wait3A = arith.constant 0 : i32
        %dma_wait3A_53 = tpu.memref_slice %arg10[%add3A_49, %dma_wait3A] : memref<10240x128xf32, #tpu.memory_space<vmem_shared>> -> memref<128x128xf32, #tpu.memory_space<vmem_shared>>
        %dma_wait3A_54 = arith.constant 0 : i32
        %dma_wait3A_55 = tpu.memref_slice %arg10[%add3A_49, %dma_wait3A_54] : memref<10240x128xf32, #tpu.memory_space<vmem_shared>> -> memref<128x128xf32, #tpu.memory_space<vmem_shared>>
        tpu.wait_dma2 semaphore(%run_scoped3A : memref<!tpu.dma_semaphore, #tpu.memory_space<semaphore_mem>>) src(%arg8 : memref<128x128xf32, #tpu.memory_space<vmem>>) dst(%dma_wait3A_55 : memref<128x128xf32, #tpu.memory_space<vmem_shared>>)
        tpu.yield
      }) : () -> ()
    }
    %scan3A_18 = arith.constant 5 : i32
    "tpu.trace_stop"() : () -> ()
    "tpu.trace_start"() <{level = 10 : i32, message = "barrier0"}> : () -> ()
    %barrier3A = arith.constant 0 : index
    tpu.barrier barrier_id(%barrier3A)
    "tpu.trace_stop"() : () -> ()
    %sub3A = arith.constant 0 : i32
    %sub3A_19 = arith.subi %select_n3A, %sub3A : i32
    %sub3A_20 = arith.constant 1 : i32
    %sub3A_21 = arith.constant 1 : i32
    %sub3A_22 = arith.subi %sub3A_20, %sub3A_21 : i32
    %add3A_23 = arith.addi %sub3A_19, %sub3A_22 : i32
    %div3A = arith.constant 1 : i32
    %div3A_24 = arith.divsi %add3A_23, %div3A : i32
    %while3A = arith.constant 1 : i32
    %while3A_25 = arith.constant 0 : i32
    %while3A_26 = arith.constant 0 : i32
    %while3A_27 = arith.subi %div3A_24, %while3A_26 : i32
    %while3A_28 = arith.addi %while3A_26, %while3A_27 : i32
    %while3A_29 = arith.constant 1 : i32
    %while3A_30 = arith.divsi %while3A_27, %while3A_29 : i32
    %while3A_31 = arith.muli %while3A_30, %while3A_29 : i32
    %while3A_32 = arith.addi %while3A_26, %while3A_31 : i32
    %while3A_33 = arith.constant 1 : i32
    scf.for %while3A_40 = %while3A_26 to %while3A_32 step %while3A_33  : i32 {
      %mul3A_41 = arith.muli %while3A_40, %while3A : i32
      %add3A_42 = arith.addi %while3A_25, %mul3A_41 : i32
      "tpu.trace_start"() <{level = 10 : i32, message = "idx_load"}> : () -> ()
      %add3A_43 = arith.addi %select_n3A_8, %add3A_42 : i32
      "tpu.region"() ({
        %run_scoped3A = tpu.sem_alloc : memref<!tpu.dma_semaphore, #tpu.memory_space<semaphore_mem>>
        %dma_start3A_56 = arith.constant 0 : i32
        %dma_start3A_57 = arith.constant 0 : i32
        %dma_start3A_58 = tpu.memref_slice %arg3[%add3A_43, %dma_start3A_56, %dma_start3A_57] : memref<128x20x128xi32, #tpu.memory_space<hbm>> -> memref<1x20x128xi32, #tpu.memory_space<hbm>>
        %dma_start3A_59 = tpu.memref_squeeze %dma_start3A_58 : memref<1x20x128xi32, #tpu.memory_space<hbm>> -> memref<20x128xi32, #tpu.memory_space<hbm>>
        %dma_start3A_60 = arith.constant 0 : i32
        %dma_start3A_61 = arith.constant 0 : i32
        %dma_start3A_62 = tpu.memref_slice %arg3[%add3A_43, %dma_start3A_60, %dma_start3A_61] : memref<128x20x128xi32, #tpu.memory_space<hbm>> -> memref<1x20x128xi32, #tpu.memory_space<hbm>>
        %dma_start3A_63 = tpu.memref_squeeze %dma_start3A_62 : memref<1x20x128xi32, #tpu.memory_space<hbm>> -> memref<20x128xi32, #tpu.memory_space<hbm>>
        tpu.enqueue_dma source(%dma_start3A_63 : memref<20x128xi32, #tpu.memory_space<hbm>>) target(%arg6 : memref<20x128xi32, #tpu.memory_space<vmem>>) target_semaphore(%run_scoped3A : memref<!tpu.dma_semaphore, #tpu.memory_space<semaphore_mem>>)
        %dma_wait3A = arith.constant 0 : i32
        %dma_wait3A_64 = arith.constant 0 : i32
        %dma_wait3A_65 = tpu.memref_slice %arg3[%add3A_43, %dma_wait3A, %dma_wait3A_64] : memref<128x20x128xi32, #tpu.memory_space<hbm>> -> memref<1x20x128xi32, #tpu.memory_space<hbm>>
        %dma_wait3A_66 = tpu.memref_squeeze %dma_wait3A_65 : memref<1x20x128xi32, #tpu.memory_space<hbm>> -> memref<20x128xi32, #tpu.memory_space<hbm>>
        %dma_wait3A_67 = arith.constant 0 : i32
        %dma_wait3A_68 = arith.constant 0 : i32
        %dma_wait3A_69 = tpu.memref_slice %arg3[%add3A_43, %dma_wait3A_67, %dma_wait3A_68] : memref<128x20x128xi32, #tpu.memory_space<hbm>> -> memref<1x20x128xi32, #tpu.memory_space<hbm>>
        %dma_wait3A_70 = tpu.memref_squeeze %dma_wait3A_69 : memref<1x20x128xi32, #tpu.memory_space<hbm>> -> memref<20x128xi32, #tpu.memory_space<hbm>>
        tpu.wait_dma2 semaphore(%run_scoped3A : memref<!tpu.dma_semaphore, #tpu.memory_space<semaphore_mem>>) src(%dma_wait3A_70 : memref<20x128xi32, #tpu.memory_space<hbm>>) dst(%arg6 : memref<20x128xi32, #tpu.memory_space<vmem>>)
        tpu.yield
      }) : () -> ()
      %add3A_44 = arith.addi %select_n3A_8, %add3A_42 : i32
      "tpu.region"() ({
        %run_scoped3A = tpu.sem_alloc : memref<!tpu.dma_semaphore, #tpu.memory_space<semaphore_mem>>
        %dma_start3A_56 = arith.constant 0 : i32
        %dma_start3A_57 = arith.constant 0 : i32
        %dma_start3A_58 = tpu.memref_slice %arg4[%add3A_44, %dma_start3A_56, %dma_start3A_57] : memref<128x20x128xi32, #tpu.memory_space<hbm>> -> memref<1x20x128xi32, #tpu.memory_space<hbm>>
        %dma_start3A_59 = tpu.memref_squeeze %dma_start3A_58 : memref<1x20x128xi32, #tpu.memory_space<hbm>> -> memref<20x128xi32, #tpu.memory_space<hbm>>
        %dma_start3A_60 = arith.constant 0 : i32
        %dma_start3A_61 = arith.constant 0 : i32
        %dma_start3A_62 = tpu.memref_slice %arg4[%add3A_44, %dma_start3A_60, %dma_start3A_61] : memref<128x20x128xi32, #tpu.memory_space<hbm>> -> memref<1x20x128xi32, #tpu.memory_space<hbm>>
        %dma_start3A_63 = tpu.memref_squeeze %dma_start3A_62 : memref<1x20x128xi32, #tpu.memory_space<hbm>> -> memref<20x128xi32, #tpu.memory_space<hbm>>
        tpu.enqueue_dma source(%dma_start3A_63 : memref<20x128xi32, #tpu.memory_space<hbm>>) target(%arg7 : memref<20x128xi32, #tpu.memory_space<vmem>>) target_semaphore(%run_scoped3A : memref<!tpu.dma_semaphore, #tpu.memory_space<semaphore_mem>>)
        %dma_wait3A = arith.constant 0 : i32
        %dma_wait3A_64 = arith.constant 0 : i32
        %dma_wait3A_65 = tpu.memref_slice %arg4[%add3A_44, %dma_wait3A, %dma_wait3A_64] : memref<128x20x128xi32, #tpu.memory_space<hbm>> -> memref<1x20x128xi32, #tpu.memory_space<hbm>>
        %dma_wait3A_66 = tpu.memref_squeeze %dma_wait3A_65 : memref<1x20x128xi32, #tpu.memory_space<hbm>> -> memref<20x128xi32, #tpu.memory_space<hbm>>
        %dma_wait3A_67 = arith.constant 0 : i32
        %dma_wait3A_68 = arith.constant 0 : i32
        %dma_wait3A_69 = tpu.memref_slice %arg4[%add3A_44, %dma_wait3A_67, %dma_wait3A_68] : memref<128x20x128xi32, #tpu.memory_space<hbm>> -> memref<1x20x128xi32, #tpu.memory_space<hbm>>
        %dma_wait3A_70 = tpu.memref_squeeze %dma_wait3A_69 : memref<1x20x128xi32, #tpu.memory_space<hbm>> -> memref<20x128xi32, #tpu.memory_space<hbm>>
        tpu.wait_dma2 semaphore(%run_scoped3A : memref<!tpu.dma_semaphore, #tpu.memory_space<semaphore_mem>>) src(%dma_wait3A_70 : memref<20x128xi32, #tpu.memory_space<hbm>>) dst(%arg7 : memref<20x128xi32, #tpu.memory_space<vmem>>)
        tpu.yield
      }) : () -> ()
      %dma_start3A = arith.constant 0 : i32
      "tpu.trace_stop"() : () -> ()
      %dma_start3A_45 = arith.constant 0 : i32
      %dma_start3A_46 = tpu.memref_slice %arg6[%dma_start3A, %dma_start3A_45] : memref<20x128xi32, #tpu.memory_space<vmem>> -> memref<1x128xi32, #tpu.memory_space<vmem>>
      %dma_start3A_47 = tpu.memref_squeeze %dma_start3A_46 : memref<1x128xi32, #tpu.memory_space<vmem>> -> memref<128xi32, #tpu.memory_space<vmem>>
      %dma_start3A_48 = arith.constant 0 : i32
      %dma_start3A_49 = arith.constant 0 : i32
      %dma_start3A_50 = tpu.memref_slice %arg2[%dma_start3A_48, %dma_start3A_49] : memref<10240x128xf32, #tpu.memory_space<hbm>> -> memref<10240x128xf32, #tpu.memory_space<hbm>>
      tpu.enqueue_indirect_dma source(%dma_start3A_50 : memref<10240x128xf32, #tpu.memory_space<hbm>>) target(%arg8 : memref<128x128xf32, #tpu.memory_space<vmem>>) offsets(%dma_start3A_47 : memref<128xi32, #tpu.memory_space<vmem>>) semaphore(%arg11 : memref<!tpu.dma_semaphore, #tpu.memory_space<semaphore_mem>>)
      %scan3A_51 = arith.constant 0 : i32
      %scan3A_52 = arith.constant 10 : i32
      %scan3A_53 = arith.addi %scan3A_51, %scan3A_52 : i32
      %scan3A_54 = arith.constant 1 : i32
      scf.for %scan3A_56 = %scan3A_51 to %scan3A_53 step %scan3A_54  : i32 {
        %mul3A_57 = arith.constant 2 : i32
        %mul3A_58 = arith.muli %scan3A_56, %mul3A_57 : i32
        %add3A_59 = arith.constant 0 : i32
        %add3A_60 = arith.addi %add3A_59, %mul3A_58 : i32
        "tpu.trace_start"() <{level = 10 : i32, message = "chunk_pair"}> : () -> ()
        %dma_wait3A = arith.constant 0 : i32
        %dma_wait3A_61 = tpu.memref_slice %arg6[%add3A_60, %dma_wait3A] : memref<20x128xi32, #tpu.memory_space<vmem>> -> memref<1x128xi32, #tpu.memory_space<vmem>>
        %dma_wait3A_62 = tpu.memref_squeeze %dma_wait3A_61 : memref<1x128xi32, #tpu.memory_space<vmem>> -> memref<128xi32, #tpu.memory_space<vmem>>
        %dma_wait3A_63 = arith.constant 0 : i32
        %dma_wait3A_64 = arith.constant 0 : i32
        %dma_wait3A_65 = tpu.memref_slice %arg2[%dma_wait3A_63, %dma_wait3A_64] : memref<10240x128xf32, #tpu.memory_space<hbm>> -> memref<10240x128xf32, #tpu.memory_space<hbm>>
        tpu.wait_indirect_dma semaphore(%arg11 : memref<!tpu.dma_semaphore, #tpu.memory_space<semaphore_mem>>) src(%dma_wait3A_65 : memref<10240x128xf32, #tpu.memory_space<hbm>>) dst(%arg8 : memref<128x128xf32, #tpu.memory_space<vmem>>)
        %add3A_66 = arith.constant 1 : i32
        %add3A_67 = arith.addi %add3A_60, %add3A_66 : i32
        %dma_start3A_68 = arith.constant 0 : i32
        %dma_start3A_69 = tpu.memref_slice %arg6[%add3A_67, %dma_start3A_68] : memref<20x128xi32, #tpu.memory_space<vmem>> -> memref<1x128xi32, #tpu.memory_space<vmem>>
        %dma_start3A_70 = tpu.memref_squeeze %dma_start3A_69 : memref<1x128xi32, #tpu.memory_space<vmem>> -> memref<128xi32, #tpu.memory_space<vmem>>
        %dma_start3A_71 = arith.constant 0 : i32
        %dma_start3A_72 = arith.constant 0 : i32
        %dma_start3A_73 = tpu.memref_slice %arg2[%dma_start3A_71, %dma_start3A_72] : memref<10240x128xf32, #tpu.memory_space<hbm>> -> memref<10240x128xf32, #tpu.memory_space<hbm>>
        tpu.enqueue_indirect_dma source(%dma_start3A_73 : memref<10240x128xf32, #tpu.memory_space<hbm>>) target(%arg9 : memref<128x128xf32, #tpu.memory_space<vmem>>) offsets(%dma_start3A_70 : memref<128xi32, #tpu.memory_space<vmem>>) semaphore(%arg11 : memref<!tpu.dma_semaphore, #tpu.memory_space<semaphore_mem>>)
        "tpu.region"() ({
          %run_scoped3A = tpu.sem_alloc : memref<!tpu.dma_semaphore, #tpu.memory_space<semaphore_mem>>
          %dma_start3A_88 = arith.constant 0 : i32
          %dma_start3A_89 = tpu.memref_slice %arg7[%add3A_60, %dma_start3A_88] : memref<20x128xi32, #tpu.memory_space<vmem>> -> memref<1x128xi32, #tpu.memory_space<vmem>>
          %dma_start3A_90 = tpu.memref_squeeze %dma_start3A_89 : memref<1x128xi32, #tpu.memory_space<vmem>> -> memref<128xi32, #tpu.memory_space<vmem>>
          %dma_start3A_91 = arith.constant 0 : i32
          %dma_start3A_92 = arith.constant 0 : i32
          %dma_start3A_93 = tpu.memref_slice %arg10[%dma_start3A_91, %dma_start3A_92] : memref<10240x128xf32, #tpu.memory_space<vmem_shared>> -> memref<10240x128xf32, #tpu.memory_space<vmem_shared>>
          tpu.enqueue_indirect_dma source(%arg8 : memref<128x128xf32, #tpu.memory_space<vmem>>) target(%dma_start3A_93 : memref<10240x128xf32, #tpu.memory_space<vmem_shared>>) offsets(%dma_start3A_90 : memref<128xi32, #tpu.memory_space<vmem>>) semaphore(%run_scoped3A : memref<!tpu.dma_semaphore, #tpu.memory_space<semaphore_mem>>) {add = true}
          %dma_wait3A_94 = arith.constant 0 : i32
          %dma_wait3A_95 = tpu.memref_slice %arg7[%add3A_60, %dma_wait3A_94] : memref<20x128xi32, #tpu.memory_space<vmem>> -> memref<1x128xi32, #tpu.memory_space<vmem>>
          %dma_wait3A_96 = tpu.memref_squeeze %dma_wait3A_95 : memref<1x128xi32, #tpu.memory_space<vmem>> -> memref<128xi32, #tpu.memory_space<vmem>>
          %dma_wait3A_97 = arith.constant 0 : i32
          %dma_wait3A_98 = arith.constant 0 : i32
          %dma_wait3A_99 = tpu.memref_slice %arg10[%dma_wait3A_97, %dma_wait3A_98] : memref<10240x128xf32, #tpu.memory_space<vmem_shared>> -> memref<10240x128xf32, #tpu.memory_space<vmem_shared>>
          tpu.wait_indirect_dma semaphore(%run_scoped3A : memref<!tpu.dma_semaphore, #tpu.memory_space<semaphore_mem>>) src(%arg8 : memref<128x128xf32, #tpu.memory_space<vmem>>) dst(%dma_wait3A_99 : memref<10240x128xf32, #tpu.memory_space<vmem_shared>>)
          tpu.yield
        }) : () -> ()
        %add3A_74 = arith.constant 1 : i32
        %add3A_75 = arith.addi %add3A_60, %add3A_74 : i32
        %dma_wait3A_76 = arith.constant 0 : i32
        %dma_wait3A_77 = tpu.memref_slice %arg6[%add3A_75, %dma_wait3A_76] : memref<20x128xi32, #tpu.memory_space<vmem>> -> memref<1x128xi32, #tpu.memory_space<vmem>>
        %dma_wait3A_78 = tpu.memref_squeeze %dma_wait3A_77 : memref<1x128xi32, #tpu.memory_space<vmem>> -> memref<128xi32, #tpu.memory_space<vmem>>
        %dma_wait3A_79 = arith.constant 0 : i32
        %dma_wait3A_80 = arith.constant 0 : i32
        %dma_wait3A_81 = tpu.memref_slice %arg2[%dma_wait3A_79, %dma_wait3A_80] : memref<10240x128xf32, #tpu.memory_space<hbm>> -> memref<10240x128xf32, #tpu.memory_space<hbm>>
        tpu.wait_indirect_dma semaphore(%arg11 : memref<!tpu.dma_semaphore, #tpu.memory_space<semaphore_mem>>) src(%dma_wait3A_81 : memref<10240x128xf32, #tpu.memory_space<hbm>>) dst(%arg9 : memref<128x128xf32, #tpu.memory_space<vmem>>)
        %add3A_82 = arith.constant 2 : i32
        %add3A_83 = arith.addi %add3A_60, %add3A_82 : i32
        %lt3A = arith.constant 20 : i32
        %lt3A_84 = arith.cmpi slt, %add3A_83, %lt3A : i32
        %convert_element_type3A = arith.extui %lt3A_84 : i1 to i32
        %cond3A = arith.constant 0 : i32
        %cond3A_85 = arith.cmpi ne, %convert_element_type3A, %cond3A : i32
        scf.if %cond3A_85 {
          %add3A_88 = arith.constant 2 : i32
          %add3A_89 = arith.addi %add3A_60, %add3A_88 : i32
          %dma_start3A_90 = arith.constant 0 : i32
          %dma_start3A_91 = tpu.memref_slice %arg6[%add3A_89, %dma_start3A_90] : memref<20x128xi32, #tpu.memory_space<vmem>> -> memref<1x128xi32, #tpu.memory_space<vmem>>
          %dma_start3A_92 = tpu.memref_squeeze %dma_start3A_91 : memref<1x128xi32, #tpu.memory_space<vmem>> -> memref<128xi32, #tpu.memory_space<vmem>>
          %dma_start3A_93 = arith.constant 0 : i32
          %dma_start3A_94 = arith.constant 0 : i32
          %dma_start3A_95 = tpu.memref_slice %arg2[%dma_start3A_93, %dma_start3A_94] : memref<10240x128xf32, #tpu.memory_space<hbm>> -> memref<10240x128xf32, #tpu.memory_space<hbm>>
          tpu.enqueue_indirect_dma source(%dma_start3A_95 : memref<10240x128xf32, #tpu.memory_space<hbm>>) target(%arg8 : memref<128x128xf32, #tpu.memory_space<vmem>>) offsets(%dma_start3A_92 : memref<128xi32, #tpu.memory_space<vmem>>) semaphore(%arg11 : memref<!tpu.dma_semaphore, #tpu.memory_space<semaphore_mem>>)
        } else {
        }
        %add3A_86 = arith.constant 1 : i32
        %add3A_87 = arith.addi %add3A_60, %add3A_86 : i32
        "tpu.region"() ({
          %run_scoped3A = tpu.sem_alloc : memref<!tpu.dma_semaphore, #tpu.memory_space<semaphore_mem>>
          %dma_start3A_88 = arith.constant 0 : i32
          %dma_start3A_89 = tpu.memref_slice %arg7[%add3A_87, %dma_start3A_88] : memref<20x128xi32, #tpu.memory_space<vmem>> -> memref<1x128xi32, #tpu.memory_space<vmem>>
          %dma_start3A_90 = tpu.memref_squeeze %dma_start3A_89 : memref<1x128xi32, #tpu.memory_space<vmem>> -> memref<128xi32, #tpu.memory_space<vmem>>
          %dma_start3A_91 = arith.constant 0 : i32
          %dma_start3A_92 = arith.constant 0 : i32
          %dma_start3A_93 = tpu.memref_slice %arg10[%dma_start3A_91, %dma_start3A_92] : memref<10240x128xf32, #tpu.memory_space<vmem_shared>> -> memref<10240x128xf32, #tpu.memory_space<vmem_shared>>
          tpu.enqueue_indirect_dma source(%arg9 : memref<128x128xf32, #tpu.memory_space<vmem>>) target(%dma_start3A_93 : memref<10240x128xf32, #tpu.memory_space<vmem_shared>>) offsets(%dma_start3A_90 : memref<128xi32, #tpu.memory_space<vmem>>) semaphore(%run_scoped3A : memref<!tpu.dma_semaphore, #tpu.memory_space<semaphore_mem>>) {add = true}
          %dma_wait3A_94 = arith.constant 0 : i32
          %dma_wait3A_95 = tpu.memref_slice %arg7[%add3A_87, %dma_wait3A_94] : memref<20x128xi32, #tpu.memory_space<vmem>> -> memref<1x128xi32, #tpu.memory_space<vmem>>
          %dma_wait3A_96 = tpu.memref_squeeze %dma_wait3A_95 : memref<1x128xi32, #tpu.memory_space<vmem>> -> memref<128xi32, #tpu.memory_space<vmem>>
          %dma_wait3A_97 = arith.constant 0 : i32
          %dma_wait3A_98 = arith.constant 0 : i32
          %dma_wait3A_99 = tpu.memref_slice %arg10[%dma_wait3A_97, %dma_wait3A_98] : memref<10240x128xf32, #tpu.memory_space<vmem_shared>> -> memref<10240x128xf32, #tpu.memory_space<vmem_shared>>
          tpu.wait_indirect_dma semaphore(%run_scoped3A : memref<!tpu.dma_semaphore, #tpu.memory_space<semaphore_mem>>) src(%arg9 : memref<128x128xf32, #tpu.memory_space<vmem>>) dst(%dma_wait3A_99 : memref<10240x128xf32, #tpu.memory_space<vmem_shared>>)
          tpu.yield
        }) : () -> ()
        "tpu.trace_stop"() : () -> ()
      }
      %scan3A_55 = arith.constant 10 : i32
    }
    %while3A_34 = arith.constant 1 : i32
    scf.for %while3A_40 = %while3A_32 to %while3A_28 step %while3A_34  : i32 {
      %mul3A_41 = arith.muli %while3A_40, %while3A : i32
      %add3A_42 = arith.addi %while3A_25, %mul3A_41 : i32
      "tpu.trace_start"() <{level = 10 : i32, message = "idx_load"}> : () -> ()
      %add3A_43 = arith.addi %select_n3A_8, %add3A_42 : i32
      "tpu.region"() ({
        %run_scoped3A = tpu.sem_alloc : memref<!tpu.dma_semaphore, #tpu.memory_space<semaphore_mem>>
        %dma_start3A_56 = arith.constant 0 : i32
        %dma_start3A_57 = arith.constant 0 : i32
        %dma_start3A_58 = tpu.memref_slice %arg3[%add3A_43, %dma_start3A_56, %dma_start3A_57] : memref<128x20x128xi32, #tpu.memory_space<hbm>> -> memref<1x20x128xi32, #tpu.memory_space<hbm>>
        %dma_start3A_59 = tpu.memref_squeeze %dma_start3A_58 : memref<1x20x128xi32, #tpu.memory_space<hbm>> -> memref<20x128xi32, #tpu.memory_space<hbm>>
        %dma_start3A_60 = arith.constant 0 : i32
        %dma_start3A_61 = arith.constant 0 : i32
        %dma_start3A_62 = tpu.memref_slice %arg3[%add3A_43, %dma_start3A_60, %dma_start3A_61] : memref<128x20x128xi32, #tpu.memory_space<hbm>> -> memref<1x20x128xi32, #tpu.memory_space<hbm>>
        %dma_start3A_63 = tpu.memref_squeeze %dma_start3A_62 : memref<1x20x128xi32, #tpu.memory_space<hbm>> -> memref<20x128xi32, #tpu.memory_space<hbm>>
        tpu.enqueue_dma source(%dma_start3A_63 : memref<20x128xi32, #tpu.memory_space<hbm>>) target(%arg6 : memref<20x128xi32, #tpu.memory_space<vmem>>) target_semaphore(%run_scoped3A : memref<!tpu.dma_semaphore, #tpu.memory_space<semaphore_mem>>)
        %dma_wait3A = arith.constant 0 : i32
        %dma_wait3A_64 = arith.constant 0 : i32
        %dma_wait3A_65 = tpu.memref_slice %arg3[%add3A_43, %dma_wait3A, %dma_wait3A_64] : memref<128x20x128xi32, #tpu.memory_space<hbm>> -> memref<1x20x128xi32, #tpu.memory_space<hbm>>
        %dma_wait3A_66 = tpu.memref_squeeze %dma_wait3A_65 : memref<1x20x128xi32, #tpu.memory_space<hbm>> -> memref<20x128xi32, #tpu.memory_space<hbm>>
        %dma_wait3A_67 = arith.constant 0 : i32
        %dma_wait3A_68 = arith.constant 0 : i32
        %dma_wait3A_69 = tpu.memref_slice %arg3[%add3A_43, %dma_wait3A_67, %dma_wait3A_68] : memref<128x20x128xi32, #tpu.memory_space<hbm>> -> memref<1x20x128xi32, #tpu.memory_space<hbm>>
        %dma_wait3A_70 = tpu.memref_squeeze %dma_wait3A_69 : memref<1x20x128xi32, #tpu.memory_space<hbm>> -> memref<20x128xi32, #tpu.memory_space<hbm>>
        tpu.wait_dma2 semaphore(%run_scoped3A : memref<!tpu.dma_semaphore, #tpu.memory_space<semaphore_mem>>) src(%dma_wait3A_70 : memref<20x128xi32, #tpu.memory_space<hbm>>) dst(%arg6 : memref<20x128xi32, #tpu.memory_space<vmem>>)
        tpu.yield
      }) : () -> ()
      %add3A_44 = arith.addi %select_n3A_8, %add3A_42 : i32
      "tpu.region"() ({
        %run_scoped3A = tpu.sem_alloc : memref<!tpu.dma_semaphore, #tpu.memory_space<semaphore_mem>>
        %dma_start3A_56 = arith.constant 0 : i32
        %dma_start3A_57 = arith.constant 0 : i32
        %dma_start3A_58 = tpu.memref_slice %arg4[%add3A_44, %dma_start3A_56, %dma_start3A_57] : memref<128x20x128xi32, #tpu.memory_space<hbm>> -> memref<1x20x128xi32, #tpu.memory_space<hbm>>
        %dma_start3A_59 = tpu.memref_squeeze %dma_start3A_58 : memref<1x20x128xi32, #tpu.memory_space<hbm>> -> memref<20x128xi32, #tpu.memory_space<hbm>>
        %dma_start3A_60 = arith.constant 0 : i32
        %dma_start3A_61 = arith.constant 0 : i32
        %dma_start3A_62 = tpu.memref_slice %arg4[%add3A_44, %dma_start3A_60, %dma_start3A_61] : memref<128x20x128xi32, #tpu.memory_space<hbm>> -> memref<1x20x128xi32, #tpu.memory_space<hbm>>
        %dma_start3A_63 = tpu.memref_squeeze %dma_start3A_62 : memref<1x20x128xi32, #tpu.memory_space<hbm>> -> memref<20x128xi32, #tpu.memory_space<hbm>>
        tpu.enqueue_dma source(%dma_start3A_63 : memref<20x128xi32, #tpu.memory_space<hbm>>) target(%arg7 : memref<20x128xi32, #tpu.memory_space<vmem>>) target_semaphore(%run_scoped3A : memref<!tpu.dma_semaphore, #tpu.memory_space<semaphore_mem>>)
        %dma_wait3A = arith.constant 0 : i32
        %dma_wait3A_64 = arith.constant 0 : i32
        %dma_wait3A_65 = tpu.memref_slice %arg4[%add3A_44, %dma_wait3A, %dma_wait3A_64] : memref<128x20x128xi32, #tpu.memory_space<hbm>> -> memref<1x20x128xi32, #tpu.memory_space<hbm>>
        %dma_wait3A_66 = tpu.memref_squeeze %dma_wait3A_65 : memref<1x20x128xi32, #tpu.memory_space<hbm>> -> memref<20x128xi32, #tpu.memory_space<hbm>>
        %dma_wait3A_67 = arith.constant 0 : i32
        %dma_wait3A_68 = arith.constant 0 : i32
        %dma_wait3A_69 = tpu.memref_slice %arg4[%add3A_44, %dma_wait3A_67, %dma_wait3A_68] : memref<128x20x128xi32, #tpu.memory_space<hbm>> -> memref<1x20x128xi32, #tpu.memory_space<hbm>>
        %dma_wait3A_70 = tpu.memref_squeeze %dma_wait3A_69 : memref<1x20x128xi32, #tpu.memory_space<hbm>> -> memref<20x128xi32, #tpu.memory_space<hbm>>
        tpu.wait_dma2 semaphore(%run_scoped3A : memref<!tpu.dma_semaphore, #tpu.memory_space<semaphore_mem>>) src(%dma_wait3A_70 : memref<20x128xi32, #tpu.memory_space<hbm>>) dst(%arg7 : memref<20x128xi32, #tpu.memory_space<vmem>>)
        tpu.yield
      }) : () -> ()
      %dma_start3A = arith.constant 0 : i32
      "tpu.trace_stop"() : () -> ()
      %dma_start3A_45 = arith.constant 0 : i32
      %dma_start3A_46 = tpu.memref_slice %arg6[%dma_start3A, %dma_start3A_45] : memref<20x128xi32, #tpu.memory_space<vmem>> -> memref<1x128xi32, #tpu.memory_space<vmem>>
      %dma_start3A_47 = tpu.memref_squeeze %dma_start3A_46 : memref<1x128xi32, #tpu.memory_space<vmem>> -> memref<128xi32, #tpu.memory_space<vmem>>
      %dma_start3A_48 = arith.constant 0 : i32
      %dma_start3A_49 = arith.constant 0 : i32
      %dma_start3A_50 = tpu.memref_slice %arg2[%dma_start3A_48, %dma_start3A_49] : memref<10240x128xf32, #tpu.memory_space<hbm>> -> memref<10240x128xf32, #tpu.memory_space<hbm>>
      tpu.enqueue_indirect_dma source(%dma_start3A_50 : memref<10240x128xf32, #tpu.memory_space<hbm>>) target(%arg8 : memref<128x128xf32, #tpu.memory_space<vmem>>) offsets(%dma_start3A_47 : memref<128xi32, #tpu.memory_space<vmem>>) semaphore(%arg11 : memref<!tpu.dma_semaphore, #tpu.memory_space<semaphore_mem>>)
      %scan3A_51 = arith.constant 0 : i32
      %scan3A_52 = arith.constant 10 : i32
      %scan3A_53 = arith.addi %scan3A_51, %scan3A_52 : i32
      %scan3A_54 = arith.constant 1 : i32
      scf.for %scan3A_56 = %scan3A_51 to %scan3A_53 step %scan3A_54  : i32 {
        %mul3A_57 = arith.constant 2 : i32
        %mul3A_58 = arith.muli %scan3A_56, %mul3A_57 : i32
        %add3A_59 = arith.constant 0 : i32
        %add3A_60 = arith.addi %add3A_59, %mul3A_58 : i32
        "tpu.trace_start"() <{level = 10 : i32, message = "chunk_pair"}> : () -> ()
        %dma_wait3A = arith.constant 0 : i32
        %dma_wait3A_61 = tpu.memref_slice %arg6[%add3A_60, %dma_wait3A] : memref<20x128xi32, #tpu.memory_space<vmem>> -> memref<1x128xi32, #tpu.memory_space<vmem>>
        %dma_wait3A_62 = tpu.memref_squeeze %dma_wait3A_61 : memref<1x128xi32, #tpu.memory_space<vmem>> -> memref<128xi32, #tpu.memory_space<vmem>>
        %dma_wait3A_63 = arith.constant 0 : i32
        %dma_wait3A_64 = arith.constant 0 : i32
        %dma_wait3A_65 = tpu.memref_slice %arg2[%dma_wait3A_63, %dma_wait3A_64] : memref<10240x128xf32, #tpu.memory_space<hbm>> -> memref<10240x128xf32, #tpu.memory_space<hbm>>
        tpu.wait_indirect_dma semaphore(%arg11 : memref<!tpu.dma_semaphore, #tpu.memory_space<semaphore_mem>>) src(%dma_wait3A_65 : memref<10240x128xf32, #tpu.memory_space<hbm>>) dst(%arg8 : memref<128x128xf32, #tpu.memory_space<vmem>>)
        %add3A_66 = arith.constant 1 : i32
        %add3A_67 = arith.addi %add3A_60, %add3A_66 : i32
        %dma_start3A_68 = arith.constant 0 : i32
        %dma_start3A_69 = tpu.memref_slice %arg6[%add3A_67, %dma_start3A_68] : memref<20x128xi32, #tpu.memory_space<vmem>> -> memref<1x128xi32, #tpu.memory_space<vmem>>
        %dma_start3A_70 = tpu.memref_squeeze %dma_start3A_69 : memref<1x128xi32, #tpu.memory_space<vmem>> -> memref<128xi32, #tpu.memory_space<vmem>>
        %dma_start3A_71 = arith.constant 0 : i32
        %dma_start3A_72 = arith.constant 0 : i32
        %dma_start3A_73 = tpu.memref_slice %arg2[%dma_start3A_71, %dma_start3A_72] : memref<10240x128xf32, #tpu.memory_space<hbm>> -> memref<10240x128xf32, #tpu.memory_space<hbm>>
        tpu.enqueue_indirect_dma source(%dma_start3A_73 : memref<10240x128xf32, #tpu.memory_space<hbm>>) target(%arg9 : memref<128x128xf32, #tpu.memory_space<vmem>>) offsets(%dma_start3A_70 : memref<128xi32, #tpu.memory_space<vmem>>) semaphore(%arg11 : memref<!tpu.dma_semaphore, #tpu.memory_space<semaphore_mem>>)
        "tpu.region"() ({
          %run_scoped3A = tpu.sem_alloc : memref<!tpu.dma_semaphore, #tpu.memory_space<semaphore_mem>>
          %dma_start3A_88 = arith.constant 0 : i32
          %dma_start3A_89 = tpu.memref_slice %arg7[%add3A_60, %dma_start3A_88] : memref<20x128xi32, #tpu.memory_space<vmem>> -> memref<1x128xi32, #tpu.memory_space<vmem>>
          %dma_start3A_90 = tpu.memref_squeeze %dma_start3A_89 : memref<1x128xi32, #tpu.memory_space<vmem>> -> memref<128xi32, #tpu.memory_space<vmem>>
          %dma_start3A_91 = arith.constant 0 : i32
          %dma_start3A_92 = arith.constant 0 : i32
          %dma_start3A_93 = tpu.memref_slice %arg10[%dma_start3A_91, %dma_start3A_92] : memref<10240x128xf32, #tpu.memory_space<vmem_shared>> -> memref<10240x128xf32, #tpu.memory_space<vmem_shared>>
          tpu.enqueue_indirect_dma source(%arg8 : memref<128x128xf32, #tpu.memory_space<vmem>>) target(%dma_start3A_93 : memref<10240x128xf32, #tpu.memory_space<vmem_shared>>) offsets(%dma_start3A_90 : memref<128xi32, #tpu.memory_space<vmem>>) semaphore(%run_scoped3A : memref<!tpu.dma_semaphore, #tpu.memory_space<semaphore_mem>>) {add = true}
          %dma_wait3A_94 = arith.constant 0 : i32
          %dma_wait3A_95 = tpu.memref_slice %arg7[%add3A_60, %dma_wait3A_94] : memref<20x128xi32, #tpu.memory_space<vmem>> -> memref<1x128xi32, #tpu.memory_space<vmem>>
          %dma_wait3A_96 = tpu.memref_squeeze %dma_wait3A_95 : memref<1x128xi32, #tpu.memory_space<vmem>> -> memref<128xi32, #tpu.memory_space<vmem>>
          %dma_wait3A_97 = arith.constant 0 : i32
          %dma_wait3A_98 = arith.constant 0 : i32
          %dma_wait3A_99 = tpu.memref_slice %arg10[%dma_wait3A_97, %dma_wait3A_98] : memref<10240x128xf32, #tpu.memory_space<vmem_shared>> -> memref<10240x128xf32, #tpu.memory_space<vmem_shared>>
          tpu.wait_indirect_dma semaphore(%run_scoped3A : memref<!tpu.dma_semaphore, #tpu.memory_space<semaphore_mem>>) src(%arg8 : memref<128x128xf32, #tpu.memory_space<vmem>>) dst(%dma_wait3A_99 : memref<10240x128xf32, #tpu.memory_space<vmem_shared>>)
          tpu.yield
        }) : () -> ()
        %add3A_74 = arith.constant 1 : i32
        %add3A_75 = arith.addi %add3A_60, %add3A_74 : i32
        %dma_wait3A_76 = arith.constant 0 : i32
        %dma_wait3A_77 = tpu.memref_slice %arg6[%add3A_75, %dma_wait3A_76] : memref<20x128xi32, #tpu.memory_space<vmem>> -> memref<1x128xi32, #tpu.memory_space<vmem>>
        %dma_wait3A_78 = tpu.memref_squeeze %dma_wait3A_77 : memref<1x128xi32, #tpu.memory_space<vmem>> -> memref<128xi32, #tpu.memory_space<vmem>>
        %dma_wait3A_79 = arith.constant 0 : i32
        %dma_wait3A_80 = arith.constant 0 : i32
        %dma_wait3A_81 = tpu.memref_slice %arg2[%dma_wait3A_79, %dma_wait3A_80] : memref<10240x128xf32, #tpu.memory_space<hbm>> -> memref<10240x128xf32, #tpu.memory_space<hbm>>
        tpu.wait_indirect_dma semaphore(%arg11 : memref<!tpu.dma_semaphore, #tpu.memory_space<semaphore_mem>>) src(%dma_wait3A_81 : memref<10240x128xf32, #tpu.memory_space<hbm>>) dst(%arg9 : memref<128x128xf32, #tpu.memory_space<vmem>>)
        %add3A_82 = arith.constant 2 : i32
        %add3A_83 = arith.addi %add3A_60, %add3A_82 : i32
        %lt3A = arith.constant 20 : i32
        %lt3A_84 = arith.cmpi slt, %add3A_83, %lt3A : i32
        %convert_element_type3A = arith.extui %lt3A_84 : i1 to i32
        %cond3A = arith.constant 0 : i32
        %cond3A_85 = arith.cmpi ne, %convert_element_type3A, %cond3A : i32
        scf.if %cond3A_85 {
          %add3A_88 = arith.constant 2 : i32
          %add3A_89 = arith.addi %add3A_60, %add3A_88 : i32
          %dma_start3A_90 = arith.constant 0 : i32
          %dma_start3A_91 = tpu.memref_slice %arg6[%add3A_89, %dma_start3A_90] : memref<20x128xi32, #tpu.memory_space<vmem>> -> memref<1x128xi32, #tpu.memory_space<vmem>>
          %dma_start3A_92 = tpu.memref_squeeze %dma_start3A_91 : memref<1x128xi32, #tpu.memory_space<vmem>> -> memref<128xi32, #tpu.memory_space<vmem>>
          %dma_start3A_93 = arith.constant 0 : i32
          %dma_start3A_94 = arith.constant 0 : i32
          %dma_start3A_95 = tpu.memref_slice %arg2[%dma_start3A_93, %dma_start3A_94] : memref<10240x128xf32, #tpu.memory_space<hbm>> -> memref<10240x128xf32, #tpu.memory_space<hbm>>
          tpu.enqueue_indirect_dma source(%dma_start3A_95 : memref<10240x128xf32, #tpu.memory_space<hbm>>) target(%arg8 : memref<128x128xf32, #tpu.memory_space<vmem>>) offsets(%dma_start3A_92 : memref<128xi32, #tpu.memory_space<vmem>>) semaphore(%arg11 : memref<!tpu.dma_semaphore, #tpu.memory_space<semaphore_mem>>)
        } else {
        }
        %add3A_86 = arith.constant 1 : i32
        %add3A_87 = arith.addi %add3A_60, %add3A_86 : i32
        "tpu.region"() ({
          %run_scoped3A = tpu.sem_alloc : memref<!tpu.dma_semaphore, #tpu.memory_space<semaphore_mem>>
          %dma_start3A_88 = arith.constant 0 : i32
          %dma_start3A_89 = tpu.memref_slice %arg7[%add3A_87, %dma_start3A_88] : memref<20x128xi32, #tpu.memory_space<vmem>> -> memref<1x128xi32, #tpu.memory_space<vmem>>
          %dma_start3A_90 = tpu.memref_squeeze %dma_start3A_89 : memref<1x128xi32, #tpu.memory_space<vmem>> -> memref<128xi32, #tpu.memory_space<vmem>>
          %dma_start3A_91 = arith.constant 0 : i32
          %dma_start3A_92 = arith.constant 0 : i32
          %dma_start3A_93 = tpu.memref_slice %arg10[%dma_start3A_91, %dma_start3A_92] : memref<10240x128xf32, #tpu.memory_space<vmem_shared>> -> memref<10240x128xf32, #tpu.memory_space<vmem_shared>>
          tpu.enqueue_indirect_dma source(%arg9 : memref<128x128xf32, #tpu.memory_space<vmem>>) target(%dma_start3A_93 : memref<10240x128xf32, #tpu.memory_space<vmem_shared>>) offsets(%dma_start3A_90 : memref<128xi32, #tpu.memory_space<vmem>>) semaphore(%run_scoped3A : memref<!tpu.dma_semaphore, #tpu.memory_space<semaphore_mem>>) {add = true}
          %dma_wait3A_94 = arith.constant 0 : i32
          %dma_wait3A_95 = tpu.memref_slice %arg7[%add3A_87, %dma_wait3A_94] : memref<20x128xi32, #tpu.memory_space<vmem>> -> memref<1x128xi32, #tpu.memory_space<vmem>>
          %dma_wait3A_96 = tpu.memref_squeeze %dma_wait3A_95 : memref<1x128xi32, #tpu.memory_space<vmem>> -> memref<128xi32, #tpu.memory_space<vmem>>
          %dma_wait3A_97 = arith.constant 0 : i32
          %dma_wait3A_98 = arith.constant 0 : i32
          %dma_wait3A_99 = tpu.memref_slice %arg10[%dma_wait3A_97, %dma_wait3A_98] : memref<10240x128xf32, #tpu.memory_space<vmem_shared>> -> memref<10240x128xf32, #tpu.memory_space<vmem_shared>>
          tpu.wait_indirect_dma semaphore(%run_scoped3A : memref<!tpu.dma_semaphore, #tpu.memory_space<semaphore_mem>>) src(%arg9 : memref<128x128xf32, #tpu.memory_space<vmem>>) dst(%dma_wait3A_99 : memref<10240x128xf32, #tpu.memory_space<vmem_shared>>)
          tpu.yield
        }) : () -> ()
        "tpu.trace_stop"() : () -> ()
      }
      %scan3A_55 = arith.constant 10 : i32
    }
    "tpu.trace_start"() <{level = 10 : i32, message = "barrier1"}> : () -> ()
    %barrier3A_35 = arith.constant 0 : index
    tpu.barrier barrier_id(%barrier3A_35)
    "tpu.trace_stop"() : () -> ()
    "tpu.trace_start"() <{level = 10 : i32, message = "writeout"}> : () -> ()
    %mul3A_36 = arith.constant 640 : i32
    %mul3A_37 = arith.muli %arg1, %mul3A_36 : i32
    %mul3A_38 = arith.constant 640 : i32
    %mul3A_39 = arith.muli %arg1, %mul3A_38 : i32
    "tpu.region"() ({
      %run_scoped3A = tpu.sem_alloc : memref<!tpu.dma_semaphore, #tpu.memory_space<semaphore_mem>>
      %dma_start3A = arith.constant 0 : i32
      %dma_start3A_40 = tpu.memref_slice %arg5[%arg0, %mul3A_39, %dma_start3A] : memref<2x10240x128xf32, #tpu.memory_space<hbm>> -> memref<1x640x128xf32, #tpu.memory_space<hbm>>
      %dma_start3A_41 = tpu.memref_squeeze %dma_start3A_40 : memref<1x640x128xf32, #tpu.memory_space<hbm>> -> memref<640x128xf32, #tpu.memory_space<hbm>>
      %dma_start3A_42 = arith.constant 0 : i32
      %dma_start3A_43 = tpu.memref_slice %arg10[%mul3A_37, %dma_start3A_42] : memref<10240x128xf32, #tpu.memory_space<vmem_shared>> -> memref<640x128xf32, #tpu.memory_space<vmem_shared>>
      tpu.enqueue_dma source(%dma_start3A_43 : memref<640x128xf32, #tpu.memory_space<vmem_shared>>) target(%dma_start3A_41 : memref<640x128xf32, #tpu.memory_space<hbm>>) target_semaphore(%run_scoped3A : memref<!tpu.dma_semaphore, #tpu.memory_space<semaphore_mem>>)
      %dma_wait3A = arith.constant 0 : i32
      %dma_wait3A_44 = tpu.memref_slice %arg5[%arg0, %mul3A_39, %dma_wait3A] : memref<2x10240x128xf32, #tpu.memory_space<hbm>> -> memref<1x640x128xf32, #tpu.memory_space<hbm>>
      %dma_wait3A_45 = tpu.memref_squeeze %dma_wait3A_44 : memref<1x640x128xf32, #tpu.memory_space<hbm>> -> memref<640x128xf32, #tpu.memory_space<hbm>>
      %dma_wait3A_46 = arith.constant 0 : i32
      %dma_wait3A_47 = tpu.memref_slice %arg10[%mul3A_37, %dma_wait3A_46] : memref<10240x128xf32, #tpu.memory_space<vmem_shared>> -> memref<640x128xf32, #tpu.memory_space<vmem_shared>>
      tpu.wait_dma2 semaphore(%run_scoped3A : memref<!tpu.dma_semaphore, #tpu.memory_space<semaphore_mem>>) src(%dma_wait3A_47 : memref<640x128xf32, #tpu.memory_space<vmem_shared>>) dst(%dma_wait3A_45 : memref<640x128xf32, #tpu.memory_space<hbm>>)
      tpu.yield
    }) : () -> ()
    "tpu.trace_stop"() : () -> ()
    return
  }
}

#map = affine_map<(d0, d1) -> (0, 0)>
#map1 = affine_map<(d0, d1) -> (0, 0, 0)>
module attributes {stable_mosaic.version = 14 : i64} {
  func.func @edge_k(%arg0: i32, %arg1: i32, %arg2: memref<10240x128xf32, #tpu.memory_space<hbm>>, %arg3: memref<128x20x128xi32, #tpu.memory_space<hbm>>, %arg4: memref<128x20x128xi32, #tpu.memory_space<hbm>>, %arg5: memref<2x10240x128xf32, #tpu.memory_space<hbm>>, %arg6: memref<20x128xi32, #tpu.memory_space<vmem>>, %arg7: memref<20x128xi32, #tpu.memory_space<vmem>>, %arg8: memref<128x128xf32, #tpu.memory_space<vmem>>, %arg9: memref<128x128xf32, #tpu.memory_space<vmem>>, %arg10: memref<10240x128xf32, #tpu.memory_space<vmem_shared>>, %arg11: memref<!tpu.dma_semaphore, #tpu.memory_space<semaphore_mem>>) attributes {dimension_semantics = [#tpu.dimension_semantics<core_parallel>, #tpu.dimension_semantics<subcore_parallel>], iteration_bounds = array<i64: 2, 16>, scalar_prefetch = 0 : i64, scratch_operands = 6 : i64, tpu.core_type = #tpu.core_type<sc_vector_subcore>, window_params = [{transform_indices = #map}, {transform_indices = #map1}, {transform_indices = #map1}, {transform_indices = #map1}]} {
    %eq3A = arith.constant 0 : i32
    %eq3A_0 = arith.cmpi eq, %arg0, %eq3A : i32
    %jit3A = arith.constant 4 : i32
    %jit3A_1 = arith.constant 4 : i32
    %select_n3A = arith.select %eq3A_0, %jit3A, %jit3A_1 : i32
    %eq3A_2 = arith.constant 0 : i32
    %eq3A_3 = arith.cmpi eq, %arg0, %eq3A_2 : i32
    %mul3A = arith.constant 4 : i32
    %mul3A_4 = arith.muli %arg1, %mul3A : i32
    %mul3A_5 = arith.constant 4 : i32
    %mul3A_6 = arith.muli %arg1, %mul3A_5 : i32
    %add3A = arith.constant 64 : i32
    %add3A_7 = arith.addi %add3A, %mul3A_6 : i32
    %select_n3A_8 = arith.select %eq3A_3, %mul3A_4, %add3A_7 : i32
    %broadcast_in_dim3A = arith.constant 0.000000e+00 : f32
    "tpu.trace_start"() <{level = 10 : i32, message = "zero_fill"}> : () -> ()
    %broadcast_in_dim3A_9 = vector.broadcast %broadcast_in_dim3A : f32 to vector<16xf32>
    %scan3A = arith.constant 0 : i32
    %scan3A_10 = arith.constant 128 : i32
    %scan3A_11 = arith.addi %scan3A, %scan3A_10 : i32
    %scan3A_12 = arith.constant 1 : i32
    scf.for %scan3A_40 = %scan3A to %scan3A_11 step %scan3A_12  : i32 {
      %mul3A_41 = arith.constant 1 : i32
      %mul3A_42 = arith.muli %scan3A_40, %mul3A_41 : i32
      %add3A_43 = arith.constant 0 : i32
      %add3A_44 = arith.addi %add3A_43, %mul3A_42 : i32
      %scan3A_45 = arith.constant 0 : i32
      %scan3A_46 = arith.constant 8 : i32
      %scan3A_47 = arith.addi %scan3A_45, %scan3A_46 : i32
      %scan3A_48 = arith.constant 1 : i32
      scf.for %scan3A_50 = %scan3A_45 to %scan3A_47 step %scan3A_48  : i32 {
        %mul3A_51 = arith.constant 16 : i32
        %mul3A_52 = arith.muli %scan3A_50, %mul3A_51 : i32
        %add3A_53 = arith.constant 0 : i32
        %add3A_54 = arith.addi %add3A_53, %mul3A_52 : i32
        %swap3A = arith.index_cast %add3A_44 : i32 to index
        %swap3A_55 = arith.index_cast %add3A_54 : i32 to index
        %swap3A_56 = tpu.vector_load %arg8[%swap3A, %swap3A_55] {strides = array<i32>} : memref<128x128xf32, #tpu.memory_space<vmem>>, vector<1x16xf32>,
        %swap3A_57 = vector.shape_cast %swap3A_56 : vector<1x16xf32> to vector<16xf32>
        %swap3A_58 = vector.shape_cast %broadcast_in_dim3A_9 : vector<16xf32> to vector<1x16xf32>
        tpu.vector_store %arg8[%swap3A, %swap3A_55], %swap3A_58 {strides = array<i32>} : memref<128x128xf32, #tpu.memory_space<vmem>>, vector<1x16xf32>,
      }
      %scan3A_49 = arith.constant 8 : i32
    }
    %scan3A_13 = arith.constant 128 : i32
    "tpu.trace_stop"() : () -> ()
    "tpu.trace_start"() <{level = 10 : i32, message = "zero_spread"}> : () -> ()
    %scan3A_14 = arith.constant 0 : i32
    %scan3A_15 = arith.constant 5 : i32
    %scan3A_16 = arith.addi %scan3A_14, %scan3A_15 : i32
    %scan3A_17 = arith.constant 1 : i32
    scf.for %scan3A_40 = %scan3A_14 to %scan3A_16 step %scan3A_17  : i32 {
      %mul3A_41 = arith.constant 1 : i32
      %mul3A_42 = arith.muli %scan3A_40, %mul3A_41 : i32
      %add3A_43 = arith.constant 0 : i32
      %add3A_44 = arith.addi %add3A_43, %mul3A_42 : i32
      %mul3A_45 = arith.constant 640 : i32
      %mul3A_46 = arith.muli %arg1, %mul3A_45 : i32
      %mul3A_47 = arith.constant 128 : i32
      %mul3A_48 = arith.muli %add3A_44, %mul3A_47 : i32
      %add3A_49 = arith.addi %mul3A_46, %mul3A_48 : i32
      "tpu.region"() ({
        %run_scoped3A = tpu.sem_alloc : memref<!tpu.dma_semaphore, #tpu.memory_space<semaphore_mem>>
        %dma_start3A = arith.constant 0 : i32
        %dma_start3A_50 = tpu.memref_slice %arg10[%add3A_49, %dma_start3A] : memref<10240x128xf32, #tpu.memory_space<vmem_shared>> -> memref<128x128xf32, #tpu.memory_space<vmem_shared>>
        %dma_start3A_51 = arith.constant 0 : i32
        %dma_start3A_52 = tpu.memref_slice %arg10[%add3A_49, %dma_start3A_51] : memref<10240x128xf32, #tpu.memory_space<vmem_shared>> -> memref<128x128xf32, #tpu.memory_space<vmem_shared>>
        tpu.enqueue_dma source(%arg8 : memref<128x128xf32, #tpu.memory_space<vmem>>) target(%dma_start3A_52 : memref<128x128xf32, #tpu.memory_space<vmem_shared>>) target_semaphore(%run_scoped3A : memref<!tpu.dma_semaphore, #tpu.memory_space<semaphore_mem>>)
        %dma_wait3A = arith.constant 0 : i32
        %dma_wait3A_53 = tpu.memref_slice %arg10[%add3A_49, %dma_wait3A] : memref<10240x128xf32, #tpu.memory_space<vmem_shared>> -> memref<128x128xf32, #tpu.memory_space<vmem_shared>>
        %dma_wait3A_54 = arith.constant 0 : i32
        %dma_wait3A_55 = tpu.memref_slice %arg10[%add3A_49, %dma_wait3A_54] : memref<10240x128xf32, #tpu.memory_space<vmem_shared>> -> memref<128x128xf32, #tpu.memory_space<vmem_shared>>
        tpu.wait_dma2 semaphore(%run_scoped3A : memref<!tpu.dma_semaphore, #tpu.memory_space<semaphore_mem>>) src(%arg8 : memref<128x128xf32, #tpu.memory_space<vmem>>) dst(%dma_wait3A_55 : memref<128x128xf32, #tpu.memory_space<vmem_shared>>)
        tpu.yield
      }) : () -> ()
    }
    %scan3A_18 = arith.constant 5 : i32
    "tpu.trace_stop"() : () -> ()
    "tpu.trace_start"() <{level = 10 : i32, message = "barrier0"}> : () -> ()
    %barrier3A = arith.constant 0 : index
    tpu.barrier barrier_id(%barrier3A)
    "tpu.trace_stop"() : () -> ()
    %sub3A = arith.constant 0 : i32
    %sub3A_19 = arith.subi %select_n3A, %sub3A : i32
    %sub3A_20 = arith.constant 1 : i32
    %sub3A_21 = arith.constant 1 : i32
    %sub3A_22 = arith.subi %sub3A_20, %sub3A_21 : i32
    %add3A_23 = arith.addi %sub3A_19, %sub3A_22 : i32
    %div3A = arith.constant 1 : i32
    %div3A_24 = arith.divsi %add3A_23, %div3A : i32
    %while3A = arith.constant 1 : i32
    %while3A_25 = arith.constant 0 : i32
    %while3A_26 = arith.constant 0 : i32
    %while3A_27 = arith.subi %div3A_24, %while3A_26 : i32
    %while3A_28 = arith.addi %while3A_26, %while3A_27 : i32
    %while3A_29 = arith.constant 1 : i32
    %while3A_30 = arith.divsi %while3A_27, %while3A_29 : i32
    %while3A_31 = arith.muli %while3A_30, %while3A_29 : i32
    %while3A_32 = arith.addi %while3A_26, %while3A_31 : i32
    %while3A_33 = arith.constant 1 : i32
    scf.for %while3A_40 = %while3A_26 to %while3A_32 step %while3A_33  : i32 {
      %mul3A_41 = arith.muli %while3A_40, %while3A : i32
      %add3A_42 = arith.addi %while3A_25, %mul3A_41 : i32
      "tpu.trace_start"() <{level = 10 : i32, message = "idx_load"}> : () -> ()
      %add3A_43 = arith.addi %select_n3A_8, %add3A_42 : i32
      "tpu.region"() ({
        %run_scoped3A = tpu.sem_alloc : memref<!tpu.dma_semaphore, #tpu.memory_space<semaphore_mem>>
        %dma_start3A_56 = arith.constant 0 : i32
        %dma_start3A_57 = arith.constant 0 : i32
        %dma_start3A_58 = tpu.memref_slice %arg3[%add3A_43, %dma_start3A_56, %dma_start3A_57] : memref<128x20x128xi32, #tpu.memory_space<hbm>> -> memref<1x20x128xi32, #tpu.memory_space<hbm>>
        %dma_start3A_59 = tpu.memref_squeeze %dma_start3A_58 : memref<1x20x128xi32, #tpu.memory_space<hbm>> -> memref<20x128xi32, #tpu.memory_space<hbm>>
        %dma_start3A_60 = arith.constant 0 : i32
        %dma_start3A_61 = arith.constant 0 : i32
        %dma_start3A_62 = tpu.memref_slice %arg3[%add3A_43, %dma_start3A_60, %dma_start3A_61] : memref<128x20x128xi32, #tpu.memory_space<hbm>> -> memref<1x20x128xi32, #tpu.memory_space<hbm>>
        %dma_start3A_63 = tpu.memref_squeeze %dma_start3A_62 : memref<1x20x128xi32, #tpu.memory_space<hbm>> -> memref<20x128xi32, #tpu.memory_space<hbm>>
        tpu.enqueue_dma source(%dma_start3A_63 : memref<20x128xi32, #tpu.memory_space<hbm>>) target(%arg6 : memref<20x128xi32, #tpu.memory_space<vmem>>) target_semaphore(%run_scoped3A : memref<!tpu.dma_semaphore, #tpu.memory_space<semaphore_mem>>)
        %dma_wait3A = arith.constant 0 : i32
        %dma_wait3A_64 = arith.constant 0 : i32
        %dma_wait3A_65 = tpu.memref_slice %arg3[%add3A_43, %dma_wait3A, %dma_wait3A_64] : memref<128x20x128xi32, #tpu.memory_space<hbm>> -> memref<1x20x128xi32, #tpu.memory_space<hbm>>
        %dma_wait3A_66 = tpu.memref_squeeze %dma_wait3A_65 : memref<1x20x128xi32, #tpu.memory_space<hbm>> -> memref<20x128xi32, #tpu.memory_space<hbm>>
        %dma_wait3A_67 = arith.constant 0 : i32
        %dma_wait3A_68 = arith.constant 0 : i32
        %dma_wait3A_69 = tpu.memref_slice %arg3[%add3A_43, %dma_wait3A_67, %dma_wait3A_68] : memref<128x20x128xi32, #tpu.memory_space<hbm>> -> memref<1x20x128xi32, #tpu.memory_space<hbm>>
        %dma_wait3A_70 = tpu.memref_squeeze %dma_wait3A_69 : memref<1x20x128xi32, #tpu.memory_space<hbm>> -> memref<20x128xi32, #tpu.memory_space<hbm>>
        tpu.wait_dma2 semaphore(%run_scoped3A : memref<!tpu.dma_semaphore, #tpu.memory_space<semaphore_mem>>) src(%dma_wait3A_70 : memref<20x128xi32, #tpu.memory_space<hbm>>) dst(%arg6 : memref<20x128xi32, #tpu.memory_space<vmem>>)
        tpu.yield
      }) : () -> ()
      %add3A_44 = arith.addi %select_n3A_8, %add3A_42 : i32
      "tpu.region"() ({
        %run_scoped3A = tpu.sem_alloc : memref<!tpu.dma_semaphore, #tpu.memory_space<semaphore_mem>>
        %dma_start3A_56 = arith.constant 0 : i32
        %dma_start3A_57 = arith.constant 0 : i32
        %dma_start3A_58 = tpu.memref_slice %arg4[%add3A_44, %dma_start3A_56, %dma_start3A_57] : memref<128x20x128xi32, #tpu.memory_space<hbm>> -> memref<1x20x128xi32, #tpu.memory_space<hbm>>
        %dma_start3A_59 = tpu.memref_squeeze %dma_start3A_58 : memref<1x20x128xi32, #tpu.memory_space<hbm>> -> memref<20x128xi32, #tpu.memory_space<hbm>>
        %dma_start3A_60 = arith.constant 0 : i32
        %dma_start3A_61 = arith.constant 0 : i32
        %dma_start3A_62 = tpu.memref_slice %arg4[%add3A_44, %dma_start3A_60, %dma_start3A_61] : memref<128x20x128xi32, #tpu.memory_space<hbm>> -> memref<1x20x128xi32, #tpu.memory_space<hbm>>
        %dma_start3A_63 = tpu.memref_squeeze %dma_start3A_62 : memref<1x20x128xi32, #tpu.memory_space<hbm>> -> memref<20x128xi32, #tpu.memory_space<hbm>>
        tpu.enqueue_dma source(%dma_start3A_63 : memref<20x128xi32, #tpu.memory_space<hbm>>) target(%arg7 : memref<20x128xi32, #tpu.memory_space<vmem>>) target_semaphore(%run_scoped3A : memref<!tpu.dma_semaphore, #tpu.memory_space<semaphore_mem>>)
        %dma_wait3A = arith.constant 0 : i32
        %dma_wait3A_64 = arith.constant 0 : i32
        %dma_wait3A_65 = tpu.memref_slice %arg4[%add3A_44, %dma_wait3A, %dma_wait3A_64] : memref<128x20x128xi32, #tpu.memory_space<hbm>> -> memref<1x20x128xi32, #tpu.memory_space<hbm>>
        %dma_wait3A_66 = tpu.memref_squeeze %dma_wait3A_65 : memref<1x20x128xi32, #tpu.memory_space<hbm>> -> memref<20x128xi32, #tpu.memory_space<hbm>>
        %dma_wait3A_67 = arith.constant 0 : i32
        %dma_wait3A_68 = arith.constant 0 : i32
        %dma_wait3A_69 = tpu.memref_slice %arg4[%add3A_44, %dma_wait3A_67, %dma_wait3A_68] : memref<128x20x128xi32, #tpu.memory_space<hbm>> -> memref<1x20x128xi32, #tpu.memory_space<hbm>>
        %dma_wait3A_70 = tpu.memref_squeeze %dma_wait3A_69 : memref<1x20x128xi32, #tpu.memory_space<hbm>> -> memref<20x128xi32, #tpu.memory_space<hbm>>
        tpu.wait_dma2 semaphore(%run_scoped3A : memref<!tpu.dma_semaphore, #tpu.memory_space<semaphore_mem>>) src(%dma_wait3A_70 : memref<20x128xi32, #tpu.memory_space<hbm>>) dst(%arg7 : memref<20x128xi32, #tpu.memory_space<vmem>>)
        tpu.yield
      }) : () -> ()
      %dma_start3A = arith.constant 0 : i32
      "tpu.trace_stop"() : () -> ()
      %dma_start3A_45 = arith.constant 0 : i32
      %dma_start3A_46 = tpu.memref_slice %arg6[%dma_start3A, %dma_start3A_45] : memref<20x128xi32, #tpu.memory_space<vmem>> -> memref<1x128xi32, #tpu.memory_space<vmem>>
      %dma_start3A_47 = tpu.memref_squeeze %dma_start3A_46 : memref<1x128xi32, #tpu.memory_space<vmem>> -> memref<128xi32, #tpu.memory_space<vmem>>
      %dma_start3A_48 = arith.constant 0 : i32
      %dma_start3A_49 = arith.constant 0 : i32
      %dma_start3A_50 = tpu.memref_slice %arg2[%dma_start3A_48, %dma_start3A_49] : memref<10240x128xf32, #tpu.memory_space<hbm>> -> memref<10240x128xf32, #tpu.memory_space<hbm>>
      tpu.enqueue_indirect_dma source(%dma_start3A_50 : memref<10240x128xf32, #tpu.memory_space<hbm>>) target(%arg8 : memref<128x128xf32, #tpu.memory_space<vmem>>) offsets(%dma_start3A_47 : memref<128xi32, #tpu.memory_space<vmem>>) semaphore(%arg11 : memref<!tpu.dma_semaphore, #tpu.memory_space<semaphore_mem>>)
      %scan3A_51 = arith.constant 0 : i32
      %scan3A_52 = arith.constant 10 : i32
      %scan3A_53 = arith.addi %scan3A_51, %scan3A_52 : i32
      %scan3A_54 = arith.constant 1 : i32
      scf.for %scan3A_56 = %scan3A_51 to %scan3A_53 step %scan3A_54  : i32 {
        %mul3A_57 = arith.constant 2 : i32
        %mul3A_58 = arith.muli %scan3A_56, %mul3A_57 : i32
        %add3A_59 = arith.constant 0 : i32
        %add3A_60 = arith.addi %add3A_59, %mul3A_58 : i32
        "tpu.trace_start"() <{level = 10 : i32, message = "chunk_pair"}> : () -> ()
        %dma_wait3A = arith.constant 0 : i32
        %dma_wait3A_61 = tpu.memref_slice %arg6[%add3A_60, %dma_wait3A] : memref<20x128xi32, #tpu.memory_space<vmem>> -> memref<1x128xi32, #tpu.memory_space<vmem>>
        %dma_wait3A_62 = tpu.memref_squeeze %dma_wait3A_61 : memref<1x128xi32, #tpu.memory_space<vmem>> -> memref<128xi32, #tpu.memory_space<vmem>>
        %dma_wait3A_63 = arith.constant 0 : i32
        %dma_wait3A_64 = arith.constant 0 : i32
        %dma_wait3A_65 = tpu.memref_slice %arg2[%dma_wait3A_63, %dma_wait3A_64] : memref<10240x128xf32, #tpu.memory_space<hbm>> -> memref<10240x128xf32, #tpu.memory_space<hbm>>
        tpu.wait_indirect_dma semaphore(%arg11 : memref<!tpu.dma_semaphore, #tpu.memory_space<semaphore_mem>>) src(%dma_wait3A_65 : memref<10240x128xf32, #tpu.memory_space<hbm>>) dst(%arg8 : memref<128x128xf32, #tpu.memory_space<vmem>>)
        %add3A_66 = arith.constant 1 : i32
        %add3A_67 = arith.addi %add3A_60, %add3A_66 : i32
        %dma_start3A_68 = arith.constant 0 : i32
        %dma_start3A_69 = tpu.memref_slice %arg6[%add3A_67, %dma_start3A_68] : memref<20x128xi32, #tpu.memory_space<vmem>> -> memref<1x128xi32, #tpu.memory_space<vmem>>
        %dma_start3A_70 = tpu.memref_squeeze %dma_start3A_69 : memref<1x128xi32, #tpu.memory_space<vmem>> -> memref<128xi32, #tpu.memory_space<vmem>>
        %dma_start3A_71 = arith.constant 0 : i32
        %dma_start3A_72 = arith.constant 0 : i32
        %dma_start3A_73 = tpu.memref_slice %arg2[%dma_start3A_71, %dma_start3A_72] : memref<10240x128xf32, #tpu.memory_space<hbm>> -> memref<10240x128xf32, #tpu.memory_space<hbm>>
        tpu.enqueue_indirect_dma source(%dma_start3A_73 : memref<10240x128xf32, #tpu.memory_space<hbm>>) target(%arg9 : memref<128x128xf32, #tpu.memory_space<vmem>>) offsets(%dma_start3A_70 : memref<128xi32, #tpu.memory_space<vmem>>) semaphore(%arg11 : memref<!tpu.dma_semaphore, #tpu.memory_space<semaphore_mem>>)
        "tpu.region"() ({
          %run_scoped3A = tpu.sem_alloc : memref<!tpu.dma_semaphore, #tpu.memory_space<semaphore_mem>>
          %dma_start3A_88 = arith.constant 0 : i32
          %dma_start3A_89 = tpu.memref_slice %arg7[%add3A_60, %dma_start3A_88] : memref<20x128xi32, #tpu.memory_space<vmem>> -> memref<1x128xi32, #tpu.memory_space<vmem>>
          %dma_start3A_90 = tpu.memref_squeeze %dma_start3A_89 : memref<1x128xi32, #tpu.memory_space<vmem>> -> memref<128xi32, #tpu.memory_space<vmem>>
          %dma_start3A_91 = arith.constant 0 : i32
          %dma_start3A_92 = arith.constant 0 : i32
          %dma_start3A_93 = tpu.memref_slice %arg10[%dma_start3A_91, %dma_start3A_92] : memref<10240x128xf32, #tpu.memory_space<vmem_shared>> -> memref<10240x128xf32, #tpu.memory_space<vmem_shared>>
          tpu.enqueue_indirect_dma source(%arg8 : memref<128x128xf32, #tpu.memory_space<vmem>>) target(%dma_start3A_93 : memref<10240x128xf32, #tpu.memory_space<vmem_shared>>) offsets(%dma_start3A_90 : memref<128xi32, #tpu.memory_space<vmem>>) semaphore(%run_scoped3A : memref<!tpu.dma_semaphore, #tpu.memory_space<semaphore_mem>>) {add = true}
          %dma_wait3A_94 = arith.constant 0 : i32
          %dma_wait3A_95 = tpu.memref_slice %arg7[%add3A_60, %dma_wait3A_94] : memref<20x128xi32, #tpu.memory_space<vmem>> -> memref<1x128xi32, #tpu.memory_space<vmem>>
          %dma_wait3A_96 = tpu.memref_squeeze %dma_wait3A_95 : memref<1x128xi32, #tpu.memory_space<vmem>> -> memref<128xi32, #tpu.memory_space<vmem>>
          %dma_wait3A_97 = arith.constant 0 : i32
          %dma_wait3A_98 = arith.constant 0 : i32
          %dma_wait3A_99 = tpu.memref_slice %arg10[%dma_wait3A_97, %dma_wait3A_98] : memref<10240x128xf32, #tpu.memory_space<vmem_shared>> -> memref<10240x128xf32, #tpu.memory_space<vmem_shared>>
          tpu.wait_indirect_dma semaphore(%run_scoped3A : memref<!tpu.dma_semaphore, #tpu.memory_space<semaphore_mem>>) src(%arg8 : memref<128x128xf32, #tpu.memory_space<vmem>>) dst(%dma_wait3A_99 : memref<10240x128xf32, #tpu.memory_space<vmem_shared>>)
          tpu.yield
        }) : () -> ()
        %add3A_74 = arith.constant 1 : i32
        %add3A_75 = arith.addi %add3A_60, %add3A_74 : i32
        %dma_wait3A_76 = arith.constant 0 : i32
        %dma_wait3A_77 = tpu.memref_slice %arg6[%add3A_75, %dma_wait3A_76] : memref<20x128xi32, #tpu.memory_space<vmem>> -> memref<1x128xi32, #tpu.memory_space<vmem>>
        %dma_wait3A_78 = tpu.memref_squeeze %dma_wait3A_77 : memref<1x128xi32, #tpu.memory_space<vmem>> -> memref<128xi32, #tpu.memory_space<vmem>>
        %dma_wait3A_79 = arith.constant 0 : i32
        %dma_wait3A_80 = arith.constant 0 : i32
        %dma_wait3A_81 = tpu.memref_slice %arg2[%dma_wait3A_79, %dma_wait3A_80] : memref<10240x128xf32, #tpu.memory_space<hbm>> -> memref<10240x128xf32, #tpu.memory_space<hbm>>
        tpu.wait_indirect_dma semaphore(%arg11 : memref<!tpu.dma_semaphore, #tpu.memory_space<semaphore_mem>>) src(%dma_wait3A_81 : memref<10240x128xf32, #tpu.memory_space<hbm>>) dst(%arg9 : memref<128x128xf32, #tpu.memory_space<vmem>>)
        %add3A_82 = arith.constant 2 : i32
        %add3A_83 = arith.addi %add3A_60, %add3A_82 : i32
        %lt3A = arith.constant 20 : i32
        %lt3A_84 = arith.cmpi slt, %add3A_83, %lt3A : i32
        %convert_element_type3A = arith.extui %lt3A_84 : i1 to i32
        %cond3A = arith.constant 0 : i32
        %cond3A_85 = arith.cmpi ne, %convert_element_type3A, %cond3A : i32
        scf.if %cond3A_85 {
          %add3A_88 = arith.constant 2 : i32
          %add3A_89 = arith.addi %add3A_60, %add3A_88 : i32
          %dma_start3A_90 = arith.constant 0 : i32
          %dma_start3A_91 = tpu.memref_slice %arg6[%add3A_89, %dma_start3A_90] : memref<20x128xi32, #tpu.memory_space<vmem>> -> memref<1x128xi32, #tpu.memory_space<vmem>>
          %dma_start3A_92 = tpu.memref_squeeze %dma_start3A_91 : memref<1x128xi32, #tpu.memory_space<vmem>> -> memref<128xi32, #tpu.memory_space<vmem>>
          %dma_start3A_93 = arith.constant 0 : i32
          %dma_start3A_94 = arith.constant 0 : i32
          %dma_start3A_95 = tpu.memref_slice %arg2[%dma_start3A_93, %dma_start3A_94] : memref<10240x128xf32, #tpu.memory_space<hbm>> -> memref<10240x128xf32, #tpu.memory_space<hbm>>
          tpu.enqueue_indirect_dma source(%dma_start3A_95 : memref<10240x128xf32, #tpu.memory_space<hbm>>) target(%arg8 : memref<128x128xf32, #tpu.memory_space<vmem>>) offsets(%dma_start3A_92 : memref<128xi32, #tpu.memory_space<vmem>>) semaphore(%arg11 : memref<!tpu.dma_semaphore, #tpu.memory_space<semaphore_mem>>)
        } else {
        }
        %add3A_86 = arith.constant 1 : i32
        %add3A_87 = arith.addi %add3A_60, %add3A_86 : i32
        "tpu.region"() ({
          %run_scoped3A = tpu.sem_alloc : memref<!tpu.dma_semaphore, #tpu.memory_space<semaphore_mem>>
          %dma_start3A_88 = arith.constant 0 : i32
          %dma_start3A_89 = tpu.memref_slice %arg7[%add3A_87, %dma_start3A_88] : memref<20x128xi32, #tpu.memory_space<vmem>> -> memref<1x128xi32, #tpu.memory_space<vmem>>
          %dma_start3A_90 = tpu.memref_squeeze %dma_start3A_89 : memref<1x128xi32, #tpu.memory_space<vmem>> -> memref<128xi32, #tpu.memory_space<vmem>>
          %dma_start3A_91 = arith.constant 0 : i32
          %dma_start3A_92 = arith.constant 0 : i32
          %dma_start3A_93 = tpu.memref_slice %arg10[%dma_start3A_91, %dma_start3A_92] : memref<10240x128xf32, #tpu.memory_space<vmem_shared>> -> memref<10240x128xf32, #tpu.memory_space<vmem_shared>>
          tpu.enqueue_indirect_dma source(%arg9 : memref<128x128xf32, #tpu.memory_space<vmem>>) target(%dma_start3A_93 : memref<10240x128xf32, #tpu.memory_space<vmem_shared>>) offsets(%dma_start3A_90 : memref<128xi32, #tpu.memory_space<vmem>>) semaphore(%run_scoped3A : memref<!tpu.dma_semaphore, #tpu.memory_space<semaphore_mem>>) {add = true}
          %dma_wait3A_94 = arith.constant 0 : i32
          %dma_wait3A_95 = tpu.memref_slice %arg7[%add3A_87, %dma_wait3A_94] : memref<20x128xi32, #tpu.memory_space<vmem>> -> memref<1x128xi32, #tpu.memory_space<vmem>>
          %dma_wait3A_96 = tpu.memref_squeeze %dma_wait3A_95 : memref<1x128xi32, #tpu.memory_space<vmem>> -> memref<128xi32, #tpu.memory_space<vmem>>
          %dma_wait3A_97 = arith.constant 0 : i32
          %dma_wait3A_98 = arith.constant 0 : i32
          %dma_wait3A_99 = tpu.memref_slice %arg10[%dma_wait3A_97, %dma_wait3A_98] : memref<10240x128xf32, #tpu.memory_space<vmem_shared>> -> memref<10240x128xf32, #tpu.memory_space<vmem_shared>>
          tpu.wait_indirect_dma semaphore(%run_scoped3A : memref<!tpu.dma_semaphore, #tpu.memory_space<semaphore_mem>>) src(%arg9 : memref<128x128xf32, #tpu.memory_space<vmem>>) dst(%dma_wait3A_99 : memref<10240x128xf32, #tpu.memory_space<vmem_shared>>)
          tpu.yield
        }) : () -> ()
        "tpu.trace_stop"() : () -> ()
      }
      %scan3A_55 = arith.constant 10 : i32
    }
    %while3A_34 = arith.constant 1 : i32
    scf.for %while3A_40 = %while3A_32 to %while3A_28 step %while3A_34  : i32 {
      %mul3A_41 = arith.muli %while3A_40, %while3A : i32
      %add3A_42 = arith.addi %while3A_25, %mul3A_41 : i32
      "tpu.trace_start"() <{level = 10 : i32, message = "idx_load"}> : () -> ()
      %add3A_43 = arith.addi %select_n3A_8, %add3A_42 : i32
      "tpu.region"() ({
        %run_scoped3A = tpu.sem_alloc : memref<!tpu.dma_semaphore, #tpu.memory_space<semaphore_mem>>
        %dma_start3A_56 = arith.constant 0 : i32
        %dma_start3A_57 = arith.constant 0 : i32
        %dma_start3A_58 = tpu.memref_slice %arg3[%add3A_43, %dma_start3A_56, %dma_start3A_57] : memref<128x20x128xi32, #tpu.memory_space<hbm>> -> memref<1x20x128xi32, #tpu.memory_space<hbm>>
        %dma_start3A_59 = tpu.memref_squeeze %dma_start3A_58 : memref<1x20x128xi32, #tpu.memory_space<hbm>> -> memref<20x128xi32, #tpu.memory_space<hbm>>
        %dma_start3A_60 = arith.constant 0 : i32
        %dma_start3A_61 = arith.constant 0 : i32
        %dma_start3A_62 = tpu.memref_slice %arg3[%add3A_43, %dma_start3A_60, %dma_start3A_61] : memref<128x20x128xi32, #tpu.memory_space<hbm>> -> memref<1x20x128xi32, #tpu.memory_space<hbm>>
        %dma_start3A_63 = tpu.memref_squeeze %dma_start3A_62 : memref<1x20x128xi32, #tpu.memory_space<hbm>> -> memref<20x128xi32, #tpu.memory_space<hbm>>
        tpu.enqueue_dma source(%dma_start3A_63 : memref<20x128xi32, #tpu.memory_space<hbm>>) target(%arg6 : memref<20x128xi32, #tpu.memory_space<vmem>>) target_semaphore(%run_scoped3A : memref<!tpu.dma_semaphore, #tpu.memory_space<semaphore_mem>>)
        %dma_wait3A = arith.constant 0 : i32
        %dma_wait3A_64 = arith.constant 0 : i32
        %dma_wait3A_65 = tpu.memref_slice %arg3[%add3A_43, %dma_wait3A, %dma_wait3A_64] : memref<128x20x128xi32, #tpu.memory_space<hbm>> -> memref<1x20x128xi32, #tpu.memory_space<hbm>>
        %dma_wait3A_66 = tpu.memref_squeeze %dma_wait3A_65 : memref<1x20x128xi32, #tpu.memory_space<hbm>> -> memref<20x128xi32, #tpu.memory_space<hbm>>
        %dma_wait3A_67 = arith.constant 0 : i32
        %dma_wait3A_68 = arith.constant 0 : i32
        %dma_wait3A_69 = tpu.memref_slice %arg3[%add3A_43, %dma_wait3A_67, %dma_wait3A_68] : memref<128x20x128xi32, #tpu.memory_space<hbm>> -> memref<1x20x128xi32, #tpu.memory_space<hbm>>
        %dma_wait3A_70 = tpu.memref_squeeze %dma_wait3A_69 : memref<1x20x128xi32, #tpu.memory_space<hbm>> -> memref<20x128xi32, #tpu.memory_space<hbm>>
        tpu.wait_dma2 semaphore(%run_scoped3A : memref<!tpu.dma_semaphore, #tpu.memory_space<semaphore_mem>>) src(%dma_wait3A_70 : memref<20x128xi32, #tpu.memory_space<hbm>>) dst(%arg6 : memref<20x128xi32, #tpu.memory_space<vmem>>)
        tpu.yield
      }) : () -> ()
      %add3A_44 = arith.addi %select_n3A_8, %add3A_42 : i32
      "tpu.region"() ({
        %run_scoped3A = tpu.sem_alloc : memref<!tpu.dma_semaphore, #tpu.memory_space<semaphore_mem>>
        %dma_start3A_56 = arith.constant 0 : i32
        %dma_start3A_57 = arith.constant 0 : i32
        %dma_start3A_58 = tpu.memref_slice %arg4[%add3A_44, %dma_start3A_56, %dma_start3A_57] : memref<128x20x128xi32, #tpu.memory_space<hbm>> -> memref<1x20x128xi32, #tpu.memory_space<hbm>>
        %dma_start3A_59 = tpu.memref_squeeze %dma_start3A_58 : memref<1x20x128xi32, #tpu.memory_space<hbm>> -> memref<20x128xi32, #tpu.memory_space<hbm>>
        %dma_start3A_60 = arith.constant 0 : i32
        %dma_start3A_61 = arith.constant 0 : i32
        %dma_start3A_62 = tpu.memref_slice %arg4[%add3A_44, %dma_start3A_60, %dma_start3A_61] : memref<128x20x128xi32, #tpu.memory_space<hbm>> -> memref<1x20x128xi32, #tpu.memory_space<hbm>>
        %dma_start3A_63 = tpu.memref_squeeze %dma_start3A_62 : memref<1x20x128xi32, #tpu.memory_space<hbm>> -> memref<20x128xi32, #tpu.memory_space<hbm>>
        tpu.enqueue_dma source(%dma_start3A_63 : memref<20x128xi32, #tpu.memory_space<hbm>>) target(%arg7 : memref<20x128xi32, #tpu.memory_space<vmem>>) target_semaphore(%run_scoped3A : memref<!tpu.dma_semaphore, #tpu.memory_space<semaphore_mem>>)
        %dma_wait3A = arith.constant 0 : i32
        %dma_wait3A_64 = arith.constant 0 : i32
        %dma_wait3A_65 = tpu.memref_slice %arg4[%add3A_44, %dma_wait3A, %dma_wait3A_64] : memref<128x20x128xi32, #tpu.memory_space<hbm>> -> memref<1x20x128xi32, #tpu.memory_space<hbm>>
        %dma_wait3A_66 = tpu.memref_squeeze %dma_wait3A_65 : memref<1x20x128xi32, #tpu.memory_space<hbm>> -> memref<20x128xi32, #tpu.memory_space<hbm>>
        %dma_wait3A_67 = arith.constant 0 : i32
        %dma_wait3A_68 = arith.constant 0 : i32
        %dma_wait3A_69 = tpu.memref_slice %arg4[%add3A_44, %dma_wait3A_67, %dma_wait3A_68] : memref<128x20x128xi32, #tpu.memory_space<hbm>> -> memref<1x20x128xi32, #tpu.memory_space<hbm>>
        %dma_wait3A_70 = tpu.memref_squeeze %dma_wait3A_69 : memref<1x20x128xi32, #tpu.memory_space<hbm>> -> memref<20x128xi32, #tpu.memory_space<hbm>>
        tpu.wait_dma2 semaphore(%run_scoped3A : memref<!tpu.dma_semaphore, #tpu.memory_space<semaphore_mem>>) src(%dma_wait3A_70 : memref<20x128xi32, #tpu.memory_space<hbm>>) dst(%arg7 : memref<20x128xi32, #tpu.memory_space<vmem>>)
        tpu.yield
      }) : () -> ()
      %dma_start3A = arith.constant 0 : i32
      "tpu.trace_stop"() : () -> ()
      %dma_start3A_45 = arith.constant 0 : i32
      %dma_start3A_46 = tpu.memref_slice %arg6[%dma_start3A, %dma_start3A_45] : memref<20x128xi32, #tpu.memory_space<vmem>> -> memref<1x128xi32, #tpu.memory_space<vmem>>
      %dma_start3A_47 = tpu.memref_squeeze %dma_start3A_46 : memref<1x128xi32, #tpu.memory_space<vmem>> -> memref<128xi32, #tpu.memory_space<vmem>>
      %dma_start3A_48 = arith.constant 0 : i32
      %dma_start3A_49 = arith.constant 0 : i32
      %dma_start3A_50 = tpu.memref_slice %arg2[%dma_start3A_48, %dma_start3A_49] : memref<10240x128xf32, #tpu.memory_space<hbm>> -> memref<10240x128xf32, #tpu.memory_space<hbm>>
      tpu.enqueue_indirect_dma source(%dma_start3A_50 : memref<10240x128xf32, #tpu.memory_space<hbm>>) target(%arg8 : memref<128x128xf32, #tpu.memory_space<vmem>>) offsets(%dma_start3A_47 : memref<128xi32, #tpu.memory_space<vmem>>) semaphore(%arg11 : memref<!tpu.dma_semaphore, #tpu.memory_space<semaphore_mem>>)
      %scan3A_51 = arith.constant 0 : i32
      %scan3A_52 = arith.constant 10 : i32
      %scan3A_53 = arith.addi %scan3A_51, %scan3A_52 : i32
      %scan3A_54 = arith.constant 1 : i32
      scf.for %scan3A_56 = %scan3A_51 to %scan3A_53 step %scan3A_54  : i32 {
        %mul3A_57 = arith.constant 2 : i32
        %mul3A_58 = arith.muli %scan3A_56, %mul3A_57 : i32
        %add3A_59 = arith.constant 0 : i32
        %add3A_60 = arith.addi %add3A_59, %mul3A_58 : i32
        "tpu.trace_start"() <{level = 10 : i32, message = "chunk_pair"}> : () -> ()
        %dma_wait3A = arith.constant 0 : i32
        %dma_wait3A_61 = tpu.memref_slice %arg6[%add3A_60, %dma_wait3A] : memref<20x128xi32, #tpu.memory_space<vmem>> -> memref<1x128xi32, #tpu.memory_space<vmem>>
        %dma_wait3A_62 = tpu.memref_squeeze %dma_wait3A_61 : memref<1x128xi32, #tpu.memory_space<vmem>> -> memref<128xi32, #tpu.memory_space<vmem>>
        %dma_wait3A_63 = arith.constant 0 : i32
        %dma_wait3A_64 = arith.constant 0 : i32
        %dma_wait3A_65 = tpu.memref_slice %arg2[%dma_wait3A_63, %dma_wait3A_64] : memref<10240x128xf32, #tpu.memory_space<hbm>> -> memref<10240x128xf32, #tpu.memory_space<hbm>>
        tpu.wait_indirect_dma semaphore(%arg11 : memref<!tpu.dma_semaphore, #tpu.memory_space<semaphore_mem>>) src(%dma_wait3A_65 : memref<10240x128xf32, #tpu.memory_space<hbm>>) dst(%arg8 : memref<128x128xf32, #tpu.memory_space<vmem>>)
        %add3A_66 = arith.constant 1 : i32
        %add3A_67 = arith.addi %add3A_60, %add3A_66 : i32
        %dma_start3A_68 = arith.constant 0 : i32
        %dma_start3A_69 = tpu.memref_slice %arg6[%add3A_67, %dma_start3A_68] : memref<20x128xi32, #tpu.memory_space<vmem>> -> memref<1x128xi32, #tpu.memory_space<vmem>>
        %dma_start3A_70 = tpu.memref_squeeze %dma_start3A_69 : memref<1x128xi32, #tpu.memory_space<vmem>> -> memref<128xi32, #tpu.memory_space<vmem>>
        %dma_start3A_71 = arith.constant 0 : i32
        %dma_start3A_72 = arith.constant 0 : i32
        %dma_start3A_73 = tpu.memref_slice %arg2[%dma_start3A_71, %dma_start3A_72] : memref<10240x128xf32, #tpu.memory_space<hbm>> -> memref<10240x128xf32, #tpu.memory_space<hbm>>
        tpu.enqueue_indirect_dma source(%dma_start3A_73 : memref<10240x128xf32, #tpu.memory_space<hbm>>) target(%arg9 : memref<128x128xf32, #tpu.memory_space<vmem>>) offsets(%dma_start3A_70 : memref<128xi32, #tpu.memory_space<vmem>>) semaphore(%arg11 : memref<!tpu.dma_semaphore, #tpu.memory_space<semaphore_mem>>)
        "tpu.region"() ({
          %run_scoped3A = tpu.sem_alloc : memref<!tpu.dma_semaphore, #tpu.memory_space<semaphore_mem>>
          %dma_start3A_88 = arith.constant 0 : i32
          %dma_start3A_89 = tpu.memref_slice %arg7[%add3A_60, %dma_start3A_88] : memref<20x128xi32, #tpu.memory_space<vmem>> -> memref<1x128xi32, #tpu.memory_space<vmem>>
          %dma_start3A_90 = tpu.memref_squeeze %dma_start3A_89 : memref<1x128xi32, #tpu.memory_space<vmem>> -> memref<128xi32, #tpu.memory_space<vmem>>
          %dma_start3A_91 = arith.constant 0 : i32
          %dma_start3A_92 = arith.constant 0 : i32
          %dma_start3A_93 = tpu.memref_slice %arg10[%dma_start3A_91, %dma_start3A_92] : memref<10240x128xf32, #tpu.memory_space<vmem_shared>> -> memref<10240x128xf32, #tpu.memory_space<vmem_shared>>
          tpu.enqueue_indirect_dma source(%arg8 : memref<128x128xf32, #tpu.memory_space<vmem>>) target(%dma_start3A_93 : memref<10240x128xf32, #tpu.memory_space<vmem_shared>>) offsets(%dma_start3A_90 : memref<128xi32, #tpu.memory_space<vmem>>) semaphore(%run_scoped3A : memref<!tpu.dma_semaphore, #tpu.memory_space<semaphore_mem>>) {add = true}
          %dma_wait3A_94 = arith.constant 0 : i32
          %dma_wait3A_95 = tpu.memref_slice %arg7[%add3A_60, %dma_wait3A_94] : memref<20x128xi32, #tpu.memory_space<vmem>> -> memref<1x128xi32, #tpu.memory_space<vmem>>
          %dma_wait3A_96 = tpu.memref_squeeze %dma_wait3A_95 : memref<1x128xi32, #tpu.memory_space<vmem>> -> memref<128xi32, #tpu.memory_space<vmem>>
          %dma_wait3A_97 = arith.constant 0 : i32
          %dma_wait3A_98 = arith.constant 0 : i32
          %dma_wait3A_99 = tpu.memref_slice %arg10[%dma_wait3A_97, %dma_wait3A_98] : memref<10240x128xf32, #tpu.memory_space<vmem_shared>> -> memref<10240x128xf32, #tpu.memory_space<vmem_shared>>
          tpu.wait_indirect_dma semaphore(%run_scoped3A : memref<!tpu.dma_semaphore, #tpu.memory_space<semaphore_mem>>) src(%arg8 : memref<128x128xf32, #tpu.memory_space<vmem>>) dst(%dma_wait3A_99 : memref<10240x128xf32, #tpu.memory_space<vmem_shared>>)
          tpu.yield
        }) : () -> ()
        %add3A_74 = arith.constant 1 : i32
        %add3A_75 = arith.addi %add3A_60, %add3A_74 : i32
        %dma_wait3A_76 = arith.constant 0 : i32
        %dma_wait3A_77 = tpu.memref_slice %arg6[%add3A_75, %dma_wait3A_76] : memref<20x128xi32, #tpu.memory_space<vmem>> -> memref<1x128xi32, #tpu.memory_space<vmem>>
        %dma_wait3A_78 = tpu.memref_squeeze %dma_wait3A_77 : memref<1x128xi32, #tpu.memory_space<vmem>> -> memref<128xi32, #tpu.memory_space<vmem>>
        %dma_wait3A_79 = arith.constant 0 : i32
        %dma_wait3A_80 = arith.constant 0 : i32
        %dma_wait3A_81 = tpu.memref_slice %arg2[%dma_wait3A_79, %dma_wait3A_80] : memref<10240x128xf32, #tpu.memory_space<hbm>> -> memref<10240x128xf32, #tpu.memory_space<hbm>>
        tpu.wait_indirect_dma semaphore(%arg11 : memref<!tpu.dma_semaphore, #tpu.memory_space<semaphore_mem>>) src(%dma_wait3A_81 : memref<10240x128xf32, #tpu.memory_space<hbm>>) dst(%arg9 : memref<128x128xf32, #tpu.memory_space<vmem>>)
        %add3A_82 = arith.constant 2 : i32
        %add3A_83 = arith.addi %add3A_60, %add3A_82 : i32
        %lt3A = arith.constant 20 : i32
        %lt3A_84 = arith.cmpi slt, %add3A_83, %lt3A : i32
        %convert_element_type3A = arith.extui %lt3A_84 : i1 to i32
        %cond3A = arith.constant 0 : i32
        %cond3A_85 = arith.cmpi ne, %convert_element_type3A, %cond3A : i32
        scf.if %cond3A_85 {
          %add3A_88 = arith.constant 2 : i32
          %add3A_89 = arith.addi %add3A_60, %add3A_88 : i32
          %dma_start3A_90 = arith.constant 0 : i32
          %dma_start3A_91 = tpu.memref_slice %arg6[%add3A_89, %dma_start3A_90] : memref<20x128xi32, #tpu.memory_space<vmem>> -> memref<1x128xi32, #tpu.memory_space<vmem>>
          %dma_start3A_92 = tpu.memref_squeeze %dma_start3A_91 : memref<1x128xi32, #tpu.memory_space<vmem>> -> memref<128xi32, #tpu.memory_space<vmem>>
          %dma_start3A_93 = arith.constant 0 : i32
          %dma_start3A_94 = arith.constant 0 : i32
          %dma_start3A_95 = tpu.memref_slice %arg2[%dma_start3A_93, %dma_start3A_94] : memref<10240x128xf32, #tpu.memory_space<hbm>> -> memref<10240x128xf32, #tpu.memory_space<hbm>>
          tpu.enqueue_indirect_dma source(%dma_start3A_95 : memref<10240x128xf32, #tpu.memory_space<hbm>>) target(%arg8 : memref<128x128xf32, #tpu.memory_space<vmem>>) offsets(%dma_start3A_92 : memref<128xi32, #tpu.memory_space<vmem>>) semaphore(%arg11 : memref<!tpu.dma_semaphore, #tpu.memory_space<semaphore_mem>>)
        } else {
        }
        %add3A_86 = arith.constant 1 : i32
        %add3A_87 = arith.addi %add3A_60, %add3A_86 : i32
        "tpu.region"() ({
          %run_scoped3A = tpu.sem_alloc : memref<!tpu.dma_semaphore, #tpu.memory_space<semaphore_mem>>
          %dma_start3A_88 = arith.constant 0 : i32
          %dma_start3A_89 = tpu.memref_slice %arg7[%add3A_87, %dma_start3A_88] : memref<20x128xi32, #tpu.memory_space<vmem>> -> memref<1x128xi32, #tpu.memory_space<vmem>>
          %dma_start3A_90 = tpu.memref_squeeze %dma_start3A_89 : memref<1x128xi32, #tpu.memory_space<vmem>> -> memref<128xi32, #tpu.memory_space<vmem>>
          %dma_start3A_91 = arith.constant 0 : i32
          %dma_start3A_92 = arith.constant 0 : i32
          %dma_start3A_93 = tpu.memref_slice %arg10[%dma_start3A_91, %dma_start3A_92] : memref<10240x128xf32, #tpu.memory_space<vmem_shared>> -> memref<10240x128xf32, #tpu.memory_space<vmem_shared>>
          tpu.enqueue_indirect_dma source(%arg9 : memref<128x128xf32, #tpu.memory_space<vmem>>) target(%dma_start3A_93 : memref<10240x128xf32, #tpu.memory_space<vmem_shared>>) offsets(%dma_start3A_90 : memref<128xi32, #tpu.memory_space<vmem>>) semaphore(%run_scoped3A : memref<!tpu.dma_semaphore, #tpu.memory_space<semaphore_mem>>) {add = true}
          %dma_wait3A_94 = arith.constant 0 : i32
          %dma_wait3A_95 = tpu.memref_slice %arg7[%add3A_87, %dma_wait3A_94] : memref<20x128xi32, #tpu.memory_space<vmem>> -> memref<1x128xi32, #tpu.memory_space<vmem>>
          %dma_wait3A_96 = tpu.memref_squeeze %dma_wait3A_95 : memref<1x128xi32, #tpu.memory_space<vmem>> -> memref<128xi32, #tpu.memory_space<vmem>>
          %dma_wait3A_97 = arith.constant 0 : i32
          %dma_wait3A_98 = arith.constant 0 : i32
          %dma_wait3A_99 = tpu.memref_slice %arg10[%dma_wait3A_97, %dma_wait3A_98] : memref<10240x128xf32, #tpu.memory_space<vmem_shared>> -> memref<10240x128xf32, #tpu.memory_space<vmem_shared>>
          tpu.wait_indirect_dma semaphore(%run_scoped3A : memref<!tpu.dma_semaphore, #tpu.memory_space<semaphore_mem>>) src(%arg9 : memref<128x128xf32, #tpu.memory_space<vmem>>) dst(%dma_wait3A_99 : memref<10240x128xf32, #tpu.memory_space<vmem_shared>>)
          tpu.yield
        }) : () -> ()
        "tpu.trace_stop"() : () -> ()
      }
      %scan3A_55 = arith.constant 10 : i32
    }
    "tpu.trace_start"() <{level = 10 : i32, message = "barrier1"}> : () -> ()
    %barrier3A_35 = arith.constant 0 : index
    tpu.barrier barrier_id(%barrier3A_35)
    "tpu.trace_stop"() : () -> ()
    "tpu.trace_start"() <{level = 10 : i32, message = "writeout"}> : () -> ()
    %mul3A_36 = arith.constant 640 : i32
    %mul3A_37 = arith.muli %arg1, %mul3A_36 : i32
    %mul3A_38 = arith.constant 640 : i32
    %mul3A_39 = arith.muli %arg1, %mul3A_38 : i32
    "tpu.region"() ({
      %run_scoped3A = tpu.sem_alloc : memref<!tpu.dma_semaphore, #tpu.memory_space<semaphore_mem>>
      %dma_start3A = arith.constant 0 : i32
      %dma_start3A_40 = tpu.memref_slice %arg5[%arg0, %mul3A_39, %dma_start3A] : memref<2x10240x128xf32, #tpu.memory_space<hbm>> -> memref<1x640x128xf32, #tpu.memory_space<hbm>>
      %dma_start3A_41 = tpu.memref_squeeze %dma_start3A_40 : memref<1x640x128xf32, #tpu.memory_space<hbm>> -> memref<640x128xf32, #tpu.memory_space<hbm>>
      %dma_start3A_42 = arith.constant 0 : i32
      %dma_start3A_43 = tpu.memref_slice %arg10[%mul3A_37, %dma_start3A_42] : memref<10240x128xf32, #tpu.memory_space<vmem_shared>> -> memref<640x128xf32, #tpu.memory_space<vmem_shared>>
      tpu.enqueue_dma source(%dma_start3A_43 : memref<640x128xf32, #tpu.memory_space<vmem_shared>>) target(%dma_start3A_41 : memref<640x128xf32, #tpu.memory_space<hbm>>) target_semaphore(%run_scoped3A : memref<!tpu.dma_semaphore, #tpu.memory_space<semaphore_mem>>)
      %dma_wait3A = arith.constant 0 : i32
      %dma_wait3A_44 = tpu.memref_slice %arg5[%arg0, %mul3A_39, %dma_wait3A] : memref<2x10240x128xf32, #tpu.memory_space<hbm>> -> memref<1x640x128xf32, #tpu.memory_space<hbm>>
      %dma_wait3A_45 = tpu.memref_squeeze %dma_wait3A_44 : memref<1x640x128xf32, #tpu.memory_space<hbm>> -> memref<640x128xf32, #tpu.memory_space<hbm>>
      %dma_wait3A_46 = arith.constant 0 : i32
      %dma_wait3A_47 = tpu.memref_slice %arg10[%mul3A_37, %dma_wait3A_46] : memref<10240x128xf32, #tpu.memory_space<vmem_shared>> -> memref<640x128xf32, #tpu.memory_space<vmem_shared>>
      tpu.wait_dma2 semaphore(%run_scoped3A : memref<!tpu.dma_semaphore, #tpu.memory_space<semaphore_mem>>) src(%dma_wait3A_47 : memref<640x128xf32, #tpu.memory_space<vmem_shared>>) dst(%dma_wait3A_45 : memref<640x128xf32, #tpu.memory_space<hbm>>)
      tpu.yield
    }) : () -> ()
    "tpu.trace_stop"() : () -> ()
    return
  }
}

#map = affine_map<(d0, d1) -> (0, 0)>
#map1 = affine_map<(d0, d1) -> (0, 0, 0)>
module attributes {stable_mosaic.version = 14 : i64} {
  func.func @edge_k(%arg0: i32, %arg1: i32, %arg2: memref<10240x128xf32, #tpu.memory_space<hbm>>, %arg3: memref<128x20x128xi32, #tpu.memory_space<hbm>>, %arg4: memref<128x20x128xi32, #tpu.memory_space<hbm>>, %arg5: memref<2x10240x128xf32, #tpu.memory_space<hbm>>, %arg6: memref<20x128xi32, #tpu.memory_space<vmem>>, %arg7: memref<20x128xi32, #tpu.memory_space<vmem>>, %arg8: memref<128x128xf32, #tpu.memory_space<vmem>>, %arg9: memref<128x128xf32, #tpu.memory_space<vmem>>, %arg10: memref<10240x128xf32, #tpu.memory_space<vmem_shared>>, %arg11: memref<!tpu.dma_semaphore, #tpu.memory_space<semaphore_mem>>) attributes {dimension_semantics = [#tpu.dimension_semantics<core_parallel>, #tpu.dimension_semantics<subcore_parallel>], iteration_bounds = array<i64: 2, 16>, scalar_prefetch = 0 : i64, scratch_operands = 6 : i64, tpu.core_type = #tpu.core_type<sc_vector_subcore>, window_params = [{transform_indices = #map}, {transform_indices = #map1}, {transform_indices = #map1}, {transform_indices = #map1}]} {
    %eq3A = arith.constant 0 : i32
    %eq3A_0 = arith.cmpi eq, %arg0, %eq3A : i32
    %jit3A = arith.constant 4 : i32
    %jit3A_1 = arith.constant 4 : i32
    %select_n3A = arith.select %eq3A_0, %jit3A, %jit3A_1 : i32
    %eq3A_2 = arith.constant 0 : i32
    %eq3A_3 = arith.cmpi eq, %arg0, %eq3A_2 : i32
    %mul3A = arith.constant 4 : i32
    %mul3A_4 = arith.muli %arg1, %mul3A : i32
    %mul3A_5 = arith.constant 4 : i32
    %mul3A_6 = arith.muli %arg1, %mul3A_5 : i32
    %add3A = arith.constant 64 : i32
    %add3A_7 = arith.addi %add3A, %mul3A_6 : i32
    %select_n3A_8 = arith.select %eq3A_3, %mul3A_4, %add3A_7 : i32
    %broadcast_in_dim3A = arith.constant 0.000000e+00 : f32
    "tpu.trace_start"() <{level = 10 : i32, message = "zero_fill"}> : () -> ()
    %broadcast_in_dim3A_9 = vector.broadcast %broadcast_in_dim3A : f32 to vector<16xf32>
    %scan3A = arith.constant 0 : i32
    %scan3A_10 = arith.constant 128 : i32
    %scan3A_11 = arith.addi %scan3A, %scan3A_10 : i32
    %scan3A_12 = arith.constant 1 : i32
    scf.for %scan3A_40 = %scan3A to %scan3A_11 step %scan3A_12  : i32 {
      %mul3A_41 = arith.constant 1 : i32
      %mul3A_42 = arith.muli %scan3A_40, %mul3A_41 : i32
      %add3A_43 = arith.constant 0 : i32
      %add3A_44 = arith.addi %add3A_43, %mul3A_42 : i32
      %scan3A_45 = arith.constant 0 : i32
      %scan3A_46 = arith.constant 8 : i32
      %scan3A_47 = arith.addi %scan3A_45, %scan3A_46 : i32
      %scan3A_48 = arith.constant 1 : i32
      scf.for %scan3A_50 = %scan3A_45 to %scan3A_47 step %scan3A_48  : i32 {
        %mul3A_51 = arith.constant 16 : i32
        %mul3A_52 = arith.muli %scan3A_50, %mul3A_51 : i32
        %add3A_53 = arith.constant 0 : i32
        %add3A_54 = arith.addi %add3A_53, %mul3A_52 : i32
        %swap3A = arith.index_cast %add3A_44 : i32 to index
        %swap3A_55 = arith.index_cast %add3A_54 : i32 to index
        %swap3A_56 = tpu.vector_load %arg8[%swap3A, %swap3A_55] {strides = array<i32>} : memref<128x128xf32, #tpu.memory_space<vmem>>, vector<1x16xf32>,
        %swap3A_57 = vector.shape_cast %swap3A_56 : vector<1x16xf32> to vector<16xf32>
        %swap3A_58 = vector.shape_cast %broadcast_in_dim3A_9 : vector<16xf32> to vector<1x16xf32>
        tpu.vector_store %arg8[%swap3A, %swap3A_55], %swap3A_58 {strides = array<i32>} : memref<128x128xf32, #tpu.memory_space<vmem>>, vector<1x16xf32>,
      }
      %scan3A_49 = arith.constant 8 : i32
    }
    %scan3A_13 = arith.constant 128 : i32
    "tpu.trace_stop"() : () -> ()
    "tpu.trace_start"() <{level = 10 : i32, message = "zero_spread"}> : () -> ()
    %scan3A_14 = arith.constant 0 : i32
    %scan3A_15 = arith.constant 5 : i32
    %scan3A_16 = arith.addi %scan3A_14, %scan3A_15 : i32
    %scan3A_17 = arith.constant 1 : i32
    scf.for %scan3A_40 = %scan3A_14 to %scan3A_16 step %scan3A_17  : i32 {
      %mul3A_41 = arith.constant 1 : i32
      %mul3A_42 = arith.muli %scan3A_40, %mul3A_41 : i32
      %add3A_43 = arith.constant 0 : i32
      %add3A_44 = arith.addi %add3A_43, %mul3A_42 : i32
      %mul3A_45 = arith.constant 640 : i32
      %mul3A_46 = arith.muli %arg1, %mul3A_45 : i32
      %mul3A_47 = arith.constant 128 : i32
      %mul3A_48 = arith.muli %add3A_44, %mul3A_47 : i32
      %add3A_49 = arith.addi %mul3A_46, %mul3A_48 : i32
      "tpu.region"() ({
        %run_scoped3A = tpu.sem_alloc : memref<!tpu.dma_semaphore, #tpu.memory_space<semaphore_mem>>
        %dma_start3A = arith.constant 0 : i32
        %dma_start3A_50 = tpu.memref_slice %arg10[%add3A_49, %dma_start3A] : memref<10240x128xf32, #tpu.memory_space<vmem_shared>> -> memref<128x128xf32, #tpu.memory_space<vmem_shared>>
        %dma_start3A_51 = arith.constant 0 : i32
        %dma_start3A_52 = tpu.memref_slice %arg10[%add3A_49, %dma_start3A_51] : memref<10240x128xf32, #tpu.memory_space<vmem_shared>> -> memref<128x128xf32, #tpu.memory_space<vmem_shared>>
        tpu.enqueue_dma source(%arg8 : memref<128x128xf32, #tpu.memory_space<vmem>>) target(%dma_start3A_52 : memref<128x128xf32, #tpu.memory_space<vmem_shared>>) target_semaphore(%run_scoped3A : memref<!tpu.dma_semaphore, #tpu.memory_space<semaphore_mem>>)
        %dma_wait3A = arith.constant 0 : i32
        %dma_wait3A_53 = tpu.memref_slice %arg10[%add3A_49, %dma_wait3A] : memref<10240x128xf32, #tpu.memory_space<vmem_shared>> -> memref<128x128xf32, #tpu.memory_space<vmem_shared>>
        %dma_wait3A_54 = arith.constant 0 : i32
        %dma_wait3A_55 = tpu.memref_slice %arg10[%add3A_49, %dma_wait3A_54] : memref<10240x128xf32, #tpu.memory_space<vmem_shared>> -> memref<128x128xf32, #tpu.memory_space<vmem_shared>>
        tpu.wait_dma2 semaphore(%run_scoped3A : memref<!tpu.dma_semaphore, #tpu.memory_space<semaphore_mem>>) src(%arg8 : memref<128x128xf32, #tpu.memory_space<vmem>>) dst(%dma_wait3A_55 : memref<128x128xf32, #tpu.memory_space<vmem_shared>>)
        tpu.yield
      }) : () -> ()
    }
    %scan3A_18 = arith.constant 5 : i32
    "tpu.trace_stop"() : () -> ()
    "tpu.trace_start"() <{level = 10 : i32, message = "barrier0"}> : () -> ()
    %barrier3A = arith.constant 0 : index
    tpu.barrier barrier_id(%barrier3A)
    "tpu.trace_stop"() : () -> ()
    %sub3A = arith.constant 0 : i32
    %sub3A_19 = arith.subi %select_n3A, %sub3A : i32
    %sub3A_20 = arith.constant 1 : i32
    %sub3A_21 = arith.constant 1 : i32
    %sub3A_22 = arith.subi %sub3A_20, %sub3A_21 : i32
    %add3A_23 = arith.addi %sub3A_19, %sub3A_22 : i32
    %div3A = arith.constant 1 : i32
    %div3A_24 = arith.divsi %add3A_23, %div3A : i32
    %while3A = arith.constant 1 : i32
    %while3A_25 = arith.constant 0 : i32
    %while3A_26 = arith.constant 0 : i32
    %while3A_27 = arith.subi %div3A_24, %while3A_26 : i32
    %while3A_28 = arith.addi %while3A_26, %while3A_27 : i32
    %while3A_29 = arith.constant 1 : i32
    %while3A_30 = arith.divsi %while3A_27, %while3A_29 : i32
    %while3A_31 = arith.muli %while3A_30, %while3A_29 : i32
    %while3A_32 = arith.addi %while3A_26, %while3A_31 : i32
    %while3A_33 = arith.constant 1 : i32
    scf.for %while3A_40 = %while3A_26 to %while3A_32 step %while3A_33  : i32 {
      %mul3A_41 = arith.muli %while3A_40, %while3A : i32
      %add3A_42 = arith.addi %while3A_25, %mul3A_41 : i32
      "tpu.trace_start"() <{level = 10 : i32, message = "idx_load"}> : () -> ()
      %add3A_43 = arith.addi %select_n3A_8, %add3A_42 : i32
      "tpu.region"() ({
        %run_scoped3A = tpu.sem_alloc : memref<!tpu.dma_semaphore, #tpu.memory_space<semaphore_mem>>
        %dma_start3A_56 = arith.constant 0 : i32
        %dma_start3A_57 = arith.constant 0 : i32
        %dma_start3A_58 = tpu.memref_slice %arg3[%add3A_43, %dma_start3A_56, %dma_start3A_57] : memref<128x20x128xi32, #tpu.memory_space<hbm>> -> memref<1x20x128xi32, #tpu.memory_space<hbm>>
        %dma_start3A_59 = tpu.memref_squeeze %dma_start3A_58 : memref<1x20x128xi32, #tpu.memory_space<hbm>> -> memref<20x128xi32, #tpu.memory_space<hbm>>
        %dma_start3A_60 = arith.constant 0 : i32
        %dma_start3A_61 = arith.constant 0 : i32
        %dma_start3A_62 = tpu.memref_slice %arg3[%add3A_43, %dma_start3A_60, %dma_start3A_61] : memref<128x20x128xi32, #tpu.memory_space<hbm>> -> memref<1x20x128xi32, #tpu.memory_space<hbm>>
        %dma_start3A_63 = tpu.memref_squeeze %dma_start3A_62 : memref<1x20x128xi32, #tpu.memory_space<hbm>> -> memref<20x128xi32, #tpu.memory_space<hbm>>
        tpu.enqueue_dma source(%dma_start3A_63 : memref<20x128xi32, #tpu.memory_space<hbm>>) target(%arg6 : memref<20x128xi32, #tpu.memory_space<vmem>>) target_semaphore(%run_scoped3A : memref<!tpu.dma_semaphore, #tpu.memory_space<semaphore_mem>>)
        %dma_wait3A = arith.constant 0 : i32
        %dma_wait3A_64 = arith.constant 0 : i32
        %dma_wait3A_65 = tpu.memref_slice %arg3[%add3A_43, %dma_wait3A, %dma_wait3A_64] : memref<128x20x128xi32, #tpu.memory_space<hbm>> -> memref<1x20x128xi32, #tpu.memory_space<hbm>>
        %dma_wait3A_66 = tpu.memref_squeeze %dma_wait3A_65 : memref<1x20x128xi32, #tpu.memory_space<hbm>> -> memref<20x128xi32, #tpu.memory_space<hbm>>
        %dma_wait3A_67 = arith.constant 0 : i32
        %dma_wait3A_68 = arith.constant 0 : i32
        %dma_wait3A_69 = tpu.memref_slice %arg3[%add3A_43, %dma_wait3A_67, %dma_wait3A_68] : memref<128x20x128xi32, #tpu.memory_space<hbm>> -> memref<1x20x128xi32, #tpu.memory_space<hbm>>
        %dma_wait3A_70 = tpu.memref_squeeze %dma_wait3A_69 : memref<1x20x128xi32, #tpu.memory_space<hbm>> -> memref<20x128xi32, #tpu.memory_space<hbm>>
        tpu.wait_dma2 semaphore(%run_scoped3A : memref<!tpu.dma_semaphore, #tpu.memory_space<semaphore_mem>>) src(%dma_wait3A_70 : memref<20x128xi32, #tpu.memory_space<hbm>>) dst(%arg6 : memref<20x128xi32, #tpu.memory_space<vmem>>)
        tpu.yield
      }) : () -> ()
      %add3A_44 = arith.addi %select_n3A_8, %add3A_42 : i32
      "tpu.region"() ({
        %run_scoped3A = tpu.sem_alloc : memref<!tpu.dma_semaphore, #tpu.memory_space<semaphore_mem>>
        %dma_start3A_56 = arith.constant 0 : i32
        %dma_start3A_57 = arith.constant 0 : i32
        %dma_start3A_58 = tpu.memref_slice %arg4[%add3A_44, %dma_start3A_56, %dma_start3A_57] : memref<128x20x128xi32, #tpu.memory_space<hbm>> -> memref<1x20x128xi32, #tpu.memory_space<hbm>>
        %dma_start3A_59 = tpu.memref_squeeze %dma_start3A_58 : memref<1x20x128xi32, #tpu.memory_space<hbm>> -> memref<20x128xi32, #tpu.memory_space<hbm>>
        %dma_start3A_60 = arith.constant 0 : i32
        %dma_start3A_61 = arith.constant 0 : i32
        %dma_start3A_62 = tpu.memref_slice %arg4[%add3A_44, %dma_start3A_60, %dma_start3A_61] : memref<128x20x128xi32, #tpu.memory_space<hbm>> -> memref<1x20x128xi32, #tpu.memory_space<hbm>>
        %dma_start3A_63 = tpu.memref_squeeze %dma_start3A_62 : memref<1x20x128xi32, #tpu.memory_space<hbm>> -> memref<20x128xi32, #tpu.memory_space<hbm>>
        tpu.enqueue_dma source(%dma_start3A_63 : memref<20x128xi32, #tpu.memory_space<hbm>>) target(%arg7 : memref<20x128xi32, #tpu.memory_space<vmem>>) target_semaphore(%run_scoped3A : memref<!tpu.dma_semaphore, #tpu.memory_space<semaphore_mem>>)
        %dma_wait3A = arith.constant 0 : i32
        %dma_wait3A_64 = arith.constant 0 : i32
        %dma_wait3A_65 = tpu.memref_slice %arg4[%add3A_44, %dma_wait3A, %dma_wait3A_64] : memref<128x20x128xi32, #tpu.memory_space<hbm>> -> memref<1x20x128xi32, #tpu.memory_space<hbm>>
        %dma_wait3A_66 = tpu.memref_squeeze %dma_wait3A_65 : memref<1x20x128xi32, #tpu.memory_space<hbm>> -> memref<20x128xi32, #tpu.memory_space<hbm>>
        %dma_wait3A_67 = arith.constant 0 : i32
        %dma_wait3A_68 = arith.constant 0 : i32
        %dma_wait3A_69 = tpu.memref_slice %arg4[%add3A_44, %dma_wait3A_67, %dma_wait3A_68] : memref<128x20x128xi32, #tpu.memory_space<hbm>> -> memref<1x20x128xi32, #tpu.memory_space<hbm>>
        %dma_wait3A_70 = tpu.memref_squeeze %dma_wait3A_69 : memref<1x20x128xi32, #tpu.memory_space<hbm>> -> memref<20x128xi32, #tpu.memory_space<hbm>>
        tpu.wait_dma2 semaphore(%run_scoped3A : memref<!tpu.dma_semaphore, #tpu.memory_space<semaphore_mem>>) src(%dma_wait3A_70 : memref<20x128xi32, #tpu.memory_space<hbm>>) dst(%arg7 : memref<20x128xi32, #tpu.memory_space<vmem>>)
        tpu.yield
      }) : () -> ()
      %dma_start3A = arith.constant 0 : i32
      "tpu.trace_stop"() : () -> ()
      %dma_start3A_45 = arith.constant 0 : i32
      %dma_start3A_46 = tpu.memref_slice %arg6[%dma_start3A, %dma_start3A_45] : memref<20x128xi32, #tpu.memory_space<vmem>> -> memref<1x128xi32, #tpu.memory_space<vmem>>
      %dma_start3A_47 = tpu.memref_squeeze %dma_start3A_46 : memref<1x128xi32, #tpu.memory_space<vmem>> -> memref<128xi32, #tpu.memory_space<vmem>>
      %dma_start3A_48 = arith.constant 0 : i32
      %dma_start3A_49 = arith.constant 0 : i32
      %dma_start3A_50 = tpu.memref_slice %arg2[%dma_start3A_48, %dma_start3A_49] : memref<10240x128xf32, #tpu.memory_space<hbm>> -> memref<10240x128xf32, #tpu.memory_space<hbm>>
      tpu.enqueue_indirect_dma source(%dma_start3A_50 : memref<10240x128xf32, #tpu.memory_space<hbm>>) target(%arg8 : memref<128x128xf32, #tpu.memory_space<vmem>>) offsets(%dma_start3A_47 : memref<128xi32, #tpu.memory_space<vmem>>) semaphore(%arg11 : memref<!tpu.dma_semaphore, #tpu.memory_space<semaphore_mem>>)
      %scan3A_51 = arith.constant 0 : i32
      %scan3A_52 = arith.constant 10 : i32
      %scan3A_53 = arith.addi %scan3A_51, %scan3A_52 : i32
      %scan3A_54 = arith.constant 1 : i32
      scf.for %scan3A_56 = %scan3A_51 to %scan3A_53 step %scan3A_54  : i32 {
        %mul3A_57 = arith.constant 2 : i32
        %mul3A_58 = arith.muli %scan3A_56, %mul3A_57 : i32
        %add3A_59 = arith.constant 0 : i32
        %add3A_60 = arith.addi %add3A_59, %mul3A_58 : i32
        "tpu.trace_start"() <{level = 10 : i32, message = "chunk_pair"}> : () -> ()
        %dma_wait3A = arith.constant 0 : i32
        %dma_wait3A_61 = tpu.memref_slice %arg6[%add3A_60, %dma_wait3A] : memref<20x128xi32, #tpu.memory_space<vmem>> -> memref<1x128xi32, #tpu.memory_space<vmem>>
        %dma_wait3A_62 = tpu.memref_squeeze %dma_wait3A_61 : memref<1x128xi32, #tpu.memory_space<vmem>> -> memref<128xi32, #tpu.memory_space<vmem>>
        %dma_wait3A_63 = arith.constant 0 : i32
        %dma_wait3A_64 = arith.constant 0 : i32
        %dma_wait3A_65 = tpu.memref_slice %arg2[%dma_wait3A_63, %dma_wait3A_64] : memref<10240x128xf32, #tpu.memory_space<hbm>> -> memref<10240x128xf32, #tpu.memory_space<hbm>>
        tpu.wait_indirect_dma semaphore(%arg11 : memref<!tpu.dma_semaphore, #tpu.memory_space<semaphore_mem>>) src(%dma_wait3A_65 : memref<10240x128xf32, #tpu.memory_space<hbm>>) dst(%arg8 : memref<128x128xf32, #tpu.memory_space<vmem>>)
        %add3A_66 = arith.constant 1 : i32
        %add3A_67 = arith.addi %add3A_60, %add3A_66 : i32
        %dma_start3A_68 = arith.constant 0 : i32
        %dma_start3A_69 = tpu.memref_slice %arg6[%add3A_67, %dma_start3A_68] : memref<20x128xi32, #tpu.memory_space<vmem>> -> memref<1x128xi32, #tpu.memory_space<vmem>>
        %dma_start3A_70 = tpu.memref_squeeze %dma_start3A_69 : memref<1x128xi32, #tpu.memory_space<vmem>> -> memref<128xi32, #tpu.memory_space<vmem>>
        %dma_start3A_71 = arith.constant 0 : i32
        %dma_start3A_72 = arith.constant 0 : i32
        %dma_start3A_73 = tpu.memref_slice %arg2[%dma_start3A_71, %dma_start3A_72] : memref<10240x128xf32, #tpu.memory_space<hbm>> -> memref<10240x128xf32, #tpu.memory_space<hbm>>
        tpu.enqueue_indirect_dma source(%dma_start3A_73 : memref<10240x128xf32, #tpu.memory_space<hbm>>) target(%arg9 : memref<128x128xf32, #tpu.memory_space<vmem>>) offsets(%dma_start3A_70 : memref<128xi32, #tpu.memory_space<vmem>>) semaphore(%arg11 : memref<!tpu.dma_semaphore, #tpu.memory_space<semaphore_mem>>)
        "tpu.region"() ({
          %run_scoped3A = tpu.sem_alloc : memref<!tpu.dma_semaphore, #tpu.memory_space<semaphore_mem>>
          %dma_start3A_88 = arith.constant 0 : i32
          %dma_start3A_89 = tpu.memref_slice %arg7[%add3A_60, %dma_start3A_88] : memref<20x128xi32, #tpu.memory_space<vmem>> -> memref<1x128xi32, #tpu.memory_space<vmem>>
          %dma_start3A_90 = tpu.memref_squeeze %dma_start3A_89 : memref<1x128xi32, #tpu.memory_space<vmem>> -> memref<128xi32, #tpu.memory_space<vmem>>
          %dma_start3A_91 = arith.constant 0 : i32
          %dma_start3A_92 = arith.constant 0 : i32
          %dma_start3A_93 = tpu.memref_slice %arg10[%dma_start3A_91, %dma_start3A_92] : memref<10240x128xf32, #tpu.memory_space<vmem_shared>> -> memref<10240x128xf32, #tpu.memory_space<vmem_shared>>
          tpu.enqueue_indirect_dma source(%arg8 : memref<128x128xf32, #tpu.memory_space<vmem>>) target(%dma_start3A_93 : memref<10240x128xf32, #tpu.memory_space<vmem_shared>>) offsets(%dma_start3A_90 : memref<128xi32, #tpu.memory_space<vmem>>) semaphore(%run_scoped3A : memref<!tpu.dma_semaphore, #tpu.memory_space<semaphore_mem>>) {add = true}
          %dma_wait3A_94 = arith.constant 0 : i32
          %dma_wait3A_95 = tpu.memref_slice %arg7[%add3A_60, %dma_wait3A_94] : memref<20x128xi32, #tpu.memory_space<vmem>> -> memref<1x128xi32, #tpu.memory_space<vmem>>
          %dma_wait3A_96 = tpu.memref_squeeze %dma_wait3A_95 : memref<1x128xi32, #tpu.memory_space<vmem>> -> memref<128xi32, #tpu.memory_space<vmem>>
          %dma_wait3A_97 = arith.constant 0 : i32
          %dma_wait3A_98 = arith.constant 0 : i32
          %dma_wait3A_99 = tpu.memref_slice %arg10[%dma_wait3A_97, %dma_wait3A_98] : memref<10240x128xf32, #tpu.memory_space<vmem_shared>> -> memref<10240x128xf32, #tpu.memory_space<vmem_shared>>
          tpu.wait_indirect_dma semaphore(%run_scoped3A : memref<!tpu.dma_semaphore, #tpu.memory_space<semaphore_mem>>) src(%arg8 : memref<128x128xf32, #tpu.memory_space<vmem>>) dst(%dma_wait3A_99 : memref<10240x128xf32, #tpu.memory_space<vmem_shared>>)
          tpu.yield
        }) : () -> ()
        %add3A_74 = arith.constant 1 : i32
        %add3A_75 = arith.addi %add3A_60, %add3A_74 : i32
        %dma_wait3A_76 = arith.constant 0 : i32
        %dma_wait3A_77 = tpu.memref_slice %arg6[%add3A_75, %dma_wait3A_76] : memref<20x128xi32, #tpu.memory_space<vmem>> -> memref<1x128xi32, #tpu.memory_space<vmem>>
        %dma_wait3A_78 = tpu.memref_squeeze %dma_wait3A_77 : memref<1x128xi32, #tpu.memory_space<vmem>> -> memref<128xi32, #tpu.memory_space<vmem>>
        %dma_wait3A_79 = arith.constant 0 : i32
        %dma_wait3A_80 = arith.constant 0 : i32
        %dma_wait3A_81 = tpu.memref_slice %arg2[%dma_wait3A_79, %dma_wait3A_80] : memref<10240x128xf32, #tpu.memory_space<hbm>> -> memref<10240x128xf32, #tpu.memory_space<hbm>>
        tpu.wait_indirect_dma semaphore(%arg11 : memref<!tpu.dma_semaphore, #tpu.memory_space<semaphore_mem>>) src(%dma_wait3A_81 : memref<10240x128xf32, #tpu.memory_space<hbm>>) dst(%arg9 : memref<128x128xf32, #tpu.memory_space<vmem>>)
        %add3A_82 = arith.constant 2 : i32
        %add3A_83 = arith.addi %add3A_60, %add3A_82 : i32
        %lt3A = arith.constant 20 : i32
        %lt3A_84 = arith.cmpi slt, %add3A_83, %lt3A : i32
        %convert_element_type3A = arith.extui %lt3A_84 : i1 to i32
        %cond3A = arith.constant 0 : i32
        %cond3A_85 = arith.cmpi ne, %convert_element_type3A, %cond3A : i32
        scf.if %cond3A_85 {
          %add3A_88 = arith.constant 2 : i32
          %add3A_89 = arith.addi %add3A_60, %add3A_88 : i32
          %dma_start3A_90 = arith.constant 0 : i32
          %dma_start3A_91 = tpu.memref_slice %arg6[%add3A_89, %dma_start3A_90] : memref<20x128xi32, #tpu.memory_space<vmem>> -> memref<1x128xi32, #tpu.memory_space<vmem>>
          %dma_start3A_92 = tpu.memref_squeeze %dma_start3A_91 : memref<1x128xi32, #tpu.memory_space<vmem>> -> memref<128xi32, #tpu.memory_space<vmem>>
          %dma_start3A_93 = arith.constant 0 : i32
          %dma_start3A_94 = arith.constant 0 : i32
          %dma_start3A_95 = tpu.memref_slice %arg2[%dma_start3A_93, %dma_start3A_94] : memref<10240x128xf32, #tpu.memory_space<hbm>> -> memref<10240x128xf32, #tpu.memory_space<hbm>>
          tpu.enqueue_indirect_dma source(%dma_start3A_95 : memref<10240x128xf32, #tpu.memory_space<hbm>>) target(%arg8 : memref<128x128xf32, #tpu.memory_space<vmem>>) offsets(%dma_start3A_92 : memref<128xi32, #tpu.memory_space<vmem>>) semaphore(%arg11 : memref<!tpu.dma_semaphore, #tpu.memory_space<semaphore_mem>>)
        } else {
        }
        %add3A_86 = arith.constant 1 : i32
        %add3A_87 = arith.addi %add3A_60, %add3A_86 : i32
        "tpu.region"() ({
          %run_scoped3A = tpu.sem_alloc : memref<!tpu.dma_semaphore, #tpu.memory_space<semaphore_mem>>
          %dma_start3A_88 = arith.constant 0 : i32
          %dma_start3A_89 = tpu.memref_slice %arg7[%add3A_87, %dma_start3A_88] : memref<20x128xi32, #tpu.memory_space<vmem>> -> memref<1x128xi32, #tpu.memory_space<vmem>>
          %dma_start3A_90 = tpu.memref_squeeze %dma_start3A_89 : memref<1x128xi32, #tpu.memory_space<vmem>> -> memref<128xi32, #tpu.memory_space<vmem>>
          %dma_start3A_91 = arith.constant 0 : i32
          %dma_start3A_92 = arith.constant 0 : i32
          %dma_start3A_93 = tpu.memref_slice %arg10[%dma_start3A_91, %dma_start3A_92] : memref<10240x128xf32, #tpu.memory_space<vmem_shared>> -> memref<10240x128xf32, #tpu.memory_space<vmem_shared>>
          tpu.enqueue_indirect_dma source(%arg9 : memref<128x128xf32, #tpu.memory_space<vmem>>) target(%dma_start3A_93 : memref<10240x128xf32, #tpu.memory_space<vmem_shared>>) offsets(%dma_start3A_90 : memref<128xi32, #tpu.memory_space<vmem>>) semaphore(%run_scoped3A : memref<!tpu.dma_semaphore, #tpu.memory_space<semaphore_mem>>) {add = true}
          %dma_wait3A_94 = arith.constant 0 : i32
          %dma_wait3A_95 = tpu.memref_slice %arg7[%add3A_87, %dma_wait3A_94] : memref<20x128xi32, #tpu.memory_space<vmem>> -> memref<1x128xi32, #tpu.memory_space<vmem>>
          %dma_wait3A_96 = tpu.memref_squeeze %dma_wait3A_95 : memref<1x128xi32, #tpu.memory_space<vmem>> -> memref<128xi32, #tpu.memory_space<vmem>>
          %dma_wait3A_97 = arith.constant 0 : i32
          %dma_wait3A_98 = arith.constant 0 : i32
          %dma_wait3A_99 = tpu.memref_slice %arg10[%dma_wait3A_97, %dma_wait3A_98] : memref<10240x128xf32, #tpu.memory_space<vmem_shared>> -> memref<10240x128xf32, #tpu.memory_space<vmem_shared>>
          tpu.wait_indirect_dma semaphore(%run_scoped3A : memref<!tpu.dma_semaphore, #tpu.memory_space<semaphore_mem>>) src(%arg9 : memref<128x128xf32, #tpu.memory_space<vmem>>) dst(%dma_wait3A_99 : memref<10240x128xf32, #tpu.memory_space<vmem_shared>>)
          tpu.yield
        }) : () -> ()
        "tpu.trace_stop"() : () -> ()
      }
      %scan3A_55 = arith.constant 10 : i32
    }
    %while3A_34 = arith.constant 1 : i32
    scf.for %while3A_40 = %while3A_32 to %while3A_28 step %while3A_34  : i32 {
      %mul3A_41 = arith.muli %while3A_40, %while3A : i32
      %add3A_42 = arith.addi %while3A_25, %mul3A_41 : i32
      "tpu.trace_start"() <{level = 10 : i32, message = "idx_load"}> : () -> ()
      %add3A_43 = arith.addi %select_n3A_8, %add3A_42 : i32
      "tpu.region"() ({
        %run_scoped3A = tpu.sem_alloc : memref<!tpu.dma_semaphore, #tpu.memory_space<semaphore_mem>>
        %dma_start3A_56 = arith.constant 0 : i32
        %dma_start3A_57 = arith.constant 0 : i32
        %dma_start3A_58 = tpu.memref_slice %arg3[%add3A_43, %dma_start3A_56, %dma_start3A_57] : memref<128x20x128xi32, #tpu.memory_space<hbm>> -> memref<1x20x128xi32, #tpu.memory_space<hbm>>
        %dma_start3A_59 = tpu.memref_squeeze %dma_start3A_58 : memref<1x20x128xi32, #tpu.memory_space<hbm>> -> memref<20x128xi32, #tpu.memory_space<hbm>>
        %dma_start3A_60 = arith.constant 0 : i32
        %dma_start3A_61 = arith.constant 0 : i32
        %dma_start3A_62 = tpu.memref_slice %arg3[%add3A_43, %dma_start3A_60, %dma_start3A_61] : memref<128x20x128xi32, #tpu.memory_space<hbm>> -> memref<1x20x128xi32, #tpu.memory_space<hbm>>
        %dma_start3A_63 = tpu.memref_squeeze %dma_start3A_62 : memref<1x20x128xi32, #tpu.memory_space<hbm>> -> memref<20x128xi32, #tpu.memory_space<hbm>>
        tpu.enqueue_dma source(%dma_start3A_63 : memref<20x128xi32, #tpu.memory_space<hbm>>) target(%arg6 : memref<20x128xi32, #tpu.memory_space<vmem>>) target_semaphore(%run_scoped3A : memref<!tpu.dma_semaphore, #tpu.memory_space<semaphore_mem>>)
        %dma_wait3A = arith.constant 0 : i32
        %dma_wait3A_64 = arith.constant 0 : i32
        %dma_wait3A_65 = tpu.memref_slice %arg3[%add3A_43, %dma_wait3A, %dma_wait3A_64] : memref<128x20x128xi32, #tpu.memory_space<hbm>> -> memref<1x20x128xi32, #tpu.memory_space<hbm>>
        %dma_wait3A_66 = tpu.memref_squeeze %dma_wait3A_65 : memref<1x20x128xi32, #tpu.memory_space<hbm>> -> memref<20x128xi32, #tpu.memory_space<hbm>>
        %dma_wait3A_67 = arith.constant 0 : i32
        %dma_wait3A_68 = arith.constant 0 : i32
        %dma_wait3A_69 = tpu.memref_slice %arg3[%add3A_43, %dma_wait3A_67, %dma_wait3A_68] : memref<128x20x128xi32, #tpu.memory_space<hbm>> -> memref<1x20x128xi32, #tpu.memory_space<hbm>>
        %dma_wait3A_70 = tpu.memref_squeeze %dma_wait3A_69 : memref<1x20x128xi32, #tpu.memory_space<hbm>> -> memref<20x128xi32, #tpu.memory_space<hbm>>
        tpu.wait_dma2 semaphore(%run_scoped3A : memref<!tpu.dma_semaphore, #tpu.memory_space<semaphore_mem>>) src(%dma_wait3A_70 : memref<20x128xi32, #tpu.memory_space<hbm>>) dst(%arg6 : memref<20x128xi32, #tpu.memory_space<vmem>>)
        tpu.yield
      }) : () -> ()
      %add3A_44 = arith.addi %select_n3A_8, %add3A_42 : i32
      "tpu.region"() ({
        %run_scoped3A = tpu.sem_alloc : memref<!tpu.dma_semaphore, #tpu.memory_space<semaphore_mem>>
        %dma_start3A_56 = arith.constant 0 : i32
        %dma_start3A_57 = arith.constant 0 : i32
        %dma_start3A_58 = tpu.memref_slice %arg4[%add3A_44, %dma_start3A_56, %dma_start3A_57] : memref<128x20x128xi32, #tpu.memory_space<hbm>> -> memref<1x20x128xi32, #tpu.memory_space<hbm>>
        %dma_start3A_59 = tpu.memref_squeeze %dma_start3A_58 : memref<1x20x128xi32, #tpu.memory_space<hbm>> -> memref<20x128xi32, #tpu.memory_space<hbm>>
        %dma_start3A_60 = arith.constant 0 : i32
        %dma_start3A_61 = arith.constant 0 : i32
        %dma_start3A_62 = tpu.memref_slice %arg4[%add3A_44, %dma_start3A_60, %dma_start3A_61] : memref<128x20x128xi32, #tpu.memory_space<hbm>> -> memref<1x20x128xi32, #tpu.memory_space<hbm>>
        %dma_start3A_63 = tpu.memref_squeeze %dma_start3A_62 : memref<1x20x128xi32, #tpu.memory_space<hbm>> -> memref<20x128xi32, #tpu.memory_space<hbm>>
        tpu.enqueue_dma source(%dma_start3A_63 : memref<20x128xi32, #tpu.memory_space<hbm>>) target(%arg7 : memref<20x128xi32, #tpu.memory_space<vmem>>) target_semaphore(%run_scoped3A : memref<!tpu.dma_semaphore, #tpu.memory_space<semaphore_mem>>)
        %dma_wait3A = arith.constant 0 : i32
        %dma_wait3A_64 = arith.constant 0 : i32
        %dma_wait3A_65 = tpu.memref_slice %arg4[%add3A_44, %dma_wait3A, %dma_wait3A_64] : memref<128x20x128xi32, #tpu.memory_space<hbm>> -> memref<1x20x128xi32, #tpu.memory_space<hbm>>
        %dma_wait3A_66 = tpu.memref_squeeze %dma_wait3A_65 : memref<1x20x128xi32, #tpu.memory_space<hbm>> -> memref<20x128xi32, #tpu.memory_space<hbm>>
        %dma_wait3A_67 = arith.constant 0 : i32
        %dma_wait3A_68 = arith.constant 0 : i32
        %dma_wait3A_69 = tpu.memref_slice %arg4[%add3A_44, %dma_wait3A_67, %dma_wait3A_68] : memref<128x20x128xi32, #tpu.memory_space<hbm>> -> memref<1x20x128xi32, #tpu.memory_space<hbm>>
        %dma_wait3A_70 = tpu.memref_squeeze %dma_wait3A_69 : memref<1x20x128xi32, #tpu.memory_space<hbm>> -> memref<20x128xi32, #tpu.memory_space<hbm>>
        tpu.wait_dma2 semaphore(%run_scoped3A : memref<!tpu.dma_semaphore, #tpu.memory_space<semaphore_mem>>) src(%dma_wait3A_70 : memref<20x128xi32, #tpu.memory_space<hbm>>) dst(%arg7 : memref<20x128xi32, #tpu.memory_space<vmem>>)
        tpu.yield
      }) : () -> ()
      %dma_start3A = arith.constant 0 : i32
      "tpu.trace_stop"() : () -> ()
      %dma_start3A_45 = arith.constant 0 : i32
      %dma_start3A_46 = tpu.memref_slice %arg6[%dma_start3A, %dma_start3A_45] : memref<20x128xi32, #tpu.memory_space<vmem>> -> memref<1x128xi32, #tpu.memory_space<vmem>>
      %dma_start3A_47 = tpu.memref_squeeze %dma_start3A_46 : memref<1x128xi32, #tpu.memory_space<vmem>> -> memref<128xi32, #tpu.memory_space<vmem>>
      %dma_start3A_48 = arith.constant 0 : i32
      %dma_start3A_49 = arith.constant 0 : i32
      %dma_start3A_50 = tpu.memref_slice %arg2[%dma_start3A_48, %dma_start3A_49] : memref<10240x128xf32, #tpu.memory_space<hbm>> -> memref<10240x128xf32, #tpu.memory_space<hbm>>
      tpu.enqueue_indirect_dma source(%dma_start3A_50 : memref<10240x128xf32, #tpu.memory_space<hbm>>) target(%arg8 : memref<128x128xf32, #tpu.memory_space<vmem>>) offsets(%dma_start3A_47 : memref<128xi32, #tpu.memory_space<vmem>>) semaphore(%arg11 : memref<!tpu.dma_semaphore, #tpu.memory_space<semaphore_mem>>)
      %scan3A_51 = arith.constant 0 : i32
      %scan3A_52 = arith.constant 10 : i32
      %scan3A_53 = arith.addi %scan3A_51, %scan3A_52 : i32
      %scan3A_54 = arith.constant 1 : i32
      scf.for %scan3A_56 = %scan3A_51 to %scan3A_53 step %scan3A_54  : i32 {
        %mul3A_57 = arith.constant 2 : i32
        %mul3A_58 = arith.muli %scan3A_56, %mul3A_57 : i32
        %add3A_59 = arith.constant 0 : i32
        %add3A_60 = arith.addi %add3A_59, %mul3A_58 : i32
        "tpu.trace_start"() <{level = 10 : i32, message = "chunk_pair"}> : () -> ()
        %dma_wait3A = arith.constant 0 : i32
        %dma_wait3A_61 = tpu.memref_slice %arg6[%add3A_60, %dma_wait3A] : memref<20x128xi32, #tpu.memory_space<vmem>> -> memref<1x128xi32, #tpu.memory_space<vmem>>
        %dma_wait3A_62 = tpu.memref_squeeze %dma_wait3A_61 : memref<1x128xi32, #tpu.memory_space<vmem>> -> memref<128xi32, #tpu.memory_space<vmem>>
        %dma_wait3A_63 = arith.constant 0 : i32
        %dma_wait3A_64 = arith.constant 0 : i32
        %dma_wait3A_65 = tpu.memref_slice %arg2[%dma_wait3A_63, %dma_wait3A_64] : memref<10240x128xf32, #tpu.memory_space<hbm>> -> memref<10240x128xf32, #tpu.memory_space<hbm>>
        tpu.wait_indirect_dma semaphore(%arg11 : memref<!tpu.dma_semaphore, #tpu.memory_space<semaphore_mem>>) src(%dma_wait3A_65 : memref<10240x128xf32, #tpu.memory_space<hbm>>) dst(%arg8 : memref<128x128xf32, #tpu.memory_space<vmem>>)
        %add3A_66 = arith.constant 1 : i32
        %add3A_67 = arith.addi %add3A_60, %add3A_66 : i32
        %dma_start3A_68 = arith.constant 0 : i32
        %dma_start3A_69 = tpu.memref_slice %arg6[%add3A_67, %dma_start3A_68] : memref<20x128xi32, #tpu.memory_space<vmem>> -> memref<1x128xi32, #tpu.memory_space<vmem>>
        %dma_start3A_70 = tpu.memref_squeeze %dma_start3A_69 : memref<1x128xi32, #tpu.memory_space<vmem>> -> memref<128xi32, #tpu.memory_space<vmem>>
        %dma_start3A_71 = arith.constant 0 : i32
        %dma_start3A_72 = arith.constant 0 : i32
        %dma_start3A_73 = tpu.memref_slice %arg2[%dma_start3A_71, %dma_start3A_72] : memref<10240x128xf32, #tpu.memory_space<hbm>> -> memref<10240x128xf32, #tpu.memory_space<hbm>>
        tpu.enqueue_indirect_dma source(%dma_start3A_73 : memref<10240x128xf32, #tpu.memory_space<hbm>>) target(%arg9 : memref<128x128xf32, #tpu.memory_space<vmem>>) offsets(%dma_start3A_70 : memref<128xi32, #tpu.memory_space<vmem>>) semaphore(%arg11 : memref<!tpu.dma_semaphore, #tpu.memory_space<semaphore_mem>>)
        "tpu.region"() ({
          %run_scoped3A = tpu.sem_alloc : memref<!tpu.dma_semaphore, #tpu.memory_space<semaphore_mem>>
          %dma_start3A_88 = arith.constant 0 : i32
          %dma_start3A_89 = tpu.memref_slice %arg7[%add3A_60, %dma_start3A_88] : memref<20x128xi32, #tpu.memory_space<vmem>> -> memref<1x128xi32, #tpu.memory_space<vmem>>
          %dma_start3A_90 = tpu.memref_squeeze %dma_start3A_89 : memref<1x128xi32, #tpu.memory_space<vmem>> -> memref<128xi32, #tpu.memory_space<vmem>>
          %dma_start3A_91 = arith.constant 0 : i32
          %dma_start3A_92 = arith.constant 0 : i32
          %dma_start3A_93 = tpu.memref_slice %arg10[%dma_start3A_91, %dma_start3A_92] : memref<10240x128xf32, #tpu.memory_space<vmem_shared>> -> memref<10240x128xf32, #tpu.memory_space<vmem_shared>>
          tpu.enqueue_indirect_dma source(%arg8 : memref<128x128xf32, #tpu.memory_space<vmem>>) target(%dma_start3A_93 : memref<10240x128xf32, #tpu.memory_space<vmem_shared>>) offsets(%dma_start3A_90 : memref<128xi32, #tpu.memory_space<vmem>>) semaphore(%run_scoped3A : memref<!tpu.dma_semaphore, #tpu.memory_space<semaphore_mem>>) {add = true}
          %dma_wait3A_94 = arith.constant 0 : i32
          %dma_wait3A_95 = tpu.memref_slice %arg7[%add3A_60, %dma_wait3A_94] : memref<20x128xi32, #tpu.memory_space<vmem>> -> memref<1x128xi32, #tpu.memory_space<vmem>>
          %dma_wait3A_96 = tpu.memref_squeeze %dma_wait3A_95 : memref<1x128xi32, #tpu.memory_space<vmem>> -> memref<128xi32, #tpu.memory_space<vmem>>
          %dma_wait3A_97 = arith.constant 0 : i32
          %dma_wait3A_98 = arith.constant 0 : i32
          %dma_wait3A_99 = tpu.memref_slice %arg10[%dma_wait3A_97, %dma_wait3A_98] : memref<10240x128xf32, #tpu.memory_space<vmem_shared>> -> memref<10240x128xf32, #tpu.memory_space<vmem_shared>>
          tpu.wait_indirect_dma semaphore(%run_scoped3A : memref<!tpu.dma_semaphore, #tpu.memory_space<semaphore_mem>>) src(%arg8 : memref<128x128xf32, #tpu.memory_space<vmem>>) dst(%dma_wait3A_99 : memref<10240x128xf32, #tpu.memory_space<vmem_shared>>)
          tpu.yield
        }) : () -> ()
        %add3A_74 = arith.constant 1 : i32
        %add3A_75 = arith.addi %add3A_60, %add3A_74 : i32
        %dma_wait3A_76 = arith.constant 0 : i32
        %dma_wait3A_77 = tpu.memref_slice %arg6[%add3A_75, %dma_wait3A_76] : memref<20x128xi32, #tpu.memory_space<vmem>> -> memref<1x128xi32, #tpu.memory_space<vmem>>
        %dma_wait3A_78 = tpu.memref_squeeze %dma_wait3A_77 : memref<1x128xi32, #tpu.memory_space<vmem>> -> memref<128xi32, #tpu.memory_space<vmem>>
        %dma_wait3A_79 = arith.constant 0 : i32
        %dma_wait3A_80 = arith.constant 0 : i32
        %dma_wait3A_81 = tpu.memref_slice %arg2[%dma_wait3A_79, %dma_wait3A_80] : memref<10240x128xf32, #tpu.memory_space<hbm>> -> memref<10240x128xf32, #tpu.memory_space<hbm>>
        tpu.wait_indirect_dma semaphore(%arg11 : memref<!tpu.dma_semaphore, #tpu.memory_space<semaphore_mem>>) src(%dma_wait3A_81 : memref<10240x128xf32, #tpu.memory_space<hbm>>) dst(%arg9 : memref<128x128xf32, #tpu.memory_space<vmem>>)
        %add3A_82 = arith.constant 2 : i32
        %add3A_83 = arith.addi %add3A_60, %add3A_82 : i32
        %lt3A = arith.constant 20 : i32
        %lt3A_84 = arith.cmpi slt, %add3A_83, %lt3A : i32
        %convert_element_type3A = arith.extui %lt3A_84 : i1 to i32
        %cond3A = arith.constant 0 : i32
        %cond3A_85 = arith.cmpi ne, %convert_element_type3A, %cond3A : i32
        scf.if %cond3A_85 {
          %add3A_88 = arith.constant 2 : i32
          %add3A_89 = arith.addi %add3A_60, %add3A_88 : i32
          %dma_start3A_90 = arith.constant 0 : i32
          %dma_start3A_91 = tpu.memref_slice %arg6[%add3A_89, %dma_start3A_90] : memref<20x128xi32, #tpu.memory_space<vmem>> -> memref<1x128xi32, #tpu.memory_space<vmem>>
          %dma_start3A_92 = tpu.memref_squeeze %dma_start3A_91 : memref<1x128xi32, #tpu.memory_space<vmem>> -> memref<128xi32, #tpu.memory_space<vmem>>
          %dma_start3A_93 = arith.constant 0 : i32
          %dma_start3A_94 = arith.constant 0 : i32
          %dma_start3A_95 = tpu.memref_slice %arg2[%dma_start3A_93, %dma_start3A_94] : memref<10240x128xf32, #tpu.memory_space<hbm>> -> memref<10240x128xf32, #tpu.memory_space<hbm>>
          tpu.enqueue_indirect_dma source(%dma_start3A_95 : memref<10240x128xf32, #tpu.memory_space<hbm>>) target(%arg8 : memref<128x128xf32, #tpu.memory_space<vmem>>) offsets(%dma_start3A_92 : memref<128xi32, #tpu.memory_space<vmem>>) semaphore(%arg11 : memref<!tpu.dma_semaphore, #tpu.memory_space<semaphore_mem>>)
        } else {
        }
        %add3A_86 = arith.constant 1 : i32
        %add3A_87 = arith.addi %add3A_60, %add3A_86 : i32
        "tpu.region"() ({
          %run_scoped3A = tpu.sem_alloc : memref<!tpu.dma_semaphore, #tpu.memory_space<semaphore_mem>>
          %dma_start3A_88 = arith.constant 0 : i32
          %dma_start3A_89 = tpu.memref_slice %arg7[%add3A_87, %dma_start3A_88] : memref<20x128xi32, #tpu.memory_space<vmem>> -> memref<1x128xi32, #tpu.memory_space<vmem>>
          %dma_start3A_90 = tpu.memref_squeeze %dma_start3A_89 : memref<1x128xi32, #tpu.memory_space<vmem>> -> memref<128xi32, #tpu.memory_space<vmem>>
          %dma_start3A_91 = arith.constant 0 : i32
          %dma_start3A_92 = arith.constant 0 : i32
          %dma_start3A_93 = tpu.memref_slice %arg10[%dma_start3A_91, %dma_start3A_92] : memref<10240x128xf32, #tpu.memory_space<vmem_shared>> -> memref<10240x128xf32, #tpu.memory_space<vmem_shared>>
          tpu.enqueue_indirect_dma source(%arg9 : memref<128x128xf32, #tpu.memory_space<vmem>>) target(%dma_start3A_93 : memref<10240x128xf32, #tpu.memory_space<vmem_shared>>) offsets(%dma_start3A_90 : memref<128xi32, #tpu.memory_space<vmem>>) semaphore(%run_scoped3A : memref<!tpu.dma_semaphore, #tpu.memory_space<semaphore_mem>>) {add = true}
          %dma_wait3A_94 = arith.constant 0 : i32
          %dma_wait3A_95 = tpu.memref_slice %arg7[%add3A_87, %dma_wait3A_94] : memref<20x128xi32, #tpu.memory_space<vmem>> -> memref<1x128xi32, #tpu.memory_space<vmem>>
          %dma_wait3A_96 = tpu.memref_squeeze %dma_wait3A_95 : memref<1x128xi32, #tpu.memory_space<vmem>> -> memref<128xi32, #tpu.memory_space<vmem>>
          %dma_wait3A_97 = arith.constant 0 : i32
          %dma_wait3A_98 = arith.constant 0 : i32
          %dma_wait3A_99 = tpu.memref_slice %arg10[%dma_wait3A_97, %dma_wait3A_98] : memref<10240x128xf32, #tpu.memory_space<vmem_shared>> -> memref<10240x128xf32, #tpu.memory_space<vmem_shared>>
          tpu.wait_indirect_dma semaphore(%run_scoped3A : memref<!tpu.dma_semaphore, #tpu.memory_space<semaphore_mem>>) src(%arg9 : memref<128x128xf32, #tpu.memory_space<vmem>>) dst(%dma_wait3A_99 : memref<10240x128xf32, #tpu.memory_space<vmem_shared>>)
          tpu.yield
        }) : () -> ()
        "tpu.trace_stop"() : () -> ()
      }
      %scan3A_55 = arith.constant 10 : i32
    }
    "tpu.trace_start"() <{level = 10 : i32, message = "barrier1"}> : () -> ()
    %barrier3A_35 = arith.constant 0 : index
    tpu.barrier barrier_id(%barrier3A_35)
    "tpu.trace_stop"() : () -> ()
    "tpu.trace_start"() <{level = 10 : i32, message = "writeout"}> : () -> ()
    %mul3A_36 = arith.constant 640 : i32
    %mul3A_37 = arith.muli %arg1, %mul3A_36 : i32
    %mul3A_38 = arith.constant 640 : i32
    %mul3A_39 = arith.muli %arg1, %mul3A_38 : i32
    "tpu.region"() ({
      %run_scoped3A = tpu.sem_alloc : memref<!tpu.dma_semaphore, #tpu.memory_space<semaphore_mem>>
      %dma_start3A = arith.constant 0 : i32
      %dma_start3A_40 = tpu.memref_slice %arg5[%arg0, %mul3A_39, %dma_start3A] : memref<2x10240x128xf32, #tpu.memory_space<hbm>> -> memref<1x640x128xf32, #tpu.memory_space<hbm>>
      %dma_start3A_41 = tpu.memref_squeeze %dma_start3A_40 : memref<1x640x128xf32, #tpu.memory_space<hbm>> -> memref<640x128xf32, #tpu.memory_space<hbm>>
      %dma_start3A_42 = arith.constant 0 : i32
      %dma_start3A_43 = tpu.memref_slice %arg10[%mul3A_37, %dma_start3A_42] : memref<10240x128xf32, #tpu.memory_space<vmem_shared>> -> memref<640x128xf32, #tpu.memory_space<vmem_shared>>
      tpu.enqueue_dma source(%dma_start3A_43 : memref<640x128xf32, #tpu.memory_space<vmem_shared>>) target(%dma_start3A_41 : memref<640x128xf32, #tpu.memory_space<hbm>>) target_semaphore(%run_scoped3A : memref<!tpu.dma_semaphore, #tpu.memory_space<semaphore_mem>>)
      %dma_wait3A = arith.constant 0 : i32
      %dma_wait3A_44 = tpu.memref_slice %arg5[%arg0, %mul3A_39, %dma_wait3A] : memref<2x10240x128xf32, #tpu.memory_space<hbm>> -> memref<1x640x128xf32, #tpu.memory_space<hbm>>
      %dma_wait3A_45 = tpu.memref_squeeze %dma_wait3A_44 : memref<1x640x128xf32, #tpu.memory_space<hbm>> -> memref<640x128xf32, #tpu.memory_space<hbm>>
      %dma_wait3A_46 = arith.constant 0 : i32
      %dma_wait3A_47 = tpu.memref_slice %arg10[%mul3A_37, %dma_wait3A_46] : memref<10240x128xf32, #tpu.memory_space<vmem_shared>> -> memref<640x128xf32, #tpu.memory_space<vmem_shared>>
      tpu.wait_dma2 semaphore(%run_scoped3A : memref<!tpu.dma_semaphore, #tpu.memory_space<semaphore_mem>>) src(%dma_wait3A_47 : memref<640x128xf32, #tpu.memory_space<vmem_shared>>) dst(%dma_wait3A_45 : memref<640x128xf32, #tpu.memory_space<hbm>>)
      tpu.yield
    }) : () -> ()
    "tpu.trace_stop"() : () -> ()
    return
  }
}

module attributes {stable_mosaic.version = 14 : i64} {
  func.func @body(%arg0: i32, %arg1: memref<2x1024x128xf32, #tpu.memory_space<vmem>>, %arg2: memref<1024x128xf32, #tpu.memory_space<vmem>>, %arg3: memref<1024x1xf32, #tpu.memory_space<vmem>>, %arg4: memref<1024x128xf32, #tpu.memory_space<vmem>>) attributes {dimension_semantics = [#tpu.dimension_semantics<arbitrary>], iteration_bounds = array<i64: 10>, scalar_prefetch = 0 : i64, scratch_operands = 0 : i64, tpu.core_type = #tpu.core_type<tc>, window_params = [{transform_indices = @transform_0, window_bounds = array<i64: 2, 1024, 128>}, {transform_indices = @transform_1, window_bounds = array<i64: 1024, 128>}, {transform_indices = @transform_2, window_bounds = array<i64: 1024, 1>}, {transform_indices = @transform_3, window_bounds = array<i64: 1024, 128>}]} {
    %get3A = arith.constant 0 : index
    %get3A_0 = arith.constant 0 : index
    %get3A_1 = arith.constant 0 : index
    %get3A_2 = vector.load %arg1[%get3A, %get3A_0, %get3A_1] : memref<2x1024x128xf32, #tpu.memory_space<vmem>>, vector<1x1024x128xf32>
    %get3A_3 = vector.shape_cast %get3A_2 : vector<1x1024x128xf32> to vector<1024x128xf32>
    %get3A_4 = arith.constant 1 : index
    %get3A_5 = arith.constant 0 : index
    %get3A_6 = arith.constant 0 : index
    %get3A_7 = vector.load %arg1[%get3A_4, %get3A_5, %get3A_6] : memref<2x1024x128xf32, #tpu.memory_space<vmem>>, vector<1x1024x128xf32>
    %get3A_8 = vector.shape_cast %get3A_7 : vector<1x1024x128xf32> to vector<1024x128xf32>
    %add3A = arith.addf %get3A_3, %get3A_8 : vector<1024x128xf32>
    %reduce_sum3A = arith.constant dense<0.000000e+00> : vector<1024xf32>
    %reduce_sum3A_9 = vector.multi_reduction <add>, %add3A, %reduce_sum3A [1] : vector<1024x128xf32> to vector<1024xf32>
    %broadcast_in_dim3A = vector.shape_cast %reduce_sum3A_9 : vector<1024xf32> to vector<1024x1xf32>
    %mul3A = arith.constant 7.812500e-03 : f32
    %mul3A_10 = vector.broadcast %mul3A : f32 to vector<1024x1xf32>
    %mul3A_11 = arith.mulf %broadcast_in_dim3A, %mul3A_10 : vector<1024x1xf32>
    %add3A_12 = arith.constant 1.000000e+00 : f32
    %add3A_13 = vector.broadcast %add3A_12 : f32 to vector<1024x1xf32>
    %add3A_14 = arith.addf %add3A_13, %mul3A_11 : vector<1024x1xf32>
    %rsqrt3A = math.rsqrt %add3A_14 : vector<1024x1xf32>
    %swap3A = arith.constant 0 : index
    %swap3A_15 = arith.constant 0 : index
    %swap3A_16 = vector.load %arg3[%swap3A, %swap3A_15] : memref<1024x1xf32, #tpu.memory_space<vmem>>, vector<1024x1xf32>
    tpu.vector_store %arg3[%swap3A, %swap3A_15], %rsqrt3A {strides = array<i32>} : memref<1024x1xf32, #tpu.memory_space<vmem>>, vector<1024x1xf32>,
    %get3A_17 = arith.constant 0 : index
    %get3A_18 = arith.constant 0 : index
    %get3A_19 = vector.load %arg2[%get3A_17, %get3A_18] : memref<1024x128xf32, #tpu.memory_space<vmem>>, vector<1024x128xf32>
    %mul3A_20 = vector.broadcast %rsqrt3A : vector<1024x1xf32> to vector<1024x128xf32>
    %mul3A_21 = arith.mulf %get3A_19, %mul3A_20 : vector<1024x128xf32>
    %swap3A_22 = arith.constant 0 : index
    %swap3A_23 = arith.constant 0 : index
    %swap3A_24 = vector.load %arg4[%swap3A_22, %swap3A_23] : memref<1024x128xf32, #tpu.memory_space<vmem>>, vector<1024x128xf32>
    tpu.vector_store %arg4[%swap3A_22, %swap3A_23], %mul3A_21 {strides = array<i32>} : memref<1024x128xf32, #tpu.memory_space<vmem>>, vector<1024x128xf32>,
    return
  }
  func.func @transform_0(%arg0: i32) -> (i32, i32, i32) {
    %c0_i32 = arith.constant 0 : i32
    %c0_i32_0 = arith.constant 0 : i32
    %c0_i32_1 = arith.constant 0 : i32
    return %c0_i32, %arg0, %c0_i32_0 : i32, i32, i32
  }
  func.func @transform_1(%arg0: i32) -> (i32, i32) {
    %c0_i32 = arith.constant 0 : i32
    %c0_i32_0 = arith.constant 0 : i32
    return %arg0, %c0_i32 : i32, i32
  }
  func.func @transform_2(%arg0: i32) -> (i32, i32) {
    %c0_i32 = arith.constant 0 : i32
    %c0_i32_0 = arith.constant 0 : i32
    return %arg0, %c0_i32 : i32, i32
  }
  func.func @transform_3(%arg0: i32) -> (i32, i32) {
    %c0_i32 = arith.constant 0 : i32
    %c0_i32_0 = arith.constant 0 : i32
    return %arg0, %c0_i32 : i32, i32
  }
}

module attributes {stable_mosaic.version = 14 : i64} {
  func.func @body(%arg0: i32, %arg1: memref<2x1024x128xf32, #tpu.memory_space<vmem>>, %arg2: memref<1024x128xf32, #tpu.memory_space<vmem>>, %arg3: memref<1024x1xf32, #tpu.memory_space<vmem>>, %arg4: memref<128x256xf32, #tpu.memory_space<vmem>>, %arg5: memref<1x256xf32, #tpu.memory_space<vmem>>, %arg6: memref<256x128xf32, #tpu.memory_space<vmem>>, %arg7: memref<1024x128xf32, #tpu.memory_space<vmem>>) attributes {dimension_semantics = [#tpu.dimension_semantics<arbitrary>], iteration_bounds = array<i64: 10>, scalar_prefetch = 0 : i64, scratch_operands = 0 : i64, tpu.core_type = #tpu.core_type<tc>, window_params = [{transform_indices = @transform_0, window_bounds = array<i64: 2, 1024, 128>}, {transform_indices = @transform_1, window_bounds = array<i64: 1024, 128>}, {transform_indices = @transform_2, window_bounds = array<i64: 1024, 1>}, {pipeline_mode = #tpu.pipeline_mode<synchronous>, transform_indices = @transform_3, window_bounds = array<i64: 128, 256>}, {pipeline_mode = #tpu.pipeline_mode<synchronous>, transform_indices = @transform_4, window_bounds = array<i64: 1, 256>}, {pipeline_mode = #tpu.pipeline_mode<synchronous>, transform_indices = @transform_5, window_bounds = array<i64: 256, 128>}, {transform_indices = @transform_6, window_bounds = array<i64: 1024, 128>}]} {
    %get3A = arith.constant 0 : index
    %get3A_0 = arith.constant 0 : index
    %get3A_1 = vector.load %arg3[%get3A, %get3A_0] : memref<1024x1xf32, #tpu.memory_space<vmem>>, vector<1024x1xf32>
    %get3A_2 = arith.constant 0 : index
    %get3A_3 = arith.constant 0 : index
    %get3A_4 = arith.constant 0 : index
    %get3A_5 = vector.load %arg1[%get3A_2, %get3A_3, %get3A_4] : memref<2x1024x128xf32, #tpu.memory_space<vmem>>, vector<1x1024x128xf32>
    %get3A_6 = vector.shape_cast %get3A_5 : vector<1x1024x128xf32> to vector<1024x128xf32>
    %get3A_7 = arith.constant 1 : index
    %get3A_8 = arith.constant 0 : index
    %get3A_9 = arith.constant 0 : index
    %get3A_10 = vector.load %arg1[%get3A_7, %get3A_8, %get3A_9] : memref<2x1024x128xf32, #tpu.memory_space<vmem>>, vector<1x1024x128xf32>
    %get3A_11 = vector.shape_cast %get3A_10 : vector<1x1024x128xf32> to vector<1024x128xf32>
    %add3A = arith.addf %get3A_6, %get3A_11 : vector<1024x128xf32>
    %get3A_12 = arith.constant 0 : index
    %get3A_13 = arith.constant 0 : index
    %get3A_14 = vector.load %arg2[%get3A_12, %get3A_13] : memref<1024x128xf32, #tpu.memory_space<vmem>>, vector<1024x128xf32>
    %add3A_15 = arith.addf %add3A, %get3A_14 : vector<1024x128xf32>
    %mul3A = vector.broadcast %get3A_1 : vector<1024x1xf32> to vector<1024x128xf32>
    %mul3A_16 = arith.mulf %mul3A, %add3A_15 : vector<1024x128xf32>
    %get3A_17 = arith.constant 0 : index
    %get3A_18 = arith.constant 0 : index
    %get3A_19 = vector.load %arg4[%get3A_17, %get3A_18] : memref<128x256xf32, #tpu.memory_space<vmem>>, vector<128x256xf32>
    %dot_general3A = arith.constant dense<0.000000e+00> : vector<1024x256xf32>
    %dot_general3A_20 = tpu.matmul %mul3A_16, %get3A_19, %dot_general3A {dimension_numbers = #tpu.dot_dimension_numbers<[1], [0], [0], [1], [0, 0, 1, 1], [], []>, precision = #tpu.contract_precision<fp32>, transpose_lhs_hint = false} : vector<1024x128xf32>, vector<128x256xf32>, vector<1024x256xf32> -> vector<1024x256xf32>
    %get3A_21 = arith.constant 0 : index
    %get3A_22 = arith.constant 0 : index
    %get3A_23 = vector.load %arg5[%get3A_21, %get3A_22] : memref<1x256xf32, #tpu.memory_space<vmem>>, vector<1x256xf32>
    %add3A_24 = vector.broadcast %get3A_23 : vector<1x256xf32> to vector<1024x256xf32>
    %add3A_25 = arith.addf %dot_general3A_20, %add3A_24 : vector<1024x256xf32>
    %max3A = arith.constant 0.000000e+00 : f32
    %max3A_26 = vector.broadcast %max3A : f32 to vector<1024x256xf32>
    %max3A_27 = arith.maximumf %add3A_25, %max3A_26 : vector<1024x256xf32>
    %mul3A_28 = vector.broadcast %get3A_1 : vector<1024x1xf32> to vector<1024x256xf32>
    %mul3A_29 = arith.mulf %mul3A_28, %max3A_27 : vector<1024x256xf32>
    %get3A_30 = arith.constant 0 : index
    %get3A_31 = arith.constant 0 : index
    %get3A_32 = vector.load %arg6[%get3A_30, %get3A_31] : memref<256x128xf32, #tpu.memory_space<vmem>>, vector<256x128xf32>
    %dot_general3A_33 = arith.constant dense<0.000000e+00> : vector<1024x128xf32>
    %dot_general3A_34 = tpu.matmul %mul3A_29, %get3A_32, %dot_general3A_33 {dimension_numbers = #tpu.dot_dimension_numbers<[1], [0], [0], [1], [0, 0, 1, 1], [], []>, precision = #tpu.contract_precision<fp32>, transpose_lhs_hint = false} : vector<1024x256xf32>, vector<256x128xf32>, vector<1024x128xf32> -> vector<1024x128xf32>
    %swap3A = arith.constant 0 : index
    %swap3A_35 = arith.constant 0 : index
    %swap3A_36 = vector.load %arg7[%swap3A, %swap3A_35] : memref<1024x128xf32, #tpu.memory_space<vmem>>, vector<1024x128xf32>
    tpu.vector_store %arg7[%swap3A, %swap3A_35], %dot_general3A_34 {strides = array<i32>} : memref<1024x128xf32, #tpu.memory_space<vmem>>, vector<1024x128xf32>,
    return
  }
  func.func @transform_0(%arg0: i32) -> (i32, i32, i32) {
    %c0_i32 = arith.constant 0 : i32
    %c0_i32_0 = arith.constant 0 : i32
    %c0_i32_1 = arith.constant 0 : i32
    return %c0_i32, %arg0, %c0_i32_0 : i32, i32, i32
  }
  func.func @transform_1(%arg0: i32) -> (i32, i32) {
    %c0_i32 = arith.constant 0 : i32
    %c0_i32_0 = arith.constant 0 : i32
    return %arg0, %c0_i32 : i32, i32
  }
  func.func @transform_2(%arg0: i32) -> (i32, i32) {
    %c0_i32 = arith.constant 0 : i32
    %c0_i32_0 = arith.constant 0 : i32
    return %arg0, %c0_i32 : i32, i32
  }
  func.func @transform_3(%arg0: i32) -> (i32, i32) {
    %c0_i32 = arith.constant 0 : i32
    %c0_i32_0 = arith.constant 0 : i32
    %c0_i32_1 = arith.constant 0 : i32
    return %c0_i32, %c0_i32_0 : i32, i32
  }
  func.func @transform_4(%arg0: i32) -> (i32, i32) {
    %c0_i32 = arith.constant 0 : i32
    %c0_i32_0 = arith.constant 0 : i32
    %c0_i32_1 = arith.constant 0 : i32
    return %c0_i32, %c0_i32_0 : i32, i32
  }
  func.func @transform_5(%arg0: i32) -> (i32, i32) {
    %c0_i32 = arith.constant 0 : i32
    %c0_i32_0 = arith.constant 0 : i32
    %c0_i32_1 = arith.constant 0 : i32
    return %c0_i32, %c0_i32_0 : i32, i32
  }
  func.func @transform_6(%arg0: i32) -> (i32, i32) {
    %c0_i32 = arith.constant 0 : i32
    %c0_i32_0 = arith.constant 0 : i32
    return %arg0, %c0_i32 : i32, i32
  }
}

module attributes {stable_mosaic.version = 14 : i64} {
  func.func @body(%arg0: i32, %arg1: memref<2x1024x128xf32, #tpu.memory_space<vmem>>, %arg2: memref<1024x128xf32, #tpu.memory_space<vmem>>, %arg3: memref<1024x1xf32, #tpu.memory_space<vmem>>, %arg4: memref<1x128xf32, #tpu.memory_space<vmem>>, %arg5: memref<1024x128xf32, #tpu.memory_space<vmem>>) attributes {dimension_semantics = [#tpu.dimension_semantics<arbitrary>], iteration_bounds = array<i64: 10>, scalar_prefetch = 0 : i64, scratch_operands = 0 : i64, tpu.core_type = #tpu.core_type<tc>, window_params = [{transform_indices = @transform_0, window_bounds = array<i64: 2, 1024, 128>}, {transform_indices = @transform_1, window_bounds = array<i64: 1024, 128>}, {transform_indices = @transform_2, window_bounds = array<i64: 1024, 1>}, {pipeline_mode = #tpu.pipeline_mode<synchronous>, transform_indices = @transform_3, window_bounds = array<i64: 1, 128>}, {transform_indices = @transform_4, window_bounds = array<i64: 1024, 128>}]} {
    %get3A = arith.constant 0 : index
    %get3A_0 = arith.constant 0 : index
    %get3A_1 = vector.load %arg3[%get3A, %get3A_0] : memref<1024x1xf32, #tpu.memory_space<vmem>>, vector<1024x1xf32>
    %get3A_2 = arith.constant 0 : index
    %get3A_3 = arith.constant 0 : index
    %get3A_4 = arith.constant 0 : index
    %get3A_5 = vector.load %arg1[%get3A_2, %get3A_3, %get3A_4] : memref<2x1024x128xf32, #tpu.memory_space<vmem>>, vector<1x1024x128xf32>
    %get3A_6 = vector.shape_cast %get3A_5 : vector<1x1024x128xf32> to vector<1024x128xf32>
    %get3A_7 = arith.constant 1 : index
    %get3A_8 = arith.constant 0 : index
    %get3A_9 = arith.constant 0 : index
    %get3A_10 = vector.load %arg1[%get3A_7, %get3A_8, %get3A_9] : memref<2x1024x128xf32, #tpu.memory_space<vmem>>, vector<1x1024x128xf32>
    %get3A_11 = vector.shape_cast %get3A_10 : vector<1x1024x128xf32> to vector<1024x128xf32>
    %add3A = arith.addf %get3A_6, %get3A_11 : vector<1024x128xf32>
    %get3A_12 = arith.constant 0 : index
    %get3A_13 = arith.constant 0 : index
    %get3A_14 = vector.load %arg2[%get3A_12, %get3A_13] : memref<1024x128xf32, #tpu.memory_space<vmem>>, vector<1024x128xf32>
    %add3A_15 = arith.addf %add3A, %get3A_14 : vector<1024x128xf32>
    %mul3A = vector.broadcast %get3A_1 : vector<1024x1xf32> to vector<1024x128xf32>
    %mul3A_16 = arith.mulf %mul3A, %add3A_15 : vector<1024x128xf32>
    %get3A_17 = arith.constant 0 : index
    %get3A_18 = arith.constant 0 : index
    %get3A_19 = vector.load %arg4[%get3A_17, %get3A_18] : memref<1x128xf32, #tpu.memory_space<vmem>>, vector<1x128xf32>
    %add3A_20 = vector.broadcast %get3A_19 : vector<1x128xf32> to vector<1024x128xf32>
    %add3A_21 = arith.addf %mul3A_16, %add3A_20 : vector<1024x128xf32>
    %swap3A = arith.constant 0 : index
    %swap3A_22 = arith.constant 0 : index
    %swap3A_23 = vector.load %arg5[%swap3A, %swap3A_22] : memref<1024x128xf32, #tpu.memory_space<vmem>>, vector<1024x128xf32>
    tpu.vector_store %arg5[%swap3A, %swap3A_22], %add3A_21 {strides = array<i32>} : memref<1024x128xf32, #tpu.memory_space<vmem>>, vector<1024x128xf32>,
    return
  }
  func.func @transform_0(%arg0: i32) -> (i32, i32, i32) {
    %c0_i32 = arith.constant 0 : i32
    %c0_i32_0 = arith.constant 0 : i32
    %c0_i32_1 = arith.constant 0 : i32
    return %c0_i32, %arg0, %c0_i32_0 : i32, i32, i32
  }
  func.func @transform_1(%arg0: i32) -> (i32, i32) {
    %c0_i32 = arith.constant 0 : i32
    %c0_i32_0 = arith.constant 0 : i32
    return %arg0, %c0_i32 : i32, i32
  }
  func.func @transform_2(%arg0: i32) -> (i32, i32) {
    %c0_i32 = arith.constant 0 : i32
    %c0_i32_0 = arith.constant 0 : i32
    return %arg0, %c0_i32 : i32, i32
  }
  func.func @transform_3(%arg0: i32) -> (i32, i32) {
    %c0_i32 = arith.constant 0 : i32
    %c0_i32_0 = arith.constant 0 : i32
    %c0_i32_1 = arith.constant 0 : i32
    return %c0_i32, %c0_i32_0 : i32, i32
  }
  func.func @transform_4(%arg0: i32) -> (i32, i32) {
    %c0_i32 = arith.constant 0 : i32
    %c0_i32_0 = arith.constant 0 : i32
    return %arg0, %c0_i32 : i32, i32
  }
}

</mosaic_0001>

<sc_bundles>
// kernel: kernel.11.cloned.1.call-start
scs
__scs_entry_jumppad:
0x0: {  	(pc) =	sbr.rel $0x88, $3  }
0x1: {  	(tag) =	ssettag $0x0;
	lr =	simm.s32 $0x1  }
0x2: {  	[smem:$0x3F9B] =	sst lr;
	_ =	strace $0xD0000000  }
0x3: {  	_ = 	snop  }
0x4: {  	_ = 	snop  }
0x5: {  	_ = 	snop  }
0x6: {  	_ = 	snop  }
0x7: {  	_ = 	snop  }
__scs_overlays_trampoline_lowered:
0x8: {  	[smem:$0x3FAA] =	sst s0  }
0x9: {  	[smem:$0x3FAB] =	sst s1  }
0xa: {  	[smem:$0x3FAC] =	sst s2  }
0xb: {  	[smem:$0x3FAD] =	sst s3  }
0xc: {  	[smem:$0x3FAE] =	sst s4  }
0xd: {  	[smem:$0x3FAF] =	sst s5  }
0xe: {  	[smem:$0x3FB0] =	sst s6  }
0xf: {  	[smem:$0x3FB1] =	sst s7  }
0x10: {  	[smem:$0x3FB2] =	sst s8  }
0x11: {  	[smem:$0x3FB3] =	sst s9;
	s0 =	simm.s32 @!p0 $0x0  }
0x12: {  	s1 =	sld [smem:$0x3F99];
	s0 =	simm.s32 @p0 $0x1  }
0x13: {  	[smem:$0x3FB4] =	sst s0;
	s0 =	simm.s32 @!p1 $0x0  }
0x14: {  	s2 =	sld [smem:$0x3F98];
	s0 =	simm.s32 @p1 $0x1  }
0x15: {  	[smem:$0x3FB5] =	sst s0;
	s0 =	simm.s32 @!p2 $0x0  }
0x16: {  	s3 =	sld [smem:$0x3FDB];
	s0 =	simm.s32 @p2 $0x1  }
0x17: {  	s4 =	simm.s32 $0x1BF5;
	[smem:$0x3FB7] =	sst s0  }
0x18: {  	s0 =	sld [smem:$0x3F9A];
	_ =	swait.ge [sflag:s4], $0x0  }
0x19: {  	s7 =	sld [smem:$0x3F9B]  }
0x1a: {  	s8 =	sadd.s32 $0xFFFFE003, lr  }
0x1b: {  	s9 =	sadd.s32 $0xFFFFFEF7, lr;
	s5 =	simm.s32 $0xFFFFFFFF;
	p2 =	slt.u32 s8, $0xFFFFF086  }
0x1c: {  	p1 =	slt.u32 s9, $0xF7A;
	s5 =	simm.s32 @!p2 $0x0  }
0x1d: {  	s5 =	simm.s32 @p1 $0x1;
	p0 =	seq.s32 s7, s2  }
0x1e: {  	s7 =	smul.u32 @!p0 $0xF7A, s2;
	p2 =	seq.s32 @!p0 s5, $0x0  }
0x1f: {  	s9 =	smul.u32 $0xF7A, s1;
	s8 =	simm.s32 @!p0 $0x1BF5;
	p2 =	por !p2, p0  }
0x20: {  	[sflag:s8] =	ssyncset.s32 @!p0 $0xFFFFF086;
	s6 =	sadd.s32 @!p0 s3, s7;
	s7 =	simm.s32 @!p0 $0x108  }
0x21: {  	s3 =	sadd.s32 s3, s9;
	s6 =	sadd.s32 @!p0 $0x88, s6;
	s7 =	simm.s32 @p2 $0x1082  }
0x22: {  	[simem:s7], [sflag:s8] =	dma.local @!p0 [hbm:s6], $0xF7A  }
0x23: {  	s9 =	sor.u32 $0xD0000000, s2;
	s6 =	simm.s32 $0x108;
	_ =	swait.ge @!p0 [sflag:s8], $0x0  }
0x24: {  	s3 =	sadd.s32 $0x88, s3;
	s6 =	simm.s32 @!p1 $0x1082;
	[sflag:s4] =	ssyncset.s32 $0xFFFFF086  }
0x25: {  	[simem:s6], [sflag:s4] =	dma.local [hbm:s3], $0xF7A  }
0x26: {  	[smem:$0x3F9B] =	sst s1;
	(tag) =	ssettag s2;
	_ =	strace s9  }
0x27: {  	s1 =	sld [smem:$0x3FAB]  }
0x28: {  	s2 =	sld [smem:$0x3FAC]  }
0x29: {  	s4 =	sld [smem:$0x3FAE]  }
0x2a: {  	p0 =	seq.s32 s5, $0x0;
	s5 =	sld [smem:$0x3FAF]  }
0x2b: {  	s6 =	sld [smem:$0x3FB0]  }
0x2c: {  	s7 =	sld [smem:$0x3FB1]  }
0x2d: {  	s3 =	simm.s32 $0x108;
	s8 =	sld [smem:$0x3FB2]  }
0x2e: {  	s3 =	simm.s32 @!p0 $0x1082;
	s9 =	sld [smem:$0x3FB3]  }
0x2f: {  	lr =	sadd.s32 s0, s3;
	s0 =	sld [smem:$0x3FAA]  }
0x30: {  	s3 =	sld [smem:$0x3FAD]  }
0x31: {  	[smem:$0x3FB6] =	sst s10  }
0x32: {  	s10 =	sld [smem:$0x3FB4];
	_ =	sdelay $0x3  }
0x33: {  	p0 =	seq.s32 s10, $0x1;
	s10 =	sld [smem:$0x3FB6];
	_ =	sdelay $0x3  }
0x34: {  	[smem:$0x3FB6] =	sst s10  }
0x35: {  	s10 =	sld [smem:$0x3FB5];
	_ =	sdelay $0x3  }
0x36: {  	p1 =	seq.s32 s10, $0x1;
	s10 =	sld [smem:$0x3FB6];
	_ =	sdelay $0x3  }
0x37: {  	[smem:$0x3FB6] =	sst s10  }
0x38: {  	s10 =	sld [smem:$0x3FB7]  }
0x39: {  	_ = 	snop;
	(pc) =	sbr.ind lr, $3  }
0x3a: {  	_ = 	snop  }
0x3b: {  	_ = 	snop  }
0x3c: {  	p2 =	seq.s32 s10, $0x1;
	s10 =	sld [smem:$0x3FB6]  }
0x3d: {  	_ =	shalt  }
0x3e: {  	_ =	shalt  }
0x3f: {  	_ =	shalt  }
0x40: {  	_ =	shalt  }
0x41: {  	_ =	shalt  }
0x42: {  	_ =	shalt  }
0x43: {  	_ =	shalt  }
0x44: {  	_ =	shalt  }
0x45: {  	_ =	shalt  }
0x46: {  	_ =	shalt  }
0x47: {  	_ =	shalt  }
0x48: {  	_ =	shalt  }
0x49: {  	_ =	shalt  }
0x4a: {  	_ =	shalt  }
0x4b: {  	_ =	shalt  }
0x4c: {  	_ =	shalt  }
0x4d: {  	_ =	shalt  }
0x4e: {  	_ =	shalt  }
0x4f: {  	_ =	shalt  }
0x50: {  	_ =	shalt  }
0x51: {  	_ =	shalt  }
0x52: {  	_ =	shalt  }
0x53: {  	_ =	shalt  }
0x54: {  	_ =	shalt  }
0x55: {  	_ =	shalt  }
0x56: {  	_ =	shalt  }
0x57: {  	_ =	shalt  }
0x58: {  	_ =	shalt  }
0x59: {  	_ =	shalt  }
0x5a: {  	_ =	shalt  }
0x5b: {  	_ =	shalt  }
0x5c: {  	_ =	shalt  }
0x5d: {  	_ =	shalt  }
0x5e: {  	_ =	shalt  }
0x5f: {  	_ =	shalt  }
0x60: {  	_ =	shalt  }
0x61: {  	_ =	shalt  }
0x62: {  	_ =	shalt  }
0x63: {  	_ =	shalt  }
0x64: {  	_ =	shalt  }
0x65: {  	_ =	shalt  }
0x66: {  	_ =	shalt  }
0x67: {  	_ =	shalt  }
0x68: {  	_ =	shalt  }
0x69: {  	_ =	shalt  }
0x6a: {  	_ =	shalt  }
0x6b: {  	_ =	shalt  }
0x6c: {  	_ =	shalt  }
0x6d: {  	_ =	shalt  }
0x6e: {  	_ =	shalt  }
0x6f: {  	_ =	shalt  }
0x70: {  	_ =	shalt  }
0x71: {  	_ =	shalt  }
0x72: {  	_ =	shalt  }
0x73: {  	_ =	shalt  }
0x74: {  	_ =	shalt  }
0x75: {  	_ =	shalt  }
0x76: {  	_ =	shalt  }
0x77: {  	_ =	shalt  }
0x78: {  	_ =	shalt  }
0x79: {  	_ =	shalt  }
0x7a: {  	_ =	shalt  }
0x7b: {  	_ =	shalt  }
0x7c: {  	_ =	shalt  }
0x7d: {  	_ =	shalt  }
0x7e: {  	_ =	shalt  }
0x7f: {  	_ =	shalt  }
0x80: {  	_ =	shalt  }
0x81: {  	_ =	shalt  }
0x82: {  	_ =	shalt  }
0x83: {  	_ =	shalt  }
0x84: {  	_ =	shalt  }
0x85: {  	_ =	shalt  }
0x86: {  	_ =	shalt  }
0x87: {  	_ =	shalt  }
.Lfunc_end0:
.L_simem_size_0:
called_computation.1_lowered:
.L_overlay_start_0:
0x88: {  	s2 =	sld [smem:$0x3FD9]  }
0x89: {  	s3 =	sld [smem:$0x3FFE];
	_ =	sdelay $0x1  }
0x8a: {  	s1 =	srdreg.scid  }
0x8b: {  	s0 =	sand.u32 $0x1, s1  }
0x8c: {  	s17 =	sshll.u32 s0, $0xA;
	s2 =	sadd.s32 s3, s2  }
0x8d: {  	s2 =	sadd.s32 s2, s17  }
0x8e: {  	[smem:$0x3FC2] =	sst s2  }
0x8f: {  	_ = 	snop  }
0x90: {  	s2 =	sld [smem:$0x3FD0];
	(tm) =	ssettm $0x1  }
0x91: {  	s18 =	sld [smem:$0x3FFB];
	_ =	sdelay $0x3  }
0x92: {  	_ =	strace s18  }
0x93: {  	s3 =	sld [smem:$0x3FFC];
	_ =	sdelay $0x3  }
0x94: {  	_ =	strace s3  }
0x95: {  	s3 =	sld [smem:$0x3FFD];
	_ =	sdelay $0x3  }
0x96: {  	_ =	strace s3  }
0x97: {  	_ =	strace $0x8FFFFFFF  }
0x98: {  	s19 =	sld [smem:$0x3FDB];
	_ =	sdelay $0x1  }
0x99: {  	s4 =	simm.s32 $_scs_section_size  }
0x9a: {  	s5 =	simm.s32 $_size__tile_overlayer_lowered;
	s6 =	simm.s32 $_tile_overlayer_lowered  }
0x9b: {  	s22 =	simm.s32 $0x1BFF;
	s21 =	sshll.u32 s6, $0x1;
	s3 =	sadd.s32 s4, s19  }
0x9c: {  	s7 =	simm.s32 $0x0;
	s20 =	sshll.u32 s5, $0x1;
	s5 =	sadd.s32 s21, s3  }
0x9d: {  	[timem:s7], [sflag:s22] =	dma.local [hbm:s5], s20  }
0x9e: {  	_ =	swait.ge [sflag:s22], s20  }
0x9f: {  	s4 =	ssub.s32 $0x0, s20;
	[sflag:s22] =	ssyncset.done $0x0  }
0xa0: {  	[sflag:s22] =	ssyncadd.s32 s4;
	_ =	sdelay $0x1  }
0xa1: {  	s23 =	simm.s32 $0x1B8B  }
0xa2: {  	_ =	swait.ge [sflag:s23], $0x1  }
0xa3: {  	[sflag:s23] =	ssyncset.done $0x0  }
0xa4: {  	s25 =	simm.s32 $0x1B8E;
	s24 =	sld [smem:$0x3FFE];
	[sflag:s23] =	ssyncadd.s32 $0xFFFFFFFF  }
0xa5: {  	s26 =	simm.s32 $execute0_lowered;
	[smem:$0x3FD2] =	sst s25  }
0xa6: {  	s5 =	sshll.u32 s26, $0x1;
	_ =	strace $0x80000050;
	[dreg:$0x1] =	wrdreg $0xFFFFFFFF  }
0xa7: {  	s28 =	simm.s32 $_size_execute0_lowered;
	s3 =	sadd.s32 s3, s5;
	[dreg:$0x0] =	wrdreg $0x0  }
0xa8: {  	s5 =	sshll.u32 s28, $0x1;
	[dreg:$0x2] =	wrdreg s3  }
0xa9: {  	[dreg:$0x3] =	wrdreg s5  }
0xaa: {  	[dreg:$0x4] =	wrdreg $0xC0  }
0xab: {  	_ =	task [dreg:s7], $0x5FFFF  }
0xac: {  	[dreg:$0x1] =	wrdreg $0xFFFFFFFF  }
0xad: {  	[dreg:$0x0] =	wrdreg $0x60  }
0xae: {  	[dreg:$0x2] =	wrdreg s24  }
0xaf: {  	[dreg:$0x3] =	wrdreg s2  }
0xb0: {  	[dreg:$0x4] =	wrdreg $0x98000  }
0xb1: {  	[dreg:$0x5] =	wrdreg $0x9  }
0xb2: {  	_ =	task.clear_ibuf [dreg:s7], $0x6FFFF;
	_ =	strace $0x90000050  }
0xb3: {  	s29 =	simm.s32 $0x9;
	_ =	strace $0x80000059  }
0xb4: {  	_ =	swait.ge [sflag:s29], $0x1  }
0xb5: {  	[sflag:s29] =	ssyncadd.s32 $0xFFFFFFFF  }
0xb6: {  	_ =	strace $0x90000059  }
0xb7: {  	_ =	sfence  }
0xb8: {  	s30 =	sld [smem:$0x0];
	_ =	sdelay $0x2  }
0xb9: {  	s31 =	sshll.u32 s1, $0xD;
	s1 =	sshrl.u32 s1, $0x2  }
0xba: {  	s3 =	sand.u32 $0x4000, s31;
	s1 =	sadd.s32 s1, s30  }
0xbb: {  	s0 =	sor.u32 s3, s0;
	s1 =	sshll.u32 s1, $0x11  }
0xbc: {  	s0 =	sor.u32 s1, s0  }
0xbd: {  	s0 =	sadd.s32 $0x8F2B, s0  }
0xbe: {  	[sflag:s0] =	ssyncadd.remote.s32 $0x1  }
0xbf: {  	_ =	sfence.sel $0xFFFF  }
0xc0: {  	[dreg:$0x0] =	wrdreg $0xFFFFFFFF;
	(pc) =	sbr.abs _section_cstart, $3  }
0xc1: {  	[dreg:$0x1] =	wrdreg $0xFFFFFFFF  }
0xc2: {  	_ =	task.clear_ibuf [dreg:s7], $0x2FFFF;
	_ =	strace $0x9FFFFFFF  }
0xc3: {  	(tm) =	ssettm $0x7FFFFFFF  }
tec
execute0_lowered:
.L_overlay_start_1:
0x0: {  	(tag) =	ssettag $0x1  }
0x1: {  	s0 =	rddreg [dreg:$0x0]  }
0x2: {  	s2 =	rddreg [dreg:$0x1]  }
0x3: {  	s1 =	rddreg [dreg:$0x2];
	s4 =	srdreg.scid  }
0x4: {  	s3 =	simm.s32 $0x0;
	s10 =	stileid.u32;
	s20 =	simm.s32 $0x100  }
0x5: {  	s21 =	simm.s32 $0xC80;
	s22 =	simm.s32 $0x180;
	[smem:$0x7FF] =	sst s3  }
0x6: {  	s24 =	simm.s32 $0xD00;
	_ =	strace $0x80000051;
	[dreg:$0x6] =	wrdreg s20  }
0x7: {  	s26 =	simm.s32 $0x200;
	s11 =	simm.s32 $0x300;
	[dreg:$0x7] =	wrdreg s21  }
0x8: {  	s13 =	simm.s32 $0xE80;
	s7 =	smul.u32 $0x600, s10;
	[dreg:$0x8] =	wrdreg s22  }
0x9: {  	s15 =	simm.s32 $0x380;
	s9 =	smul.u32 $0x14000, s10;
	[dreg:$0x9] =	wrdreg s24  }
0xa: {  	s25 =	smul.u32 $0x50000, s10;
	s10 =	simm.s32 $0xE00;
	[dreg:$0xa] =	wrdreg s26  }
0xb: {  	s17 =	simm.s32 $0xF00;
	s28 =	simm.s32 $0x800;
	[dreg:$0xd] =	wrdreg s10  }
0xc: {  	s29 =	simm.s32 $0x1380;
	s5 =	sand.u32 $0x1, s4;
	[dreg:$0xe] =	wrdreg s11  }
0xd: {  	s30 =	simm.s32 $0x880;
	s4 =	smul.u32 $0x6000, s5;
	[dreg:$0xf] =	wrdreg s13  }
0xe: {  	s31 =	simm.s32 $0x1400;
	s6 =	smul.u32 $0x140000, s5;
	[dreg:$0x10] =	wrdreg s15  }
0xf: {  	s5 =	ssub.s32 $0x2, s5;
	[dreg:$0x11] =	wrdreg s17;
	s21 =	simm.s32 $0xF80  }
0x10: {  	s22 =	simm.s32 $0x480;
	s13 =	simm.s32 $0x2;
	[dreg:$0x13] =	wrdreg s21  }
0x11: {  	s24 =	simm.s32 $0x500;
	s15 =	simm.s32 $0x80;
	[dreg:$0x14] =	wrdreg s22  }
0x12: {  	s26 =	simm.s32 $0x580;
	s17 =	simm.s32 $0x5800;
	[dreg:$0x16] =	wrdreg s24  }
0x13: {  	s23 =	sshrl.u32 s5, $0x1;
	[dreg:$0x18] =	wrdreg s26;
	s21 =	simm.s32 $0x680  }
0x14: {  	s22 =	simm.s32 $0x1200;
	s24 =	simm.s32 $0x1280;
	s26 =	simm.s32 $0x1300  }
0x15: {  	s8 =	sadd.s32 s4, s0;
	s2 =	sadd.s32 s4, s2;
	s4 =	sadd.s32 $0xE600, s0  }
0x16: {  	s6 =	sadd.s32 s9, s6;
	s9 =	simm.s32 $0x280;
	s2 =	sadd.s32 s7, s2  }
0x17: {  	s7 =	sadd.s32 s7, s8;
	s6 =	sshrl.u32 s6, $0x3;
	[dreg:$0xc] =	wrdreg s9  }
0x18: {  	s8 =	sshrl.u32 s25, $0x2;
	s25 =	simm.s32 $0x1080;
	[dreg:$0x4] =	wrdreg s2  }
0x19: {  	s19 =	sadd.s32 $0x2600, s7;
	s0 =	sadd.s32 s6, s0;
	[dreg:$0x17] =	wrdreg s25  }
0x1a: {  	s6 =	ssub.s32 s5, s23;
	s5 =	simm.s32 $0xD80;
	[dreg:$0x5] =	wrdreg s19  }
0x1b: {  	s9 =	simm.s32 $0x0;
	s23 =	simm.s32 $0x1000;
	[dreg:$0xb] =	wrdreg s5  }
0x1c: {  	s25 =	simm.s32 $0x780;
	s0 =	sadd.s32 $0x36600, s0;
	[dreg:$0x15] =	wrdreg s23  }
0x1d: {  	s2 =	simm.s32 $0x1480;
	s12 =	smax.u32 s6, $0x1;
	[dreg:$0x1a] =	wrdreg s0  }
0x1e: {  	s7 =	simm.s32 $0x1500;
	s5 =	sadd.s32 s8, s1;
	[dreg:$0x1b] =	wrdreg s12  }
0x1f: {  	s19 =	simm.s32 $0x400;
	s23 =	simm.s32 $0x700;
	[dreg:$0x19] =	wrdreg s5  }
0x20: {  	s6 =	simm.s32 $0x980;
	s14 =	sadd.s32 $0x4000, s5;
	[dreg:$0x12] =	wrdreg s19  }
0x21: {  	s8 =	simm.s32 $0x1580;
	s16 =	sadd.s32 $0x8000, s5;
	[dreg:$0x1c] =	wrdreg s14  }
0x22: {  	s18 =	sadd.s32 $0xC000, s5;
	s20 =	sadd.s32 $0x10000, s5;
	[dreg:$0x1d] =	wrdreg s16  }
0x23: {  	s12 =	simm.s32 $0x1800;
	s19 =	simm.s32 $0x600;
	[dreg:$0x1e] =	wrdreg s18  }
0x24: {  	s0 =	simm.s32 $0x900;
	[dreg:$0x1f] =	wrdreg s20;
	s14 =	simm.s32 $0xC00  }
0x25: {  	v0 =	vimm.f32 $0.0e+00;
	s16 =	simm.s32 $0x1;
	s18 =	simm.s32 $0x1100;
	s20 =	simm.s32 $0x1180  }
.LBB2_1:
0x26: {  	_ =	strace $0x80000052;
	s10 =	simm.s32 $0x0;
	s11 =	simm.s32 $0x200  }
.LBB2_2:
0x27: {  	p0 =	sne.s32 s11, $0xFE00;
	[tilespmem:s10+$0x1870] =	vst v0  }
0x28: {  	[tilespmem:s10+$0x1800] =	vst v0  }
0x29: {  	[tilespmem:s10+$0x1810] =	vst v0  }
.Ltmp0:
0x2a: {  	[tilespmem:s10+$0x1820] =	vst v0;
	(pc) =	sbr.rel @p0 .LBB2_2-.Ltmp0, $4  }
0x2b: {  	[tilespmem:s10+$0x1830] =	vst v0  }
0x2c: {  	[tilespmem:s10+$0x1840] =	vst v0  }
0x2d: {  	[tilespmem:s10+$0x1850] =	vst v0  }
0x2e: {  	[tilespmem:s10+$0x1860] =	vst v0;
	s10 =	sshra.s32 s11, $0x2;
	s11 =	sadd.s32 $0x200, s11  }
0x2f: {  	[tilespmem:s10+$0x1870] =	vst v0  }
0x30: {  	[tilespmem:s10+$0x1800] =	vst v0  }
0x31: {  	[tilespmem:s10+$0x1810] =	vst v0  }
0x32: {  	[tilespmem:s10+$0x1820] =	vst v0  }
0x33: {  	[tilespmem:s10+$0x1830] =	vst v0  }
0x34: {  	[tilespmem:s10+$0x1840] =	vst v0  }
0x35: {  	[tilespmem:s10+$0x1850] =	vst v0  }
0x36: {  	[tilespmem:s10+$0x1860] =	vst v0  }
0x37: {  	_ =	strace $0x90000052  }
0x38: {  	_ =	strace $0x80000053  }
0x39: {  	s5 =	rddreg [dreg:$0x19]  }
0x3a: {  	[spmem:s5] =	stream.linear.scatter [tilespmem:s12], [sflag:$0x2], $0x4000, $0x200038;
	[tilespmem:$0x1D800] =	vst v63  }
0x3b: {  	_ =	swait.ge [sflag:s13], $0x4000  }
0x3c: {  	[sflag:s13] =	ssyncset.done $0x0  }
0x3d: {  	s10 =	rddreg [dreg:$0x1c];
	[sflag:s13] =	ssyncadd.s32 $0xFFFFC000  }
0x3e: {  	[spmem:s10] =	stream.linear.scatter [tilespmem:s12], [sflag:$0x2], $0x4000, $0x200038;
	[tilespmem:$0x1D800] =	vst v63  }
0x3f: {  	_ =	swait.ge [sflag:s13], $0x4000  }
0x40: {  	[sflag:s13] =	ssyncset.done $0x0  }
0x41: {  	s11 =	rddreg [dreg:$0x1d];
	[sflag:s13] =	ssyncadd.s32 $0xFFFFC000  }
0x42: {  	[spmem:s11] =	stream.linear.scatter [tilespmem:s12], [sflag:$0x2], $0x4000, $0x200038;
	[tilespmem:$0x1D800] =	vst v63  }
0x43: {  	_ =	swait.ge [sflag:s13], $0x4000  }
0x44: {  	[sflag:s13] =	ssyncset.done $0x0  }
0x45: {  	s10 =	rddreg [dreg:$0x1e];
	[sflag:s13] =	ssyncadd.s32 $0xFFFFC000  }
0x46: {  	[spmem:s10] =	stream.linear.scatter [tilespmem:s12], [sflag:$0x2], $0x4000, $0x200038;
	[tilespmem:$0x1D800] =	vst v63  }
0x47: {  	_ =	swait.ge [sflag:s13], $0x4000  }
0x48: {  	[sflag:s13] =	ssyncset.done $0x0  }
0x49: {  	s11 =	rddreg [dreg:$0x1f];
	[sflag:s13] =	ssyncadd.s32 $0xFFFFC000  }
0x4a: {  	[spmem:s11] =	stream.linear.scatter [tilespmem:s12], [sflag:$0x2], $0x4000, $0x200038;
	[tilespmem:$0x1D800] =	vst v63  }
0x4b: {  	_ =	swait.ge [sflag:s13], $0x4000  }
0x4c: {  	[sflag:s13] =	ssyncset.done $0x0  }
0x4d: {  	[sflag:s13] =	ssyncadd.s32 $0xFFFFC000  }
0x4e: {  	_ =	strace $0x90000053  }
0x4f: {  	_ =	strace $0x80000054  }
0x50: {  	[bflag:$0x0] =	sbarrier.arrive $0xFFFF  }
0x51: {  	_ =	strace $0x90000054  }
0x52: {  	_ =	strace $0x80000055  }
0x53: {  	s5 =	rddreg [dreg:$0x4]  }
0x54: {  	s10 =	sadd.s32 $0x0, s5  }
0x55: {  	[tilespmem:s3], [sflag:$0x2] =	stream.linear.gather [hbm4b:s10+s3], $0xA00, $0x200038;
	[tilespmem:$0x1D800] =	vst v63  }
0x56: {  	_ =	swait.ge [sflag:s13], $0xA00  }
0x57: {  	s11 =	rddreg [dreg:$0x5];
	[sflag:s13] =	ssyncset.done $0x0  }
0x58: {  	[sflag:s13] =	ssyncadd.s32 $0xFFFFF600;
	s10 =	sadd.s32 $0x0, s11  }
0x59: {  	[tilespmem:s14], [sflag:$0x2] =	stream.linear.gather [hbm4b:s10+s3], $0xA00, $0x200038;
	[tilespmem:$0x1D800] =	vst v63  }
0x5a: {  	_ =	swait.ge [sflag:s13], $0xA00  }
0x5b: {  	[sflag:s13] =	ssyncset.done $0x0  }
0x5c: {  	[sflag:s13] =	ssyncadd.s32 $0xFFFFF600  }
0x5d: {  	_ =	strace $0x90000055  }
0x5e: {  	[tilespmem:s12], [sflag:$0x1] =	stream.indirect.gather [hbm4b:s4+s15], $0x80, s3, s15, $0xb8;
	[tilespmem:$0x1D800] =	vst v63  }
0x5f: {  	_ =	strace $0x80000056  }
0x60: {  	_ =	swait.ge [sflag:s16], $0x4000  }
0x61: {  	[sflag:s16] =	ssyncset.done $0x0  }
0x62: {  	[sflag:s16] =	ssyncadd.s32 $0xFFFFC000  }
0x63: {  	[tilespmem:s17], [sflag:$0x1] =	stream.indirect.gather [hbm4b:s4+s15], $0x80, s15, s15, $0x2000b8;
	[tilespmem:$0x1D800] =	vst v63  }
0x64: {  	_ = 	snop  }
0x65: {  	[spmem:s1] =	stream.indirect.scatter.add.f32 [tilespmem:s12], [sflag:$0x2], $0x80, s14, s15, $0x2000b8;
	[tilespmem:$0x1D800] =	vst v63  }
0x66: {  	_ =	swait.ge [sflag:s13], $0x4000  }
0x67: {  	[sflag:s13] =	ssyncset.done $0x0  }
0x68: {  	[sflag:s13] =	ssyncadd.s32 $0xFFFFC000  }
0x69: {  	_ =	swait.ge [sflag:s16], $0x4000  }
0x6a: {  	[sflag:s16] =	ssyncset.done $0x0  }
0x6b: {  	s5 =	rddreg [dreg:$0x6];
	[sflag:s16] =	ssyncadd.s32 $0xFFFFC000  }
0x6c: {  	[tilespmem:s12], [sflag:$0x1] =	stream.indirect.gather [hbm4b:s4+s15], $0x80, s5, s15, $0x2000b8;
	[tilespmem:$0x1D800] =	vst v63  }
0x6d: {  	s11 =	rddreg [dreg:$0x7]  }
0x6e: {  	[spmem:s1] =	stream.indirect.scatter.add.f32 [tilespmem:s17], [sflag:$0x2], $0x80, s11, s15, $0x2000b8;
	[tilespmem:$0x1D800] =	vst v63  }
0x6f: {  	_ =	swait.ge [sflag:s13], $0x4000  }
0x70: {  	[sflag:s13] =	ssyncset.done $0x0  }
0x71: {  	[sflag:s13] =	ssyncadd.s32 $0xFFFFC000  }
0x72: {  	_ =	strace $0x90000056  }
0x73: {  	_ =	strace $0x80000056  }
0x74: {  	_ =	swait.ge [sflag:s16], $0x4000  }
0x75: {  	[sflag:s16] =	ssyncset.done $0x0  }
0x76: {  	s11 =	rddreg [dreg:$0x8];
	[sflag:s16] =	ssyncadd.s32 $0xFFFFC000  }
0x77: {  	[tilespmem:s17], [sflag:$0x1] =	stream.indirect.gather [hbm4b:s4+s15], $0x80, s11, s15, $0x2000b8;
	[tilespmem:$0x1D800] =	vst v63  }
0x78: {  	s5 =	rddreg [dreg:$0x9]  }
0x79: {  	[spmem:s1] =	stream.indirect.scatter.add.f32 [tilespmem:s12], [sflag:$0x2], $0x80, s5, s15, $0x2000b8;
	[tilespmem:$0x1D800] =	vst v63  }
0x7a: {  	_ =	swait.ge [sflag:s13], $0x4000  }
0x7b: {  	[sflag:s13] =	ssyncset.done $0x0  }
0x7c: {  	[sflag:s13] =	ssyncadd.s32 $0xFFFFC000  }
0x7d: {  	_ =	swait.ge [sflag:s16], $0x4000  }
0x7e: {  	[sflag:s16] =	ssyncset.done $0x0  }
0x7f: {  	s11 =	rddreg [dreg:$0xa];
	[sflag:s16] =	ssyncadd.s32 $0xFFFFC000  }
0x80: {  	[tilespmem:s12], [sflag:$0x1] =	stream.indirect.gather [hbm4b:s4+s15], $0x80, s11, s15, $0x2000b8;
	[tilespmem:$0x1D800] =	vst v63  }
0x81: {  	s5 =	rddreg [dreg:$0xb]  }
0x82: {  	[spmem:s1] =	stream.indirect.scatter.add.f32 [tilespmem:s17], [sflag:$0x2], $0x80, s5, s15, $0x2000b8;
	[tilespmem:$0x1D800] =	vst v63  }
0x83: {  	_ =	swait.ge [sflag:s13], $0x4000  }
0x84: {  	[sflag:s13] =	ssyncset.done $0x0  }
0x85: {  	[sflag:s13] =	ssyncadd.s32 $0xFFFFC000  }
0x86: {  	_ =	strace $0x90000056  }
0x87: {  	_ =	strace $0x80000056  }
0x88: {  	_ =	swait.ge [sflag:s16], $0x4000  }
0x89: {  	[sflag:s16] =	ssyncset.done $0x0  }
0x8a: {  	s11 =	rddreg [dreg:$0xc];
	[sflag:s16] =	ssyncadd.s32 $0xFFFFC000  }
0x8b: {  	[tilespmem:s17], [sflag:$0x1] =	stream.indirect.gather [hbm4b:s4+s15], $0x80, s11, s15, $0x2000b8;
	[tilespmem:$0x1D800] =	vst v63  }
0x8c: {  	s5 =	rddreg [dreg:$0xd]  }
0x8d: {  	[spmem:s1] =	stream.indirect.scatter.add.f32 [tilespmem:s12], [sflag:$0x2], $0x80, s5, s15, $0x2000b8;
	[tilespmem:$0x1D800] =	vst v63  }
0x8e: {  	_ =	swait.ge [sflag:s13], $0x4000  }
0x8f: {  	[sflag:s13] =	ssyncset.done $0x0  }
0x90: {  	[sflag:s13] =	ssyncadd.s32 $0xFFFFC000  }
0x91: {  	_ =	swait.ge [sflag:s16], $0x4000  }
0x92: {  	[sflag:s16] =	ssyncset.done $0x0  }
0x93: {  	s11 =	rddreg [dreg:$0xe];
	[sflag:s16] =	ssyncadd.s32 $0xFFFFC000  }
0x94: {  	[tilespmem:s12], [sflag:$0x1] =	stream.indirect.gather [hbm4b:s4+s15], $0x80, s11, s15, $0x2000b8;
	[tilespmem:$0x1D800] =	vst v63  }
0x95: {  	s5 =	rddreg [dreg:$0xf]  }
0x96: {  	[spmem:s1] =	stream.indirect.scatter.add.f32 [tilespmem:s17], [sflag:$0x2], $0x80, s5, s15, $0x2000b8;
	[tilespmem:$0x1D800] =	vst v63  }
0x97: {  	_ =	swait.ge [sflag:s13], $0x4000  }
0x98: {  	[sflag:s13] =	ssyncset.done $0x0  }
0x99: {  	[sflag:s13] =	ssyncadd.s32 $0xFFFFC000  }
0x9a: {  	_ =	strace $0x90000056  }
0x9b: {  	_ =	strace $0x80000056  }
0x9c: {  	_ =	swait.ge [sflag:s16], $0x4000  }
0x9d: {  	[sflag:s16] =	ssyncset.done $0x0  }
0x9e: {  	s11 =	rddreg [dreg:$0x10];
	[sflag:s16] =	ssyncadd.s32 $0xFFFFC000  }
0x9f: {  	[tilespmem:s17], [sflag:$0x1] =	stream.indirect.gather [hbm4b:s4+s15], $0x80, s11, s15, $0x2000b8;
	[tilespmem:$0x1D800] =	vst v63  }
0xa0: {  	s5 =	rddreg [dreg:$0x11]  }
0xa1: {  	[spmem:s1] =	stream.indirect.scatter.add.f32 [tilespmem:s12], [sflag:$0x2], $0x80, s5, s15, $0x2000b8;
	[tilespmem:$0x1D800] =	vst v63  }
0xa2: {  	_ =	swait.ge [sflag:s13], $0x4000  }
0xa3: {  	[sflag:s13] =	ssyncset.done $0x0  }
0xa4: {  	[sflag:s13] =	ssyncadd.s32 $0xFFFFC000  }
0xa5: {  	_ =	swait.ge [sflag:s16], $0x4000  }
0xa6: {  	[sflag:s16] =	ssyncset.done $0x0  }
0xa7: {  	s11 =	rddreg [dreg:$0x12];
	[sflag:s16] =	ssyncadd.s32 $0xFFFFC000  }
0xa8: {  	[tilespmem:s12], [sflag:$0x1] =	stream.indirect.gather [hbm4b:s4+s15], $0x80, s11, s15, $0x2000b8;
	[tilespmem:$0x1D800] =	vst v63  }
0xa9: {  	s5 =	rddreg [dreg:$0x13]  }
0xaa: {  	[spmem:s1] =	stream.indirect.scatter.add.f32 [tilespmem:s17], [sflag:$0x2], $0x80, s5, s15, $0x2000b8;
	[tilespmem:$0x1D800] =	vst v63  }
0xab: {  	_ =	swait.ge [sflag:s13], $0x4000  }
0xac: {  	[sflag:s13] =	ssyncset.done $0x0  }
0xad: {  	[sflag:s13] =	ssyncadd.s32 $0xFFFFC000  }
0xae: {  	_ =	strace $0x90000056  }
0xaf: {  	_ =	strace $0x80000056  }
0xb0: {  	_ =	swait.ge [sflag:s16], $0x4000  }
0xb1: {  	[sflag:s16] =	ssyncset.done $0x0  }
0xb2: {  	s11 =	rddreg [dreg:$0x14];
	[sflag:s16] =	ssyncadd.s32 $0xFFFFC000  }
0xb3: {  	[tilespmem:s17], [sflag:$0x1] =	stream.indirect.gather [hbm4b:s4+s15], $0x80, s11, s15, $0x2000b8;
	[tilespmem:$0x1D800] =	vst v63  }
0xb4: {  	s5 =	rddreg [dreg:$0x15]  }
0xb5: {  	[spmem:s1] =	stream.indirect.scatter.add.f32 [tilespmem:s12], [sflag:$0x2], $0x80, s5, s15, $0x2000b8;
	[tilespmem:$0x1D800] =	vst v63  }
0xb6: {  	_ =	swait.ge [sflag:s13], $0x4000  }
0xb7: {  	[sflag:s13] =	ssyncset.done $0x0  }
0xb8: {  	[sflag:s13] =	ssyncadd.s32 $0xFFFFC000  }
0xb9: {  	_ =	swait.ge [sflag:s16], $0x4000  }
0xba: {  	[sflag:s16] =	ssyncset.done $0x0  }
0xbb: {  	s11 =	rddreg [dreg:$0x16];
	[sflag:s16] =	ssyncadd.s32 $0xFFFFC000  }
0xbc: {  	[tilespmem:s12], [sflag:$0x1] =	stream.indirect.gather [hbm4b:s4+s15], $0x80, s11, s15, $0x2000b8;
	[tilespmem:$0x1D800] =	vst v63  }
0xbd: {  	s5 =	rddreg [dreg:$0x17]  }
0xbe: {  	[spmem:s1] =	stream.indirect.scatter.add.f32 [tilespmem:s17], [sflag:$0x2], $0x80, s5, s15, $0x2000b8;
	[tilespmem:$0x1D800] =	vst v63  }
0xbf: {  	_ =	swait.ge [sflag:s13], $0x4000  }
0xc0: {  	[sflag:s13] =	ssyncset.done $0x0  }
0xc1: {  	[sflag:s13] =	ssyncadd.s32 $0xFFFFC000  }
0xc2: {  	_ =	strace $0x90000056  }
0xc3: {  	_ =	strace $0x80000056  }
0xc4: {  	_ =	swait.ge [sflag:s16], $0x4000  }
0xc5: {  	[sflag:s16] =	ssyncset.done $0x0  }
0xc6: {  	s11 =	rddreg [dreg:$0x18];
	[sflag:s16] =	ssyncadd.s32 $0xFFFFC000  }
0xc7: {  	[tilespmem:s17], [sflag:$0x1] =	stream.indirect.gather [hbm4b:s4+s15], $0x80, s11, s15, $0x2000b8;
	[tilespmem:$0x1D800] =	vst v63  }
0xc8: {  	_ = 	snop  }
0xc9: {  	[spmem:s1] =	stream.indirect.scatter.add.f32 [tilespmem:s12], [sflag:$0x2], $0x80, s18, s15, $0x2000b8;
	[tilespmem:$0x1D800] =	vst v63  }
0xca: {  	_ =	swait.ge [sflag:s13], $0x4000  }
0xcb: {  	[sflag:s13] =	ssyncset.done $0x0  }
0xcc: {  	[sflag:s13] =	ssyncadd.s32 $0xFFFFC000  }
0xcd: {  	_ =	swait.ge [sflag:s16], $0x4000  }
0xce: {  	[sflag:s16] =	ssyncset.done $0x0  }
0xcf: {  	[sflag:s16] =	ssyncadd.s32 $0xFFFFC000  }
0xd0: {  	[tilespmem:s12], [sflag:$0x1] =	stream.indirect.gather [hbm4b:s4+s15], $0x80, s19, s15, $0x2000b8;
	[tilespmem:$0x1D800] =	vst v63  }
0xd1: {  	_ = 	snop  }
0xd2: {  	[spmem:s1] =	stream.indirect.scatter.add.f32 [tilespmem:s17], [sflag:$0x2], $0x80, s20, s15, $0x2000b8;
	[tilespmem:$0x1D800] =	vst v63  }
0xd3: {  	_ =	swait.ge [sflag:s13], $0x4000  }
0xd4: {  	[sflag:s13] =	ssyncset.done $0x0  }
0xd5: {  	[sflag:s13] =	ssyncadd.s32 $0xFFFFC000  }
0xd6: {  	_ =	strace $0x90000056  }
0xd7: {  	_ =	strace $0x80000056  }
0xd8: {  	_ =	swait.ge [sflag:s16], $0x4000  }
0xd9: {  	[sflag:s16] =	ssyncset.done $0x0  }
0xda: {  	[sflag:s16] =	ssyncadd.s32 $0xFFFFC000  }
0xdb: {  	[tilespmem:s17], [sflag:$0x1] =	stream.indirect.gather [hbm4b:s4+s15], $0x80, s21, s15, $0x2000b8;
	[tilespmem:$0x1D800] =	vst v63  }
0xdc: {  	_ = 	snop  }
0xdd: {  	[spmem:s1] =	stream.indirect.scatter.add.f32 [tilespmem:s12], [sflag:$0x2], $0x80, s22, s15, $0x2000b8;
	[tilespmem:$0x1D800] =	vst v63  }
0xde: {  	_ =	swait.ge [sflag:s13], $0x4000  }
0xdf: {  	[sflag:s13] =	ssyncset.done $0x0  }
0xe0: {  	[sflag:s13] =	ssyncadd.s32 $0xFFFFC000  }
0xe1: {  	_ =	swait.ge [sflag:s16], $0x4000  }
0xe2: {  	[sflag:s16] =	ssyncset.done $0x0  }
0xe3: {  	[sflag:s16] =	ssyncadd.s32 $0xFFFFC000  }
0xe4: {  	[tilespmem:s12], [sflag:$0x1] =	stream.indirect.gather [hbm4b:s4+s15], $0x80, s23, s15, $0x2000b8;
	[tilespmem:$0x1D800] =	vst v63  }
0xe5: {  	_ = 	snop  }
0xe6: {  	[spmem:s1] =	stream.indirect.scatter.add.f32 [tilespmem:s17], [sflag:$0x2], $0x80, s24, s15, $0x2000b8;
	[tilespmem:$0x1D800] =	vst v63  }
0xe7: {  	_ =	swait.ge [sflag:s13], $0x4000  }
0xe8: {  	[sflag:s13] =	ssyncset.done $0x0  }
0xe9: {  	[sflag:s13] =	ssyncadd.s32 $0xFFFFC000  }
0xea: {  	_ =	strace $0x90000056  }
0xeb: {  	_ =	strace $0x80000056  }
0xec: {  	_ =	swait.ge [sflag:s16], $0x4000  }
0xed: {  	[sflag:s16] =	ssyncset.done $0x0  }
0xee: {  	[sflag:s16] =	ssyncadd.s32 $0xFFFFC000  }
0xef: {  	[tilespmem:s17], [sflag:$0x1] =	stream.indirect.gather [hbm4b:s4+s15], $0x80, s25, s15, $0x2000b8;
	[tilespmem:$0x1D800] =	vst v63  }
0xf0: {  	_ = 	snop  }
0xf1: {  	[spmem:s1] =	stream.indirect.scatter.add.f32 [tilespmem:s12], [sflag:$0x2], $0x80, s26, s15, $0x2000b8;
	[tilespmem:$0x1D800] =	vst v63  }
0xf2: {  	_ =	swait.ge [sflag:s13], $0x4000  }
0xf3: {  	[sflag:s13] =	ssyncset.done $0x0  }
0xf4: {  	[sflag:s13] =	ssyncadd.s32 $0xFFFFC000  }
0xf5: {  	_ =	swait.ge [sflag:s16], $0x4000  }
0xf6: {  	[sflag:s16] =	ssyncset.done $0x0  }
0xf7: {  	[sflag:s16] =	ssyncadd.s32 $0xFFFFC000  }
0xf8: {  	[tilespmem:s12], [sflag:$0x1] =	stream.indirect.gather [hbm4b:s4+s15], $0x80, s28, s15, $0x2000b8;
	[tilespmem:$0x1D800] =	vst v63  }
0xf9: {  	_ = 	snop  }
0xfa: {  	[spmem:s1] =	stream.indirect.scatter.add.f32 [tilespmem:s17], [sflag:$0x2], $0x80, s29, s15, $0x2000b8;
	[tilespmem:$0x1D800] =	vst v63  }
0xfb: {  	_ =	swait.ge [sflag:s13], $0x4000  }
0xfc: {  	[sflag:s13] =	ssyncset.done $0x0  }
0xfd: {  	[sflag:s13] =	ssyncadd.s32 $0xFFFFC000  }
0xfe: {  	_ =	strace $0x90000056  }
0xff: {  	_ =	strace $0x80000056  }
0x100: {  	_ =	swait.ge [sflag:s16], $0x4000  }
0x101: {  	[sflag:s16] =	ssyncset.done $0x0  }
0x102: {  	[sflag:s16] =	ssyncadd.s32 $0xFFFFC000  }
0x103: {  	[tilespmem:s17], [sflag:$0x1] =	stream.indirect.gather [hbm4b:s4+s15], $0x80, s30, s15, $0x2000b8;
	[tilespmem:$0x1D800] =	vst v63  }
0x104: {  	_ = 	snop  }
0x105: {  	[spmem:s1] =	stream.indirect.scatter.add.f32 [tilespmem:s12], [sflag:$0x2], $0x80, s31, s15, $0x2000b8;
	[tilespmem:$0x1D800] =	vst v63  }
0x106: {  	_ =	swait.ge [sflag:s13], $0x4000  }
0x107: {  	[sflag:s13] =	ssyncset.done $0x0  }
0x108: {  	[sflag:s13] =	ssyncadd.s32 $0xFFFFC000  }
0x109: {  	_ =	swait.ge [sflag:s16], $0x4000  }
0x10a: {  	[sflag:s16] =	ssyncset.done $0x0  }
0x10b: {  	[sflag:s16] =	ssyncadd.s32 $0xFFFFC000  }
0x10c: {  	[tilespmem:s12], [sflag:$0x1] =	stream.indirect.gather [hbm4b:s4+s15], $0x80, s0, s15, $0x2000b8;
	[tilespmem:$0x1D800] =	vst v63  }
0x10d: {  	_ = 	snop  }
0x10e: {  	[spmem:s1] =	stream.indirect.scatter.add.f32 [tilespmem:s17], [sflag:$0x2], $0x80, s2, s15, $0x2000b8;
	[tilespmem:$0x1D800] =	vst v63  }
0x10f: {  	_ =	swait.ge [sflag:s13], $0x4000  }
0x110: {  	[sflag:s13] =	ssyncset.done $0x0  }
0x111: {  	[sflag:s13] =	ssyncadd.s32 $0xFFFFC000  }
0x112: {  	_ =	strace $0x90000056  }
0x113: {  	_ =	strace $0x80000056  }
0x114: {  	_ =	swait.ge [sflag:s16], $0x4000  }
0x115: {  	[sflag:s16] =	ssyncset.done $0x0  }
0x116: {  	[sflag:s16] =	ssyncadd.s32 $0xFFFFC000  }
0x117: {  	[tilespmem:s17], [sflag:$0x1] =	stream.indirect.gather [hbm4b:s4+s15], $0x80, s6, s15, $0x2000b8;
	[tilespmem:$0x1D800] =	vst v63  }
0x118: {  	_ = 	snop  }
0x119: {  	[spmem:s1] =	stream.indirect.scatter.add.f32 [tilespmem:s12], [sflag:$0x2], $0x80, s7, s15, $0x2000b8;
	[tilespmem:$0x1D800] =	vst v63  }
0x11a: {  	_ =	swait.ge [sflag:s13], $0x4000  }
0x11b: {  	[sflag:s13] =	ssyncset.done $0x0  }
0x11c: {  	[sflag:s13] =	ssyncadd.s32 $0xFFFFC000  }
0x11d: {  	_ =	swait.ge [sflag:s16], $0x4000  }
0x11e: {  	[sflag:s16] =	ssyncset.done $0x0  }
0x11f: {  	[sflag:s16] =	ssyncadd.s32 $0xFFFFC000  }
0x120: {  	[spmem:s1] =	stream.indirect.scatter.add.f32 [tilespmem:s17], [sflag:$0x2], $0x80, s8, s15, $0x2000b8;
	[tilespmem:$0x1D800] =	vst v63  }
0x121: {  	_ =	swait.ge [sflag:s13], $0x4000  }
0x122: {  	[sflag:s13] =	ssyncset.done $0x0  }
0x123: {  	s10 =	simm.s32 $0x180;
	[sflag:s13] =	ssyncadd.s32 $0xFFFFC000  }
.LBB2_4:
0x124: {  	_ =	strace $0x90000056  }
0x125: {  	_ =	strace $0x80000055  }
0x126: {  	s11 =	smov.u32 s10;
	s5 =	rddreg [dreg:$0x4]  }
0x127: {  	s5 =	sadd.s32 s11, s5  }
0x128: {  	[tilespmem:s3], [sflag:$0x2] =	stream.linear.gather [hbm4b:s5+s3], $0xA00, $0x200038;
	[tilespmem:$0x1D800] =	vst v63  }
0x129: {  	_ =	swait.ge [sflag:s13], $0xA00  }
0x12a: {  	s5 =	rddreg [dreg:$0x5];
	[sflag:s13] =	ssyncset.done $0x0  }
0x12b: {  	[sflag:s13] =	ssyncadd.s32 $0xFFFFF600;
	s5 =	sadd.s32 s11, s5  }
0x12c: {  	[tilespmem:s14], [sflag:$0x2] =	stream.linear.gather [hbm4b:s5+s3], $0xA00, $0x200038;
	[tilespmem:$0x1D800] =	vst v63  }
0x12d: {  	_ =	swait.ge [sflag:s13], $0xA00  }
0x12e: {  	[sflag:s13] =	ssyncset.done $0x0  }
0x12f: {  	[sflag:s13] =	ssyncadd.s32 $0xFFFFF600  }
0x130: {  	_ =	strace $0x90000055  }
0x131: {  	[tilespmem:s12], [sflag:$0x1] =	stream.indirect.gather [hbm4b:s4+s15], $0x80, s3, s15, $0xb8;
	[tilespmem:$0x1D800] =	vst v63  }
0x132: {  	_ =	strace $0x80000056  }
0x133: {  	_ =	swait.ge [sflag:s16], $0x4000  }
0x134: {  	[sflag:s16] =	ssyncset.done $0x0  }
0x135: {  	[sflag:s16] =	ssyncadd.s32 $0xFFFFC000  }
0x136: {  	[tilespmem:s17], [sflag:$0x1] =	stream.indirect.gather [hbm4b:s4+s15], $0x80, s15, s15, $0x2000b8;
	[tilespmem:$0x1D800] =	vst v63  }
0x137: {  	_ = 	snop  }
0x138: {  	[spmem:s1] =	stream.indirect.scatter.add.f32 [tilespmem:s12], [sflag:$0x2], $0x80, s14, s15, $0x2000b8;
	[tilespmem:$0x1D800] =	vst v63  }
0x139: {  	_ =	swait.ge [sflag:s13], $0x4000  }
0x13a: {  	[sflag:s13] =	ssyncset.done $0x0  }
0x13b: {  	[sflag:s13] =	ssyncadd.s32 $0xFFFFC000  }
0x13c: {  	_ =	swait.ge [sflag:s16], $0x4000  }
0x13d: {  	[sflag:s16] =	ssyncset.done $0x0  }
0x13e: {  	s5 =	rddreg [dreg:$0x6];
	[sflag:s16] =	ssyncadd.s32 $0xFFFFC000  }
0x13f: {  	[tilespmem:s12], [sflag:$0x1] =	stream.indirect.gather [hbm4b:s4+s15], $0x80, s5, s15, $0x2000b8;
	[tilespmem:$0x1D800] =	vst v63  }
0x140: {  	s11 =	rddreg [dreg:$0x7]  }
0x141: {  	[spmem:s1] =	stream.indirect.scatter.add.f32 [tilespmem:s17], [sflag:$0x2], $0x80, s11, s15, $0x2000b8;
	[tilespmem:$0x1D800] =	vst v63  }
0x142: {  	_ =	swait.ge [sflag:s13], $0x4000  }
0x143: {  	[sflag:s13] =	ssyncset.done $0x0  }
0x144: {  	[sflag:s13] =	ssyncadd.s32 $0xFFFFC000  }
0x145: {  	_ =	strace $0x90000056  }
0x146: {  	_ =	strace $0x80000056  }
0x147: {  	_ =	swait.ge [sflag:s16], $0x4000  }
0x148: {  	[sflag:s16] =	ssyncset.done $0x0  }
0x149: {  	s5 =	rddreg [dreg:$0x8];
	[sflag:s16] =	ssyncadd.s32 $0xFFFFC000  }
0x14a: {  	[tilespmem:s17], [sflag:$0x1] =	stream.indirect.gather [hbm4b:s4+s15], $0x80, s5, s15, $0x2000b8;
	[tilespmem:$0x1D800] =	vst v63  }
0x14b: {  	s11 =	rddreg [dreg:$0x9]  }
0x14c: {  	[spmem:s1] =	stream.indirect.scatter.add.f32 [tilespmem:s12], [sflag:$0x2], $0x80, s11, s15, $0x2000b8;
	[tilespmem:$0x1D800] =	vst v63  }
0x14d: {  	_ =	swait.ge [sflag:s13], $0x4000  }
0x14e: {  	[sflag:s13] =	ssyncset.done $0x0  }
0x14f: {  	[sflag:s13] =	ssyncadd.s32 $0xFFFFC000  }
0x150: {  	_ =	swait.ge [sflag:s16], $0x4000  }
0x151: {  	[sflag:s16] =	ssyncset.done $0x0  }
0x152: {  	s5 =	rddreg [dreg:$0xa];
	[sflag:s16] =	ssyncadd.s32 $0xFFFFC000  }
0x153: {  	[tilespmem:s12], [sflag:$0x1] =	stream.indirect.gather [hbm4b:s4+s15], $0x80, s5, s15, $0x2000b8;
	[tilespmem:$0x1D800] =	vst v63  }
0x154: {  	s11 =	rddreg [dreg:$0xb]  }
0x155: {  	[spmem:s1] =	stream.indirect.scatter.add.f32 [tilespmem:s17], [sflag:$0x2], $0x80, s11, s15, $0x2000b8;
	[tilespmem:$0x1D800] =	vst v63  }
0x156: {  	_ =	swait.ge [sflag:s13], $0x4000  }
0x157: {  	[sflag:s13] =	ssyncset.done $0x0  }
0x158: {  	[sflag:s13] =	ssyncadd.s32 $0xFFFFC000  }
0x159: {  	_ =	strace $0x90000056  }
0x15a: {  	_ =	strace $0x80000056  }
0x15b: {  	_ =	swait.ge [sflag:s16], $0x4000  }
0x15c: {  	[sflag:s16] =	ssyncset.done $0x0  }
0x15d: {  	s5 =	rddreg [dreg:$0xc];
	[sflag:s16] =	ssyncadd.s32 $0xFFFFC000  }
0x15e: {  	[tilespmem:s17], [sflag:$0x1] =	stream.indirect.gather [hbm4b:s4+s15], $0x80, s5, s15, $0x2000b8;
	[tilespmem:$0x1D800] =	vst v63  }
0x15f: {  	s11 =	rddreg [dreg:$0xd]  }
0x160: {  	[spmem:s1] =	stream.indirect.scatter.add.f32 [tilespmem:s12], [sflag:$0x2], $0x80, s11, s15, $0x2000b8;
	[tilespmem:$0x1D800] =	vst v63  }
0x161: {  	_ =	swait.ge [sflag:s13], $0x4000  }
0x162: {  	[sflag:s13] =	ssyncset.done $0x0  }
0x163: {  	[sflag:s13] =	ssyncadd.s32 $0xFFFFC000  }
0x164: {  	_ =	swait.ge [sflag:s16], $0x4000  }
0x165: {  	[sflag:s16] =	ssyncset.done $0x0  }
0x166: {  	s5 =	rddreg [dreg:$0xe];
	[sflag:s16] =	ssyncadd.s32 $0xFFFFC000  }
0x167: {  	[tilespmem:s12], [sflag:$0x1] =	stream.indirect.gather [hbm4b:s4+s15], $0x80, s5, s15, $0x2000b8;
	[tilespmem:$0x1D800] =	vst v63  }
0x168: {  	s11 =	rddreg [dreg:$0xf]  }
0x169: {  	[spmem:s1] =	stream.indirect.scatter.add.f32 [tilespmem:s17], [sflag:$0x2], $0x80, s11, s15, $0x2000b8;
	[tilespmem:$0x1D800] =	vst v63  }
0x16a: {  	_ =	swait.ge [sflag:s13], $0x4000  }
0x16b: {  	[sflag:s13] =	ssyncset.done $0x0  }
0x16c: {  	[sflag:s13] =	ssyncadd.s32 $0xFFFFC000  }
0x16d: {  	_ =	strace $0x90000056  }
0x16e: {  	_ =	strace $0x80000056  }
0x16f: {  	_ =	swait.ge [sflag:s16], $0x4000  }
0x170: {  	[sflag:s16] =	ssyncset.done $0x0  }
0x171: {  	s5 =	rddreg [dreg:$0x10];
	[sflag:s16] =	ssyncadd.s32 $0xFFFFC000  }
0x172: {  	[tilespmem:s17], [sflag:$0x1] =	stream.indirect.gather [hbm4b:s4+s15], $0x80, s5, s15, $0x2000b8;
	[tilespmem:$0x1D800] =	vst v63  }
0x173: {  	s11 =	rddreg [dreg:$0x11]  }
0x174: {  	[spmem:s1] =	stream.indirect.scatter.add.f32 [tilespmem:s12], [sflag:$0x2], $0x80, s11, s15, $0x2000b8;
	[tilespmem:$0x1D800] =	vst v63  }
0x175: {  	_ =	swait.ge [sflag:s13], $0x4000  }
0x176: {  	[sflag:s13] =	ssyncset.done $0x0  }
0x177: {  	[sflag:s13] =	ssyncadd.s32 $0xFFFFC000  }
0x178: {  	_ =	swait.ge [sflag:s16], $0x4000  }
0x179: {  	[sflag:s16] =	ssyncset.done $0x0  }
0x17a: {  	s5 =	rddreg [dreg:$0x12];
	[sflag:s16] =	ssyncadd.s32 $0xFFFFC000  }
0x17b: {  	[tilespmem:s12], [sflag:$0x1] =	stream.indirect.gather [hbm4b:s4+s15], $0x80, s5, s15, $0x2000b8;
	[tilespmem:$0x1D800] =	vst v63  }
0x17c: {  	s11 =	rddreg [dreg:$0x13]  }
0x17d: {  	[spmem:s1] =	stream.indirect.scatter.add.f32 [tilespmem:s17], [sflag:$0x2], $0x80, s11, s15, $0x2000b8;
	[tilespmem:$0x1D800] =	vst v63  }
0x17e: {  	_ =	swait.ge [sflag:s13], $0x4000  }
0x17f: {  	[sflag:s13] =	ssyncset.done $0x0  }
0x180: {  	[sflag:s13] =	ssyncadd.s32 $0xFFFFC000  }
0x181: {  	_ =	strace $0x90000056  }
0x182: {  	_ =	strace $0x80000056  }
0x183: {  	_ =	swait.ge [sflag:s16], $0x4000  }
0x184: {  	[sflag:s16] =	ssyncset.done $0x0  }
0x185: {  	s5 =	rddreg [dreg:$0x14];
	[sflag:s16] =	ssyncadd.s32 $0xFFFFC000  }
0x186: {  	[tilespmem:s17], [sflag:$0x1] =	stream.indirect.gather [hbm4b:s4+s15], $0x80, s5, s15, $0x2000b8;
	[tilespmem:$0x1D800] =	vst v63  }
0x187: {  	s11 =	rddreg [dreg:$0x15]  }
0x188: {  	[spmem:s1] =	stream.indirect.scatter.add.f32 [tilespmem:s12], [sflag:$0x2], $0x80, s11, s15, $0x2000b8;
	[tilespmem:$0x1D800] =	vst v63  }
0x189: {  	_ =	swait.ge [sflag:s13], $0x4000  }
0x18a: {  	[sflag:s13] =	ssyncset.done $0x0  }
0x18b: {  	[sflag:s13] =	ssyncadd.s32 $0xFFFFC000  }
0x18c: {  	_ =	swait.ge [sflag:s16], $0x4000  }
0x18d: {  	[sflag:s16] =	ssyncset.done $0x0  }
0x18e: {  	s5 =	rddreg [dreg:$0x16];
	[sflag:s16] =	ssyncadd.s32 $0xFFFFC000  }
0x18f: {  	[tilespmem:s12], [sflag:$0x1] =	stream.indirect.gather [hbm4b:s4+s15], $0x80, s5, s15, $0x2000b8;
	[tilespmem:$0x1D800] =	vst v63  }
0x190: {  	s11 =	rddreg [dreg:$0x17]  }
0x191: {  	[spmem:s1] =	stream.indirect.scatter.add.f32 [tilespmem:s17], [sflag:$0x2], $0x80, s11, s15, $0x2000b8;
	[tilespmem:$0x1D800] =	vst v63  }
0x192: {  	_ =	swait.ge [sflag:s13], $0x4000  }
0x193: {  	[sflag:s13] =	ssyncset.done $0x0  }
0x194: {  	[sflag:s13] =	ssyncadd.s32 $0xFFFFC000  }
0x195: {  	_ =	strace $0x90000056  }
0x196: {  	_ =	strace $0x80000056  }
0x197: {  	_ =	swait.ge [sflag:s16], $0x4000  }
0x198: {  	[sflag:s16] =	ssyncset.done $0x0  }
0x199: {  	s11 =	rddreg [dreg:$0x18];
	[sflag:s16] =	ssyncadd.s32 $0xFFFFC000  }
0x19a: {  	[tilespmem:s17], [sflag:$0x1] =	stream.indirect.gather [hbm4b:s4+s15], $0x80, s11, s15, $0x2000b8;
	[tilespmem:$0x1D800] =	vst v63  }
0x19b: {  	_ = 	snop  }
0x19c: {  	[spmem:s1] =	stream.indirect.scatter.add.f32 [tilespmem:s12], [sflag:$0x2], $0x80, s18, s15, $0x2000b8;
	[tilespmem:$0x1D800] =	vst v63  }
0x19d: {  	_ =	swait.ge [sflag:s13], $0x4000  }
0x19e: {  	[sflag:s13] =	ssyncset.done $0x0  }
0x19f: {  	[sflag:s13] =	ssyncadd.s32 $0xFFFFC000  }
0x1a0: {  	_ =	swait.ge [sflag:s16], $0x4000  }
0x1a1: {  	[sflag:s16] =	ssyncset.done $0x0  }
0x1a2: {  	[sflag:s16] =	ssyncadd.s32 $0xFFFFC000  }
0x1a3: {  	[tilespmem:s12], [sflag:$0x1] =	stream.indirect.gather [hbm4b:s4+s15], $0x80, s19, s15, $0x2000b8;
	[tilespmem:$0x1D800] =	vst v63  }
0x1a4: {  	_ = 	snop  }
0x1a5: {  	[spmem:s1] =	stream.indirect.scatter.add.f32 [tilespmem:s17], [sflag:$0x2], $0x80, s20, s15, $0x2000b8;
	[tilespmem:$0x1D800] =	vst v63  }
0x1a6: {  	_ =	swait.ge [sflag:s13], $0x4000  }
0x1a7: {  	[sflag:s13] =	ssyncset.done $0x0  }
0x1a8: {  	[sflag:s13] =	ssyncadd.s32 $0xFFFFC000  }
0x1a9: {  	_ =	strace $0x90000056  }
0x1aa: {  	_ =	strace $0x80000056  }
0x1ab: {  	_ =	swait.ge [sflag:s16], $0x4000  }
0x1ac: {  	[sflag:s16] =	ssyncset.done $0x0  }
0x1ad: {  	[sflag:s16] =	ssyncadd.s32 $0xFFFFC000  }
0x1ae: {  	[tilespmem:s17], [sflag:$0x1] =	stream.indirect.gather [hbm4b:s4+s15], $0x80, s21, s15, $0x2000b8;
	[tilespmem:$0x1D800] =	vst v63  }
0x1af: {  	_ = 	snop  }
0x1b0: {  	[spmem:s1] =	stream.indirect.scatter.add.f32 [tilespmem:s12], [sflag:$0x2], $0x80, s22, s15, $0x2000b8;
	[tilespmem:$0x1D800] =	vst v63  }
0x1b1: {  	_ =	swait.ge [sflag:s13], $0x4000  }
0x1b2: {  	[sflag:s13] =	ssyncset.done $0x0  }
0x1b3: {  	[sflag:s13] =	ssyncadd.s32 $0xFFFFC000  }
0x1b4: {  	_ =	swait.ge [sflag:s16], $0x4000  }
0x1b5: {  	[sflag:s16] =	ssyncset.done $0x0  }
0x1b6: {  	[sflag:s16] =	ssyncadd.s32 $0xFFFFC000  }
0x1b7: {  	[tilespmem:s12], [sflag:$0x1] =	stream.indirect.gather [hbm4b:s4+s15], $0x80, s23, s15, $0x2000b8;
	[tilespmem:$0x1D800] =	vst v63  }
0x1b8: {  	_ = 	snop  }
0x1b9: {  	[spmem:s1] =	stream.indirect.scatter.add.f32 [tilespmem:s17], [sflag:$0x2], $0x80, s24, s15, $0x2000b8;
	[tilespmem:$0x1D800] =	vst v63  }
0x1ba: {  	_ =	swait.ge [sflag:s13], $0x4000  }
0x1bb: {  	[sflag:s13] =	ssyncset.done $0x0  }
0x1bc: {  	[sflag:s13] =	ssyncadd.s32 $0xFFFFC000  }
0x1bd: {  	_ =	strace $0x90000056  }
0x1be: {  	_ =	strace $0x80000056  }
0x1bf: {  	_ =	swait.ge [sflag:s16], $0x4000  }
0x1c0: {  	[sflag:s16] =	ssyncset.done $0x0  }
0x1c1: {  	[sflag:s16] =	ssyncadd.s32 $0xFFFFC000  }
0x1c2: {  	[tilespmem:s17], [sflag:$0x1] =	stream.indirect.gather [hbm4b:s4+s15], $0x80, s25, s15, $0x2000b8;
	[tilespmem:$0x1D800] =	vst v63  }
0x1c3: {  	_ = 	snop  }
0x1c4: {  	[spmem:s1] =	stream.indirect.scatter.add.f32 [tilespmem:s12], [sflag:$0x2], $0x80, s26, s15, $0x2000b8;
	[tilespmem:$0x1D800] =	vst v63  }
0x1c5: {  	_ =	swait.ge [sflag:s13], $0x4000  }
0x1c6: {  	[sflag:s13] =	ssyncset.done $0x0  }
0x1c7: {  	[sflag:s13] =	ssyncadd.s32 $0xFFFFC000  }
0x1c8: {  	_ =	swait.ge [sflag:s16], $0x4000  }
0x1c9: {  	[sflag:s16] =	ssyncset.done $0x0  }
0x1ca: {  	[sflag:s16] =	ssyncadd.s32 $0xFFFFC000  }
0x1cb: {  	[tilespmem:s12], [sflag:$0x1] =	stream.indirect.gather [hbm4b:s4+s15], $0x80, s28, s15, $0x2000b8;
	[tilespmem:$0x1D800] =	vst v63  }
0x1cc: {  	_ = 	snop  }
0x1cd: {  	[spmem:s1] =	stream.indirect.scatter.add.f32 [tilespmem:s17], [sflag:$0x2], $0x80, s29, s15, $0x2000b8;
	[tilespmem:$0x1D800] =	vst v63  }
0x1ce: {  	_ =	swait.ge [sflag:s13], $0x4000  }
0x1cf: {  	[sflag:s13] =	ssyncset.done $0x0  }
0x1d0: {  	[sflag:s13] =	ssyncadd.s32 $0xFFFFC000  }
0x1d1: {  	_ =	strace $0x90000056  }
0x1d2: {  	_ =	strace $0x80000056  }
0x1d3: {  	_ =	swait.ge [sflag:s16], $0x4000  }
0x1d4: {  	[sflag:s16] =	ssyncset.done $0x0  }
0x1d5: {  	[sflag:s16] =	ssyncadd.s32 $0xFFFFC000  }
0x1d6: {  	[tilespmem:s17], [sflag:$0x1] =	stream.indirect.gather [hbm4b:s4+s15], $0x80, s30, s15, $0x2000b8;
	[tilespmem:$0x1D800] =	vst v63  }
0x1d7: {  	_ = 	snop  }
0x1d8: {  	[spmem:s1] =	stream.indirect.scatter.add.f32 [tilespmem:s12], [sflag:$0x2], $0x80, s31, s15, $0x2000b8;
	[tilespmem:$0x1D800] =	vst v63  }
0x1d9: {  	_ =	swait.ge [sflag:s13], $0x4000  }
0x1da: {  	[sflag:s13] =	ssyncset.done $0x0  }
0x1db: {  	[sflag:s13] =	ssyncadd.s32 $0xFFFFC000  }
0x1dc: {  	_ =	swait.ge [sflag:s16], $0x4000  }
0x1dd: {  	[sflag:s16] =	ssyncset.done $0x0  }
0x1de: {  	[sflag:s16] =	ssyncadd.s32 $0xFFFFC000  }
0x1df: {  	[tilespmem:s12], [sflag:$0x1] =	stream.indirect.gather [hbm4b:s4+s15], $0x80, s0, s15, $0x2000b8;
	[tilespmem:$0x1D800] =	vst v63  }
0x1e0: {  	_ = 	snop  }
0x1e1: {  	[spmem:s1] =	stream.indirect.scatter.add.f32 [tilespmem:s17], [sflag:$0x2], $0x80, s2, s15, $0x2000b8;
	[tilespmem:$0x1D800] =	vst v63  }
0x1e2: {  	_ =	swait.ge [sflag:s13], $0x4000  }
0x1e3: {  	[sflag:s13] =	ssyncset.done $0x0  }
0x1e4: {  	[sflag:s13] =	ssyncadd.s32 $0xFFFFC000  }
0x1e5: {  	_ =	strace $0x90000056  }
0x1e6: {  	_ =	strace $0x80000056  }
0x1e7: {  	_ =	swait.ge [sflag:s16], $0x4000  }
0x1e8: {  	[sflag:s16] =	ssyncset.done $0x0  }
0x1e9: {  	[sflag:s16] =	ssyncadd.s32 $0xFFFFC000  }
0x1ea: {  	[tilespmem:s17], [sflag:$0x1] =	stream.indirect.gather [hbm4b:s4+s15], $0x80, s6, s15, $0x2000b8;
	[tilespmem:$0x1D800] =	vst v63  }
0x1eb: {  	_ = 	snop  }
0x1ec: {  	[spmem:s1] =	stream.indirect.scatter.add.f32 [tilespmem:s12], [sflag:$0x2], $0x80, s7, s15, $0x2000b8;
	[tilespmem:$0x1D800] =	vst v63  }
0x1ed: {  	_ =	swait.ge [sflag:s13], $0x4000  }
0x1ee: {  	[sflag:s13] =	ssyncset.done $0x0  }
0x1ef: {  	[sflag:s13] =	ssyncadd.s32 $0xFFFFC000  }
0x1f0: {  	_ =	swait.ge [sflag:s16], $0x4000  }
0x1f1: {  	p0 =	sne.s32 s10, $0x480;
	[sflag:s16] =	ssyncset.done $0x0  }
.Ltmp1:
0x1f2: {  	[sflag:s16] =	ssyncadd.s32 $0xFFFFC000;
	(pc) =	sbr.rel @p0 .LBB2_4-.Ltmp1, $4  }
0x1f3: {  	[spmem:s1] =	stream.indirect.scatter.add.f32 [tilespmem:s17], [sflag:$0x2], $0x80, s8, s15, $0x2000b8;
	[tilespmem:$0x1D800] =	vst v63  }
0x1f4: {  	_ =	swait.ge [sflag:s13], $0x4000  }
0x1f5: {  	[sflag:s13] =	ssyncset.done $0x0  }
0x1f6: {  	s10 =	sadd.s32 $0x180, s10;
	[sflag:s13] =	ssyncadd.s32 $0xFFFFC000  }
0x1f7: {  	_ =	strace $0x90000056  }
0x1f8: {  	_ =	strace $0x80000057  }
0x1f9: {  	[bflag:$0x0] =	sbarrier.arrive $0xFFFF  }
0x1fa: {  	_ =	strace $0x90000057  }
0x1fb: {  	s5 =	stileid.u32;
	_ =	strace $0x80000058  }
0x1fc: {  	s5 =	sshll.u32 s5, $0x6;
	s10 =	rddreg [dreg:$0x19]  }
0x1fd: {  	s5 =	sor.u32 $0x1C02, s5;
	s11 =	rddreg [dreg:$0x1a];
	s10 =	sshrl.u32 s10, $0x3  }
0x1fe: {  	[hbm:s11], [sflag:s5] =	dma.local [spmem:s10], $0x2800  }
0x1ff: {  	_ =	swait.ge [sflag:s13], $0x2800  }
0x200: {  	s9 =	sadd.s32 $0x1, s9;
	s11 =	rddreg [dreg:$0x1b]  }
0x201: {  	p0 =	sne.s32 s9, s11  }
.Ltmp2:
0x202: {  	_ = 	snop;
	(pc) =	sbr.rel @p0 .LBB2_1-.Ltmp2, $4  }
0x203: {  	_ = 	snop  }
0x204: {  	[sflag:s13] =	ssyncset.done $0x0  }
0x205: {  	[sflag:s13] =	ssyncadd.s32 $0xFFFFD800  }
0x206: {  	_ =	strace $0x90000058  }
0x207: {  	_ =	sfence.sel $0x180000  }
0x208: {  	[bflag:$0x0] =	sbarrier.arrive $0xFFFF  }
0x209: {  	_ =	strace $0x90000051  }
0x20a: {  	s0 =	stileid.u32;
	[bflag:$0x2] =	sbarrier.arrive $0xFFFF  }
0x20b: {  	p0 =	sne.s32 s0, $0x0;
	s0 =	rddreg [dreg:$0x3]  }
0x20c: {  	s0 =	sadd.s32 @!p0 $0x100000, s0  }
0x20d: {  	[sflag:s0] =	ssyncadd.tile.s32 @!p0 $0x1;
	_ =	shalt  }
.Lfunc_end2:
_tile_overlayer_lowered:
.L_overlay_start_2:
0x20e: {  	(tag) =	ssettag $0x2  }
0x20f: {  	s0 =	rddreg [dreg:$0x0];
	s2 =	stileid.u32  }
0x210: {  	s1 =	rddreg [dreg:$0x1];
	p0 =	sne.s32 s2, $0x0  }
0x211: {  	s3 =	rddreg [dreg:$0x2];
	[bflag:$0x3] =	sbarrier.arrive $0xFFFF;
	s2 =	simm.s32 @!p0 $0x1C02  }
0x212: {  	[timem:s3], [sflag:s2] =	dma.local @!p0 [hbm:s0], s1  }
0x213: {  	s0 =	simm.s32 @!p0 $0x2  }
0x214: {  	_ =	swait.ge @!p0 [sflag:s0], s1  }
0x215: {  	s1 =	ssub.s32 @!p0 $0x0, s1;
	[sflag:s0] =	ssyncset.done @!p0 $0x0  }
0x216: {  	[sflag:s0] =	ssyncadd.s32 @!p0 s1  }
0x217: {  	[bflag:$0x3] =	sbarrier.arrive $0xFFFF  }
0x218: {  	_ =	shalt  }

// kernel: kernel.14.cloned.1.call-start
scs
__scs_entry_jumppad:
0x0: {  	(pc) =	sbr.rel $0x88, $3  }
0x1: {  	(tag) =	ssettag $0x0;
	lr =	simm.s32 $0x1  }
0x2: {  	[smem:$0x3F9B] =	sst lr;
	_ =	strace $0xD0000000  }
0x3: {  	_ = 	snop  }
0x4: {  	_ = 	snop  }
0x5: {  	_ = 	snop  }
0x6: {  	_ = 	snop  }
0x7: {  	_ = 	snop  }
__scs_overlays_trampoline_lowered:
0x8: {  	[smem:$0x3FAA] =	sst s0  }
0x9: {  	[smem:$0x3FAB] =	sst s1  }
0xa: {  	[smem:$0x3FAC] =	sst s2  }
0xb: {  	[smem:$0x3FAD] =	sst s3  }
0xc: {  	[smem:$0x3FAE] =	sst s4  }
0xd: {  	[smem:$0x3FAF] =	sst s5  }
0xe: {  	[smem:$0x3FB0] =	sst s6  }
0xf: {  	[smem:$0x3FB1] =	sst s7  }
0x10: {  	[smem:$0x3FB2] =	sst s8  }
0x11: {  	[smem:$0x3FB3] =	sst s9;
	s0 =	simm.s32 @!p0 $0x0  }
0x12: {  	s1 =	sld [smem:$0x3F99];
	s0 =	simm.s32 @p0 $0x1  }
0x13: {  	[smem:$0x3FB4] =	sst s0;
	s0 =	simm.s32 @!p1 $0x0  }
0x14: {  	s2 =	sld [smem:$0x3F98];
	s0 =	simm.s32 @p1 $0x1  }
0x15: {  	[smem:$0x3FB5] =	sst s0;
	s0 =	simm.s32 @!p2 $0x0  }
0x16: {  	s3 =	sld [smem:$0x3FDB];
	s0 =	simm.s32 @p2 $0x1  }
0x17: {  	s4 =	simm.s32 $0x1BF5;
	[smem:$0x3FB7] =	sst s0  }
0x18: {  	s0 =	sld [smem:$0x3F9A];
	_ =	swait.ge [sflag:s4], $0x0  }
0x19: {  	s7 =	sld [smem:$0x3F9B]  }
0x1a: {  	s8 =	sadd.s32 $0xFFFFE003, lr  }
0x1b: {  	s9 =	sadd.s32 $0xFFFFFEF7, lr;
	s5 =	simm.s32 $0xFFFFFFFF;
	p2 =	slt.u32 s8, $0xFFFFF086  }
0x1c: {  	p1 =	slt.u32 s9, $0xF7A;
	s5 =	simm.s32 @!p2 $0x0  }
0x1d: {  	s5 =	simm.s32 @p1 $0x1;
	p0 =	seq.s32 s7, s2  }
0x1e: {  	s7 =	smul.u32 @!p0 $0xF7A, s2;
	p2 =	seq.s32 @!p0 s5, $0x0  }
0x1f: {  	s9 =	smul.u32 $0xF7A, s1;
	s8 =	simm.s32 @!p0 $0x1BF5;
	p2 =	por !p2, p0  }
0x20: {  	[sflag:s8] =	ssyncset.s32 @!p0 $0xFFFFF086;
	s6 =	sadd.s32 @!p0 s3, s7;
	s7 =	simm.s32 @!p0 $0x108  }
0x21: {  	s3 =	sadd.s32 s3, s9;
	s6 =	sadd.s32 @!p0 $0x88, s6;
	s7 =	simm.s32 @p2 $0x1082  }
0x22: {  	[simem:s7], [sflag:s8] =	dma.local @!p0 [hbm:s6], $0xF7A  }
0x23: {  	s9 =	sor.u32 $0xD0000000, s2;
	s6 =	simm.s32 $0x108;
	_ =	swait.ge @!p0 [sflag:s8], $0x0  }
0x24: {  	s3 =	sadd.s32 $0x88, s3;
	s6 =	simm.s32 @!p1 $0x1082;
	[sflag:s4] =	ssyncset.s32 $0xFFFFF086  }
0x25: {  	[simem:s6], [sflag:s4] =	dma.local [hbm:s3], $0xF7A  }
0x26: {  	[smem:$0x3F9B] =	sst s1;
	(tag) =	ssettag s2;
	_ =	strace s9  }
0x27: {  	s1 =	sld [smem:$0x3FAB]  }
0x28: {  	s2 =	sld [smem:$0x3FAC]  }
0x29: {  	s4 =	sld [smem:$0x3FAE]  }
0x2a: {  	p0 =	seq.s32 s5, $0x0;
	s5 =	sld [smem:$0x3FAF]  }
0x2b: {  	s6 =	sld [smem:$0x3FB0]  }
0x2c: {  	s7 =	sld [smem:$0x3FB1]  }
0x2d: {  	s3 =	simm.s32 $0x108;
	s8 =	sld [smem:$0x3FB2]  }
0x2e: {  	s3 =	simm.s32 @!p0 $0x1082;
	s9 =	sld [smem:$0x3FB3]  }
0x2f: {  	lr =	sadd.s32 s0, s3;
	s0 =	sld [smem:$0x3FAA]  }
0x30: {  	s3 =	sld [smem:$0x3FAD]  }
0x31: {  	[smem:$0x3FB6] =	sst s10  }
0x32: {  	s10 =	sld [smem:$0x3FB4];
	_ =	sdelay $0x3  }
0x33: {  	p0 =	seq.s32 s10, $0x1;
	s10 =	sld [smem:$0x3FB6];
	_ =	sdelay $0x3  }
0x34: {  	[smem:$0x3FB6] =	sst s10  }
0x35: {  	s10 =	sld [smem:$0x3FB5];
	_ =	sdelay $0x3  }
0x36: {  	p1 =	seq.s32 s10, $0x1;
	s10 =	sld [smem:$0x3FB6];
	_ =	sdelay $0x3  }
0x37: {  	[smem:$0x3FB6] =	sst s10  }
0x38: {  	s10 =	sld [smem:$0x3FB7]  }
0x39: {  	_ = 	snop;
	(pc) =	sbr.ind lr, $3  }
0x3a: {  	_ = 	snop  }
0x3b: {  	_ = 	snop  }
0x3c: {  	p2 =	seq.s32 s10, $0x1;
	s10 =	sld [smem:$0x3FB6]  }
0x3d: {  	_ =	shalt  }
0x3e: {  	_ =	shalt  }
0x3f: {  	_ =	shalt  }
0x40: {  	_ =	shalt  }
0x41: {  	_ =	shalt  }
0x42: {  	_ =	shalt  }
0x43: {  	_ =	shalt  }
0x44: {  	_ =	shalt  }
0x45: {  	_ =	shalt  }
0x46: {  	_ =	shalt  }
0x47: {  	_ =	shalt  }
0x48: {  	_ =	shalt  }
0x49: {  	_ =	shalt  }
0x4a: {  	_ =	shalt  }
0x4b: {  	_ =	shalt  }
0x4c: {  	_ =	shalt  }
0x4d: {  	_ =	shalt  }
0x4e: {  	_ =	shalt  }
0x4f: {  	_ =	shalt  }
0x50: {  	_ =	shalt  }
0x51: {  	_ =	shalt  }
0x52: {  	_ =	shalt  }
0x53: {  	_ =	shalt  }
0x54: {  	_ =	shalt  }
0x55: {  	_ =	shalt  }
0x56: {  	_ =	shalt  }
0x57: {  	_ =	shalt  }
0x58: {  	_ =	shalt  }
0x59: {  	_ =	shalt  }
0x5a: {  	_ =	shalt  }
0x5b: {  	_ =	shalt  }
0x5c: {  	_ =	shalt  }
0x5d: {  	_ =	shalt  }
0x5e: {  	_ =	shalt  }
0x5f: {  	_ =	shalt  }
0x60: {  	_ =	shalt  }
0x61: {  	_ =	shalt  }
0x62: {  	_ =	shalt  }
0x63: {  	_ =	shalt  }
0x64: {  	_ =	shalt  }
0x65: {  	_ =	shalt  }
0x66: {  	_ =	shalt  }
0x67: {  	_ =	shalt  }
0x68: {  	_ =	shalt  }
0x69: {  	_ =	shalt  }
0x6a: {  	_ =	shalt  }
0x6b: {  	_ =	shalt  }
0x6c: {  	_ =	shalt  }
0x6d: {  	_ =	shalt  }
0x6e: {  	_ =	shalt  }
0x6f: {  	_ =	shalt  }
0x70: {  	_ =	shalt  }
0x71: {  	_ =	shalt  }
0x72: {  	_ =	shalt  }
0x73: {  	_ =	shalt  }
0x74: {  	_ =	shalt  }
0x75: {  	_ =	shalt  }
0x76: {  	_ =	shalt  }
0x77: {  	_ =	shalt  }
0x78: {  	_ =	shalt  }
0x79: {  	_ =	shalt  }
0x7a: {  	_ =	shalt  }
0x7b: {  	_ =	shalt  }
0x7c: {  	_ =	shalt  }
0x7d: {  	_ =	shalt  }
0x7e: {  	_ =	shalt  }
0x7f: {  	_ =	shalt  }
0x80: {  	_ =	shalt  }
0x81: {  	_ =	shalt  }
0x82: {  	_ =	shalt  }
0x83: {  	_ =	shalt  }
0x84: {  	_ =	shalt  }
0x85: {  	_ =	shalt  }
0x86: {  	_ =	shalt  }
0x87: {  	_ =	shalt  }
.Lfunc_end0:
.L_simem_size_0:
called_computation.2_lowered:
.L_overlay_start_0:
0x88: {  	s2 =	sld [smem:$0x3FD9]  }
0x89: {  	s3 =	sld [smem:$0x3FFE];
	_ =	sdelay $0x1  }
0x8a: {  	s1 =	srdreg.scid  }
0x8b: {  	s0 =	sand.u32 $0x1, s1  }
0x8c: {  	s17 =	sshll.u32 s0, $0xA;
	s2 =	sadd.s32 s3, s2  }
0x8d: {  	s2 =	sadd.s32 s2, s17  }
0x8e: {  	[smem:$0x3FC2] =	sst s2  }
0x8f: {  	_ = 	snop  }
0x90: {  	s2 =	sld [smem:$0x3FD0];
	(tm) =	ssettm $0x1  }
0x91: {  	s18 =	sld [smem:$0x3FFB];
	_ =	sdelay $0x3  }
0x92: {  	_ =	strace s18  }
0x93: {  	s3 =	sld [smem:$0x3FFC];
	_ =	sdelay $0x3  }
0x94: {  	_ =	strace s3  }
0x95: {  	s3 =	sld [smem:$0x3FFD];
	_ =	sdelay $0x3  }
0x96: {  	_ =	strace s3  }
0x97: {  	_ =	strace $0x8FFFFFFF  }
0x98: {  	s19 =	sld [smem:$0x3FDB];
	_ =	sdelay $0x1  }
0x99: {  	s4 =	simm.s32 $_scs_section_size  }
0x9a: {  	s5 =	simm.s32 $_size__tile_overlayer_lowered;
	s6 =	simm.s32 $_tile_overlayer_lowered  }
0x9b: {  	s22 =	simm.s32 $0x1BFF;
	s21 =	sshll.u32 s6, $0x1;
	s3 =	sadd.s32 s4, s19  }
0x9c: {  	s7 =	simm.s32 $0x0;
	s20 =	sshll.u32 s5, $0x1;
	s5 =	sadd.s32 s21, s3  }
0x9d: {  	[timem:s7], [sflag:s22] =	dma.local [hbm:s5], s20  }
0x9e: {  	_ =	swait.ge [sflag:s22], s20  }
0x9f: {  	s4 =	ssub.s32 $0x0, s20;
	[sflag:s22] =	ssyncset.done $0x0  }
0xa0: {  	[sflag:s22] =	ssyncadd.s32 s4;
	_ =	sdelay $0x1  }
0xa1: {  	s23 =	simm.s32 $0x1B8B  }
0xa2: {  	_ =	swait.ge [sflag:s23], $0x1  }
0xa3: {  	[sflag:s23] =	ssyncset.done $0x0  }
0xa4: {  	s25 =	simm.s32 $0x1B8E;
	s24 =	sld [smem:$0x3FFE];
	[sflag:s23] =	ssyncadd.s32 $0xFFFFFFFF  }
0xa5: {  	s26 =	simm.s32 $execute0_lowered;
	[smem:$0x3FD2] =	sst s25  }
0xa6: {  	s5 =	sshll.u32 s26, $0x1;
	_ =	strace $0x8000005A;
	[dreg:$0x1] =	wrdreg $0xFFFFFFFF  }
0xa7: {  	s28 =	simm.s32 $_size_execute0_lowered;
	s3 =	sadd.s32 s3, s5;
	[dreg:$0x0] =	wrdreg $0x0  }
0xa8: {  	s5 =	sshll.u32 s28, $0x1;
	[dreg:$0x2] =	wrdreg s3  }
0xa9: {  	[dreg:$0x3] =	wrdreg s5  }
0xaa: {  	[dreg:$0x4] =	wrdreg $0xC0  }
0xab: {  	_ =	task [dreg:s7], $0x5FFFF  }
0xac: {  	[dreg:$0x1] =	wrdreg $0xFFFFFFFF  }
0xad: {  	[dreg:$0x0] =	wrdreg $0x60  }
0xae: {  	[dreg:$0x2] =	wrdreg s24  }
0xaf: {  	[dreg:$0x3] =	wrdreg s2  }
0xb0: {  	[dreg:$0x4] =	wrdreg $0x98000  }
0xb1: {  	[dreg:$0x5] =	wrdreg $0x9  }
0xb2: {  	_ =	task.clear_ibuf [dreg:s7], $0x6FFFF;
	_ =	strace $0x9000005A  }
0xb3: {  	s29 =	simm.s32 $0x9;
	_ =	strace $0x80000063  }
0xb4: {  	_ =	swait.ge [sflag:s29], $0x1  }
0xb5: {  	[sflag:s29] =	ssyncadd.s32 $0xFFFFFFFF  }
0xb6: {  	_ =	strace $0x90000063  }
0xb7: {  	_ =	sfence  }
0xb8: {  	s30 =	sld [smem:$0x0];
	_ =	sdelay $0x2  }
0xb9: {  	s31 =	sshll.u32 s1, $0xD;
	s1 =	sshrl.u32 s1, $0x2  }
0xba: {  	s3 =	sand.u32 $0x4000, s31;
	s1 =	sadd.s32 s1, s30  }
0xbb: {  	s0 =	sor.u32 s3, s0;
	s1 =	sshll.u32 s1, $0x11  }
0xbc: {  	s0 =	sor.u32 s1, s0  }
0xbd: {  	s0 =	sadd.s32 $0x8F2B, s0  }
0xbe: {  	[sflag:s0] =	ssyncadd.remote.s32 $0x1  }
0xbf: {  	_ =	sfence.sel $0xFFFF  }
0xc0: {  	[dreg:$0x0] =	wrdreg $0xFFFFFFFF;
	(pc) =	sbr.abs _section_cstart, $3  }
0xc1: {  	[dreg:$0x1] =	wrdreg $0xFFFFFFFF  }
0xc2: {  	_ =	task.clear_ibuf [dreg:s7], $0x2FFFF;
	_ =	strace $0x9FFFFFFF  }
0xc3: {  	(tm) =	ssettm $0x7FFFFFFF  }
tec
execute0_lowered:
.L_overlay_start_1:
0x0: {  	(tag) =	ssettag $0x1  }
0x1: {  	s0 =	rddreg [dreg:$0x0]  }
0x2: {  	s2 =	rddreg [dreg:$0x1]  }
0x3: {  	s1 =	rddreg [dreg:$0x2];
	s4 =	srdreg.scid  }
0x4: {  	s3 =	simm.s32 $0x0;
	s10 =	stileid.u32;
	s20 =	simm.s32 $0x100  }
0x5: {  	s21 =	simm.s32 $0xC80;
	s22 =	simm.s32 $0x180;
	[smem:$0x7FF] =	sst s3  }
0x6: {  	s24 =	simm.s32 $0xD00;
	_ =	strace $0x8000005B;
	[dreg:$0x6] =	wrdreg s20  }
0x7: {  	s26 =	simm.s32 $0x200;
	s11 =	simm.s32 $0x300;
	[dreg:$0x7] =	wrdreg s21  }
0x8: {  	s13 =	simm.s32 $0xE80;
	s7 =	smul.u32 $0x600, s10;
	[dreg:$0x8] =	wrdreg s22  }
0x9: {  	s15 =	simm.s32 $0x380;
	s9 =	smul.u32 $0x14000, s10;
	[dreg:$0x9] =	wrdreg s24  }
0xa: {  	s25 =	smul.u32 $0x50000, s10;
	s10 =	simm.s32 $0xE00;
	[dreg:$0xa] =	wrdreg s26  }
0xb: {  	s17 =	simm.s32 $0xF00;
	s28 =	simm.s32 $0x800;
	[dreg:$0xd] =	wrdreg s10  }
0xc: {  	s29 =	simm.s32 $0x1380;
	s5 =	sand.u32 $0x1, s4;
	[dreg:$0xe] =	wrdreg s11  }
0xd: {  	s30 =	simm.s32 $0x880;
	s4 =	smul.u32 $0x6000, s5;
	[dreg:$0xf] =	wrdreg s13  }
0xe: {  	s31 =	simm.s32 $0x1400;
	s6 =	smul.u32 $0x140000, s5;
	[dreg:$0x10] =	wrdreg s15  }
0xf: {  	s5 =	ssub.s32 $0x2, s5;
	[dreg:$0x11] =	wrdreg s17;
	s21 =	simm.s32 $0xF80  }
0x10: {  	s22 =	simm.s32 $0x480;
	s13 =	simm.s32 $0x2;
	[dreg:$0x13] =	wrdreg s21  }
0x11: {  	s24 =	simm.s32 $0x500;
	s15 =	simm.s32 $0x80;
	[dreg:$0x14] =	wrdreg s22  }
0x12: {  	s26 =	simm.s32 $0x580;
	s17 =	simm.s32 $0x5800;
	[dreg:$0x16] =	wrdreg s24  }
0x13: {  	s23 =	sshrl.u32 s5, $0x1;
	[dreg:$0x18] =	wrdreg s26;
	s21 =	simm.s32 $0x680  }
0x14: {  	s22 =	simm.s32 $0x1200;
	s24 =	simm.s32 $0x1280;
	s26 =	simm.s32 $0x1300  }
0x15: {  	s8 =	sadd.s32 s4, s0;
	s2 =	sadd.s32 s4, s2;
	s4 =	sadd.s32 $0xE600, s0  }
0x16: {  	s6 =	sadd.s32 s9, s6;
	s9 =	simm.s32 $0x280;
	s2 =	sadd.s32 s7, s2  }
0x17: {  	s7 =	sadd.s32 s7, s8;
	s6 =	sshrl.u32 s6, $0x3;
	[dreg:$0xc] =	wrdreg s9  }
0x18: {  	s8 =	sshrl.u32 s25, $0x2;
	s25 =	simm.s32 $0x1080;
	[dreg:$0x4] =	wrdreg s2  }
0x19: {  	s19 =	sadd.s32 $0x2600, s7;
	s0 =	sadd.s32 s6, s0;
	[dreg:$0x17] =	wrdreg s25  }
0x1a: {  	s6 =	ssub.s32 s5, s23;
	s5 =	simm.s32 $0xD80;
	[dreg:$0x5] =	wrdreg s19  }
0x1b: {  	s9 =	simm.s32 $0x0;
	s23 =	simm.s32 $0x1000;
	[dreg:$0xb] =	wrdreg s5  }
0x1c: {  	s25 =	simm.s32 $0x780;
	s0 =	sadd.s32 $0x36600, s0;
	[dreg:$0x15] =	wrdreg s23  }
0x1d: {  	s2 =	simm.s32 $0x1480;
	s12 =	smax.u32 s6, $0x1;
	[dreg:$0x1a] =	wrdreg s0  }
0x1e: {  	s7 =	simm.s32 $0x1500;
	s5 =	sadd.s32 s8, s1;
	[dreg:$0x1b] =	wrdreg s12  }
0x1f: {  	s19 =	simm.s32 $0x400;
	s23 =	simm.s32 $0x700;
	[dreg:$0x19] =	wrdreg s5  }
0x20: {  	s6 =	simm.s32 $0x980;
	s14 =	sadd.s32 $0x4000, s5;
	[dreg:$0x12] =	wrdreg s19  }
0x21: {  	s8 =	simm.s32 $0x1580;
	s16 =	sadd.s32 $0x8000, s5;
	[dreg:$0x1c] =	wrdreg s14  }
0x22: {  	s18 =	sadd.s32 $0xC000, s5;
	s20 =	sadd.s32 $0x10000, s5;
	[dreg:$0x1d] =	wrdreg s16  }
0x23: {  	s12 =	simm.s32 $0x1800;
	s19 =	simm.s32 $0x600;
	[dreg:$0x1e] =	wrdreg s18  }
0x24: {  	s0 =	simm.s32 $0x900;
	[dreg:$0x1f] =	wrdreg s20;
	s14 =	simm.s32 $0xC00  }
0x25: {  	v0 =	vimm.f32 $0.0e+00;
	s16 =	simm.s32 $0x1;
	s18 =	simm.s32 $0x1100;
	s20 =	simm.s32 $0x1180  }
.LBB2_1:
0x26: {  	_ =	strace $0x8000005C;
	s10 =	simm.s32 $0x0;
	s11 =	simm.s32 $0x200  }
.LBB2_2:
0x27: {  	p0 =	sne.s32 s11, $0xFE00;
	[tilespmem:s10+$0x1870] =	vst v0  }
0x28: {  	[tilespmem:s10+$0x1800] =	vst v0  }
0x29: {  	[tilespmem:s10+$0x1810] =	vst v0  }
.Ltmp0:
0x2a: {  	[tilespmem:s10+$0x1820] =	vst v0;
	(pc) =	sbr.rel @p0 .LBB2_2-.Ltmp0, $4  }
0x2b: {  	[tilespmem:s10+$0x1830] =	vst v0  }
0x2c: {  	[tilespmem:s10+$0x1840] =	vst v0  }
0x2d: {  	[tilespmem:s10+$0x1850] =	vst v0  }
0x2e: {  	[tilespmem:s10+$0x1860] =	vst v0;
	s10 =	sshra.s32 s11, $0x2;
	s11 =	sadd.s32 $0x200, s11  }
0x2f: {  	[tilespmem:s10+$0x1870] =	vst v0  }
0x30: {  	[tilespmem:s10+$0x1800] =	vst v0  }
0x31: {  	[tilespmem:s10+$0x1810] =	vst v0  }
0x32: {  	[tilespmem:s10+$0x1820] =	vst v0  }
0x33: {  	[tilespmem:s10+$0x1830] =	vst v0  }
0x34: {  	[tilespmem:s10+$0x1840] =	vst v0  }
0x35: {  	[tilespmem:s10+$0x1850] =	vst v0  }
0x36: {  	[tilespmem:s10+$0x1860] =	vst v0  }
0x37: {  	_ =	strace $0x9000005C  }
0x38: {  	_ =	strace $0x8000005D  }
0x39: {  	s5 =	rddreg [dreg:$0x19]  }
0x3a: {  	[spmem:s5] =	stream.linear.scatter [tilespmem:s12], [sflag:$0x2], $0x4000, $0x200038;
	[tilespmem:$0x1D800] =	vst v63  }
0x3b: {  	_ =	swait.ge [sflag:s13], $0x4000  }
0x3c: {  	[sflag:s13] =	ssyncset.done $0x0  }
0x3d: {  	s10 =	rddreg [dreg:$0x1c];
	[sflag:s13] =	ssyncadd.s32 $0xFFFFC000  }
0x3e: {  	[spmem:s10] =	stream.linear.scatter [tilespmem:s12], [sflag:$0x2], $0x4000, $0x200038;
	[tilespmem:$0x1D800] =	vst v63  }
0x3f: {  	_ =	swait.ge [sflag:s13], $0x4000  }
0x40: {  	[sflag:s13] =	ssyncset.done $0x0  }
0x41: {  	s11 =	rddreg [dreg:$0x1d];
	[sflag:s13] =	ssyncadd.s32 $0xFFFFC000  }
0x42: {  	[spmem:s11] =	stream.linear.scatter [tilespmem:s12], [sflag:$0x2], $0x4000, $0x200038;
	[tilespmem:$0x1D800] =	vst v63  }
0x43: {  	_ =	swait.ge [sflag:s13], $0x4000  }
0x44: {  	[sflag:s13] =	ssyncset.done $0x0  }
0x45: {  	s10 =	rddreg [dreg:$0x1e];
	[sflag:s13] =	ssyncadd.s32 $0xFFFFC000  }
0x46: {  	[spmem:s10] =	stream.linear.scatter [tilespmem:s12], [sflag:$0x2], $0x4000, $0x200038;
	[tilespmem:$0x1D800] =	vst v63  }
0x47: {  	_ =	swait.ge [sflag:s13], $0x4000  }
0x48: {  	[sflag:s13] =	ssyncset.done $0x0  }
0x49: {  	s11 =	rddreg [dreg:$0x1f];
	[sflag:s13] =	ssyncadd.s32 $0xFFFFC000  }
0x4a: {  	[spmem:s11] =	stream.linear.scatter [tilespmem:s12], [sflag:$0x2], $0x4000, $0x200038;
	[tilespmem:$0x1D800] =	vst v63  }
0x4b: {  	_ =	swait.ge [sflag:s13], $0x4000  }
0x4c: {  	[sflag:s13] =	ssyncset.done $0x0  }
0x4d: {  	[sflag:s13] =	ssyncadd.s32 $0xFFFFC000  }
0x4e: {  	_ =	strace $0x9000005D  }
0x4f: {  	_ =	strace $0x8000005E  }
0x50: {  	[bflag:$0x0] =	sbarrier.arrive $0xFFFF  }
0x51: {  	_ =	strace $0x9000005E  }
0x52: {  	_ =	strace $0x8000005F  }
0x53: {  	s5 =	rddreg [dreg:$0x4]  }
0x54: {  	s10 =	sadd.s32 $0x0, s5  }
0x55: {  	[tilespmem:s3], [sflag:$0x2] =	stream.linear.gather [hbm4b:s10+s3], $0xA00, $0x200038;
	[tilespmem:$0x1D800] =	vst v63  }
0x56: {  	_ =	swait.ge [sflag:s13], $0xA00  }
0x57: {  	s11 =	rddreg [dreg:$0x5];
	[sflag:s13] =	ssyncset.done $0x0  }
0x58: {  	[sflag:s13] =	ssyncadd.s32 $0xFFFFF600;
	s10 =	sadd.s32 $0x0, s11  }
0x59: {  	[tilespmem:s14], [sflag:$0x2] =	stream.linear.gather [hbm4b:s10+s3], $0xA00, $0x200038;
	[tilespmem:$0x1D800] =	vst v63  }
0x5a: {  	_ =	swait.ge [sflag:s13], $0xA00  }
0x5b: {  	[sflag:s13] =	ssyncset.done $0x0  }
0x5c: {  	[sflag:s13] =	ssyncadd.s32 $0xFFFFF600  }
0x5d: {  	_ =	strace $0x9000005F  }
0x5e: {  	[tilespmem:s12], [sflag:$0x1] =	stream.indirect.gather [hbm4b:s4+s15], $0x80, s3, s15, $0xb8;
	[tilespmem:$0x1D800] =	vst v63  }
0x5f: {  	_ =	strace $0x80000060  }
0x60: {  	_ =	swait.ge [sflag:s16], $0x4000  }
0x61: {  	[sflag:s16] =	ssyncset.done $0x0  }
0x62: {  	[sflag:s16] =	ssyncadd.s32 $0xFFFFC000  }
0x63: {  	[tilespmem:s17], [sflag:$0x1] =	stream.indirect.gather [hbm4b:s4+s15], $0x80, s15, s15, $0x2000b8;
	[tilespmem:$0x1D800] =	vst v63  }
0x64: {  	_ = 	snop  }
0x65: {  	[spmem:s1] =	stream.indirect.scatter.add.f32 [tilespmem:s12], [sflag:$0x2], $0x80, s14, s15, $0x2000b8;
	[tilespmem:$0x1D800] =	vst v63  }
0x66: {  	_ =	swait.ge [sflag:s13], $0x4000  }
0x67: {  	[sflag:s13] =	ssyncset.done $0x0  }
0x68: {  	[sflag:s13] =	ssyncadd.s32 $0xFFFFC000  }
0x69: {  	_ =	swait.ge [sflag:s16], $0x4000  }
0x6a: {  	[sflag:s16] =	ssyncset.done $0x0  }
0x6b: {  	s5 =	rddreg [dreg:$0x6];
	[sflag:s16] =	ssyncadd.s32 $0xFFFFC000  }
0x6c: {  	[tilespmem:s12], [sflag:$0x1] =	stream.indirect.gather [hbm4b:s4+s15], $0x80, s5, s15, $0x2000b8;
	[tilespmem:$0x1D800] =	vst v63  }
0x6d: {  	s11 =	rddreg [dreg:$0x7]  }
0x6e: {  	[spmem:s1] =	stream.indirect.scatter.add.f32 [tilespmem:s17], [sflag:$0x2], $0x80, s11, s15, $0x2000b8;
	[tilespmem:$0x1D800] =	vst v63  }
0x6f: {  	_ =	swait.ge [sflag:s13], $0x4000  }
0x70: {  	[sflag:s13] =	ssyncset.done $0x0  }
0x71: {  	[sflag:s13] =	ssyncadd.s32 $0xFFFFC000  }
0x72: {  	_ =	strace $0x90000060  }
0x73: {  	_ =	strace $0x80000060  }
0x74: {  	_ =	swait.ge [sflag:s16], $0x4000  }
0x75: {  	[sflag:s16] =	ssyncset.done $0x0  }
0x76: {  	s11 =	rddreg [dreg:$0x8];
	[sflag:s16] =	ssyncadd.s32 $0xFFFFC000  }
0x77: {  	[tilespmem:s17], [sflag:$0x1] =	stream.indirect.gather [hbm4b:s4+s15], $0x80, s11, s15, $0x2000b8;
	[tilespmem:$0x1D800] =	vst v63  }
0x78: {  	s5 =	rddreg [dreg:$0x9]  }
0x79: {  	[spmem:s1] =	stream.indirect.scatter.add.f32 [tilespmem:s12], [sflag:$0x2], $0x80, s5, s15, $0x2000b8;
	[tilespmem:$0x1D800] =	vst v63  }
0x7a: {  	_ =	swait.ge [sflag:s13], $0x4000  }
0x7b: {  	[sflag:s13] =	ssyncset.done $0x0  }
0x7c: {  	[sflag:s13] =	ssyncadd.s32 $0xFFFFC000  }
0x7d: {  	_ =	swait.ge [sflag:s16], $0x4000  }
0x7e: {  	[sflag:s16] =	ssyncset.done $0x0  }
0x7f: {  	s11 =	rddreg [dreg:$0xa];
	[sflag:s16] =	ssyncadd.s32 $0xFFFFC000  }
0x80: {  	[tilespmem:s12], [sflag:$0x1] =	stream.indirect.gather [hbm4b:s4+s15], $0x80, s11, s15, $0x2000b8;
	[tilespmem:$0x1D800] =	vst v63  }
0x81: {  	s5 =	rddreg [dreg:$0xb]  }
0x82: {  	[spmem:s1] =	stream.indirect.scatter.add.f32 [tilespmem:s17], [sflag:$0x2], $0x80, s5, s15, $0x2000b8;
	[tilespmem:$0x1D800] =	vst v63  }
0x83: {  	_ =	swait.ge [sflag:s13], $0x4000  }
0x84: {  	[sflag:s13] =	ssyncset.done $0x0  }
0x85: {  	[sflag:s13] =	ssyncadd.s32 $0xFFFFC000  }
0x86: {  	_ =	strace $0x90000060  }
0x87: {  	_ =	strace $0x80000060  }
0x88: {  	_ =	swait.ge [sflag:s16], $0x4000  }
0x89: {  	[sflag:s16] =	ssyncset.done $0x0  }
0x8a: {  	s11 =	rddreg [dreg:$0xc];
	[sflag:s16] =	ssyncadd.s32 $0xFFFFC000  }
0x8b: {  	[tilespmem:s17], [sflag:$0x1] =	stream.indirect.gather [hbm4b:s4+s15], $0x80, s11, s15, $0x2000b8;
	[tilespmem:$0x1D800] =	vst v63  }
0x8c: {  	s5 =	rddreg [dreg:$0xd]  }
0x8d: {  	[spmem:s1] =	stream.indirect.scatter.add.f32 [tilespmem:s12], [sflag:$0x2], $0x80, s5, s15, $0x2000b8;
	[tilespmem:$0x1D800] =	vst v63  }
0x8e: {  	_ =	swait.ge [sflag:s13], $0x4000  }
0x8f: {  	[sflag:s13] =	ssyncset.done $0x0  }
0x90: {  	[sflag:s13] =	ssyncadd.s32 $0xFFFFC000  }
0x91: {  	_ =	swait.ge [sflag:s16], $0x4000  }
0x92: {  	[sflag:s16] =	ssyncset.done $0x0  }
0x93: {  	s11 =	rddreg [dreg:$0xe];
	[sflag:s16] =	ssyncadd.s32 $0xFFFFC000  }
0x94: {  	[tilespmem:s12], [sflag:$0x1] =	stream.indirect.gather [hbm4b:s4+s15], $0x80, s11, s15, $0x2000b8;
	[tilespmem:$0x1D800] =	vst v63  }
0x95: {  	s5 =	rddreg [dreg:$0xf]  }
0x96: {  	[spmem:s1] =	stream.indirect.scatter.add.f32 [tilespmem:s17], [sflag:$0x2], $0x80, s5, s15, $0x2000b8;
	[tilespmem:$0x1D800] =	vst v63  }
0x97: {  	_ =	swait.ge [sflag:s13], $0x4000  }
0x98: {  	[sflag:s13] =	ssyncset.done $0x0  }
0x99: {  	[sflag:s13] =	ssyncadd.s32 $0xFFFFC000  }
0x9a: {  	_ =	strace $0x90000060  }
0x9b: {  	_ =	strace $0x80000060  }
0x9c: {  	_ =	swait.ge [sflag:s16], $0x4000  }
0x9d: {  	[sflag:s16] =	ssyncset.done $0x0  }
0x9e: {  	s11 =	rddreg [dreg:$0x10];
	[sflag:s16] =	ssyncadd.s32 $0xFFFFC000  }
0x9f: {  	[tilespmem:s17], [sflag:$0x1] =	stream.indirect.gather [hbm4b:s4+s15], $0x80, s11, s15, $0x2000b8;
	[tilespmem:$0x1D800] =	vst v63  }
0xa0: {  	s5 =	rddreg [dreg:$0x11]  }
0xa1: {  	[spmem:s1] =	stream.indirect.scatter.add.f32 [tilespmem:s12], [sflag:$0x2], $0x80, s5, s15, $0x2000b8;
	[tilespmem:$0x1D800] =	vst v63  }
0xa2: {  	_ =	swait.ge [sflag:s13], $0x4000  }
0xa3: {  	[sflag:s13] =	ssyncset.done $0x0  }
0xa4: {  	[sflag:s13] =	ssyncadd.s32 $0xFFFFC000  }
0xa5: {  	_ =	swait.ge [sflag:s16], $0x4000  }
0xa6: {  	[sflag:s16] =	ssyncset.done $0x0  }
0xa7: {  	s11 =	rddreg [dreg:$0x12];
	[sflag:s16] =	ssyncadd.s32 $0xFFFFC000  }
0xa8: {  	[tilespmem:s12], [sflag:$0x1] =	stream.indirect.gather [hbm4b:s4+s15], $0x80, s11, s15, $0x2000b8;
	[tilespmem:$0x1D800] =	vst v63  }
0xa9: {  	s5 =	rddreg [dreg:$0x13]  }
0xaa: {  	[spmem:s1] =	stream.indirect.scatter.add.f32 [tilespmem:s17], [sflag:$0x2], $0x80, s5, s15, $0x2000b8;
	[tilespmem:$0x1D800] =	vst v63  }
0xab: {  	_ =	swait.ge [sflag:s13], $0x4000  }
0xac: {  	[sflag:s13] =	ssyncset.done $0x0  }
0xad: {  	[sflag:s13] =	ssyncadd.s32 $0xFFFFC000  }
0xae: {  	_ =	strace $0x90000060  }
0xaf: {  	_ =	strace $0x80000060  }
0xb0: {  	_ =	swait.ge [sflag:s16], $0x4000  }
0xb1: {  	[sflag:s16] =	ssyncset.done $0x0  }
0xb2: {  	s11 =	rddreg [dreg:$0x14];
	[sflag:s16] =	ssyncadd.s32 $0xFFFFC000  }
0xb3: {  	[tilespmem:s17], [sflag:$0x1] =	stream.indirect.gather [hbm4b:s4+s15], $0x80, s11, s15, $0x2000b8;
	[tilespmem:$0x1D800] =	vst v63  }
0xb4: {  	s5 =	rddreg [dreg:$0x15]  }
0xb5: {  	[spmem:s1] =	stream.indirect.scatter.add.f32 [tilespmem:s12], [sflag:$0x2], $0x80, s5, s15, $0x2000b8;
	[tilespmem:$0x1D800] =	vst v63  }
0xb6: {  	_ =	swait.ge [sflag:s13], $0x4000  }
0xb7: {  	[sflag:s13] =	ssyncset.done $0x0  }
0xb8: {  	[sflag:s13] =	ssyncadd.s32 $0xFFFFC000  }
0xb9: {  	_ =	swait.ge [sflag:s16], $0x4000  }
0xba: {  	[sflag:s16] =	ssyncset.done $0x0  }
0xbb: {  	s11 =	rddreg [dreg:$0x16];
	[sflag:s16] =	ssyncadd.s32 $0xFFFFC000  }
0xbc: {  	[tilespmem:s12], [sflag:$0x1] =	stream.indirect.gather [hbm4b:s4+s15], $0x80, s11, s15, $0x2000b8;
	[tilespmem:$0x1D800] =	vst v63  }
0xbd: {  	s5 =	rddreg [dreg:$0x17]  }
0xbe: {  	[spmem:s1] =	stream.indirect.scatter.add.f32 [tilespmem:s17], [sflag:$0x2], $0x80, s5, s15, $0x2000b8;
	[tilespmem:$0x1D800] =	vst v63  }
0xbf: {  	_ =	swait.ge [sflag:s13], $0x4000  }
0xc0: {  	[sflag:s13] =	ssyncset.done $0x0  }
0xc1: {  	[sflag:s13] =	ssyncadd.s32 $0xFFFFC000  }
0xc2: {  	_ =	strace $0x90000060  }
0xc3: {  	_ =	strace $0x80000060  }
0xc4: {  	_ =	swait.ge [sflag:s16], $0x4000  }
0xc5: {  	[sflag:s16] =	ssyncset.done $0x0  }
0xc6: {  	s11 =	rddreg [dreg:$0x18];
	[sflag:s16] =	ssyncadd.s32 $0xFFFFC000  }
0xc7: {  	[tilespmem:s17], [sflag:$0x1] =	stream.indirect.gather [hbm4b:s4+s15], $0x80, s11, s15, $0x2000b8;
	[tilespmem:$0x1D800] =	vst v63  }
0xc8: {  	_ = 	snop  }
0xc9: {  	[spmem:s1] =	stream.indirect.scatter.add.f32 [tilespmem:s12], [sflag:$0x2], $0x80, s18, s15, $0x2000b8;
	[tilespmem:$0x1D800] =	vst v63  }
0xca: {  	_ =	swait.ge [sflag:s13], $0x4000  }
0xcb: {  	[sflag:s13] =	ssyncset.done $0x0  }
0xcc: {  	[sflag:s13] =	ssyncadd.s32 $0xFFFFC000  }
0xcd: {  	_ =	swait.ge [sflag:s16], $0x4000  }
0xce: {  	[sflag:s16] =	ssyncset.done $0x0  }
0xcf: {  	[sflag:s16] =	ssyncadd.s32 $0xFFFFC000  }
0xd0: {  	[tilespmem:s12], [sflag:$0x1] =	stream.indirect.gather [hbm4b:s4+s15], $0x80, s19, s15, $0x2000b8;
	[tilespmem:$0x1D800] =	vst v63  }
0xd1: {  	_ = 	snop  }
0xd2: {  	[spmem:s1] =	stream.indirect.scatter.add.f32 [tilespmem:s17], [sflag:$0x2], $0x80, s20, s15, $0x2000b8;
	[tilespmem:$0x1D800] =	vst v63  }
0xd3: {  	_ =	swait.ge [sflag:s13], $0x4000  }
0xd4: {  	[sflag:s13] =	ssyncset.done $0x0  }
0xd5: {  	[sflag:s13] =	ssyncadd.s32 $0xFFFFC000  }
0xd6: {  	_ =	strace $0x90000060  }
0xd7: {  	_ =	strace $0x80000060  }
0xd8: {  	_ =	swait.ge [sflag:s16], $0x4000  }
0xd9: {  	[sflag:s16] =	ssyncset.done $0x0  }
0xda: {  	[sflag:s16] =	ssyncadd.s32 $0xFFFFC000  }
0xdb: {  	[tilespmem:s17], [sflag:$0x1] =	stream.indirect.gather [hbm4b:s4+s15], $0x80, s21, s15, $0x2000b8;
	[tilespmem:$0x1D800] =	vst v63  }
0xdc: {  	_ = 	snop  }
0xdd: {  	[spmem:s1] =	stream.indirect.scatter.add.f32 [tilespmem:s12], [sflag:$0x2], $0x80, s22, s15, $0x2000b8;
	[tilespmem:$0x1D800] =	vst v63  }
0xde: {  	_ =	swait.ge [sflag:s13], $0x4000  }
0xdf: {  	[sflag:s13] =	ssyncset.done $0x0  }
0xe0: {  	[sflag:s13] =	ssyncadd.s32 $0xFFFFC000  }
0xe1: {  	_ =	swait.ge [sflag:s16], $0x4000  }
0xe2: {  	[sflag:s16] =	ssyncset.done $0x0  }
0xe3: {  	[sflag:s16] =	ssyncadd.s32 $0xFFFFC000  }
0xe4: {  	[tilespmem:s12], [sflag:$0x1] =	stream.indirect.gather [hbm4b:s4+s15], $0x80, s23, s15, $0x2000b8;
	[tilespmem:$0x1D800] =	vst v63  }
0xe5: {  	_ = 	snop  }
0xe6: {  	[spmem:s1] =	stream.indirect.scatter.add.f32 [tilespmem:s17], [sflag:$0x2], $0x80, s24, s15, $0x2000b8;
	[tilespmem:$0x1D800] =	vst v63  }
0xe7: {  	_ =	swait.ge [sflag:s13], $0x4000  }
0xe8: {  	[sflag:s13] =	ssyncset.done $0x0  }
0xe9: {  	[sflag:s13] =	ssyncadd.s32 $0xFFFFC000  }
0xea: {  	_ =	strace $0x90000060  }
0xeb: {  	_ =	strace $0x80000060  }
0xec: {  	_ =	swait.ge [sflag:s16], $0x4000  }
0xed: {  	[sflag:s16] =	ssyncset.done $0x0  }
0xee: {  	[sflag:s16] =	ssyncadd.s32 $0xFFFFC000  }
0xef: {  	[tilespmem:s17], [sflag:$0x1] =	stream.indirect.gather [hbm4b:s4+s15], $0x80, s25, s15, $0x2000b8;
	[tilespmem:$0x1D800] =	vst v63  }
0xf0: {  	_ = 	snop  }
0xf1: {  	[spmem:s1] =	stream.indirect.scatter.add.f32 [tilespmem:s12], [sflag:$0x2], $0x80, s26, s15, $0x2000b8;
	[tilespmem:$0x1D800] =	vst v63  }
0xf2: {  	_ =	swait.ge [sflag:s13], $0x4000  }
0xf3: {  	[sflag:s13] =	ssyncset.done $0x0  }
0xf4: {  	[sflag:s13] =	ssyncadd.s32 $0xFFFFC000  }
0xf5: {  	_ =	swait.ge [sflag:s16], $0x4000  }
0xf6: {  	[sflag:s16] =	ssyncset.done $0x0  }
0xf7: {  	[sflag:s16] =	ssyncadd.s32 $0xFFFFC000  }
0xf8: {  	[tilespmem:s12], [sflag:$0x1] =	stream.indirect.gather [hbm4b:s4+s15], $0x80, s28, s15, $0x2000b8;
	[tilespmem:$0x1D800] =	vst v63  }
0xf9: {  	_ = 	snop  }
0xfa: {  	[spmem:s1] =	stream.indirect.scatter.add.f32 [tilespmem:s17], [sflag:$0x2], $0x80, s29, s15, $0x2000b8;
	[tilespmem:$0x1D800] =	vst v63  }
0xfb: {  	_ =	swait.ge [sflag:s13], $0x4000  }
0xfc: {  	[sflag:s13] =	ssyncset.done $0x0  }
0xfd: {  	[sflag:s13] =	ssyncadd.s32 $0xFFFFC000  }
0xfe: {  	_ =	strace $0x90000060  }
0xff: {  	_ =	strace $0x80000060  }
0x100: {  	_ =	swait.ge [sflag:s16], $0x4000  }
0x101: {  	[sflag:s16] =	ssyncset.done $0x0  }
0x102: {  	[sflag:s16] =	ssyncadd.s32 $0xFFFFC000  }
0x103: {  	[tilespmem:s17], [sflag:$0x1] =	stream.indirect.gather [hbm4b:s4+s15], $0x80, s30, s15, $0x2000b8;
	[tilespmem:$0x1D800] =	vst v63  }
0x104: {  	_ = 	snop  }
0x105: {  	[spmem:s1] =	stream.indirect.scatter.add.f32 [tilespmem:s12], [sflag:$0x2], $0x80, s31, s15, $0x2000b8;
	[tilespmem:$0x1D800] =	vst v63  }
0x106: {  	_ =	swait.ge [sflag:s13], $0x4000  }
0x107: {  	[sflag:s13] =	ssyncset.done $0x0  }
0x108: {  	[sflag:s13] =	ssyncadd.s32 $0xFFFFC000  }
0x109: {  	_ =	swait.ge [sflag:s16], $0x4000  }
0x10a: {  	[sflag:s16] =	ssyncset.done $0x0  }
0x10b: {  	[sflag:s16] =	ssyncadd.s32 $0xFFFFC000  }
0x10c: {  	[tilespmem:s12], [sflag:$0x1] =	stream.indirect.gather [hbm4b:s4+s15], $0x80, s0, s15, $0x2000b8;
	[tilespmem:$0x1D800] =	vst v63  }
0x10d: {  	_ = 	snop  }
0x10e: {  	[spmem:s1] =	stream.indirect.scatter.add.f32 [tilespmem:s17], [sflag:$0x2], $0x80, s2, s15, $0x2000b8;
	[tilespmem:$0x1D800] =	vst v63  }
0x10f: {  	_ =	swait.ge [sflag:s13], $0x4000  }
0x110: {  	[sflag:s13] =	ssyncset.done $0x0  }
0x111: {  	[sflag:s13] =	ssyncadd.s32 $0xFFFFC000  }
0x112: {  	_ =	strace $0x90000060  }
0x113: {  	_ =	strace $0x80000060  }
0x114: {  	_ =	swait.ge [sflag:s16], $0x4000  }
0x115: {  	[sflag:s16] =	ssyncset.done $0x0  }
0x116: {  	[sflag:s16] =	ssyncadd.s32 $0xFFFFC000  }
0x117: {  	[tilespmem:s17], [sflag:$0x1] =	stream.indirect.gather [hbm4b:s4+s15], $0x80, s6, s15, $0x2000b8;
	[tilespmem:$0x1D800] =	vst v63  }
0x118: {  	_ = 	snop  }
0x119: {  	[spmem:s1] =	stream.indirect.scatter.add.f32 [tilespmem:s12], [sflag:$0x2], $0x80, s7, s15, $0x2000b8;
	[tilespmem:$0x1D800] =	vst v63  }
0x11a: {  	_ =	swait.ge [sflag:s13], $0x4000  }
0x11b: {  	[sflag:s13] =	ssyncset.done $0x0  }
0x11c: {  	[sflag:s13] =	ssyncadd.s32 $0xFFFFC000  }
0x11d: {  	_ =	swait.ge [sflag:s16], $0x4000  }
0x11e: {  	[sflag:s16] =	ssyncset.done $0x0  }
0x11f: {  	[sflag:s16] =	ssyncadd.s32 $0xFFFFC000  }
0x120: {  	[spmem:s1] =	stream.indirect.scatter.add.f32 [tilespmem:s17], [sflag:$0x2], $0x80, s8, s15, $0x2000b8;
	[tilespmem:$0x1D800] =	vst v63  }
0x121: {  	_ =	swait.ge [sflag:s13], $0x4000  }
0x122: {  	[sflag:s13] =	ssyncset.done $0x0  }
0x123: {  	s10 =	simm.s32 $0x180;
	[sflag:s13] =	ssyncadd.s32 $0xFFFFC000  }
.LBB2_4:
0x124: {  	_ =	strace $0x90000060  }
0x125: {  	_ =	strace $0x8000005F  }
0x126: {  	s11 =	smov.u32 s10;
	s5 =	rddreg [dreg:$0x4]  }
0x127: {  	s5 =	sadd.s32 s11, s5  }
0x128: {  	[tilespmem:s3], [sflag:$0x2] =	stream.linear.gather [hbm4b:s5+s3], $0xA00, $0x200038;
	[tilespmem:$0x1D800] =	vst v63  }
0x129: {  	_ =	swait.ge [sflag:s13], $0xA00  }
0x12a: {  	s5 =	rddreg [dreg:$0x5];
	[sflag:s13] =	ssyncset.done $0x0  }
0x12b: {  	[sflag:s13] =	ssyncadd.s32 $0xFFFFF600;
	s5 =	sadd.s32 s11, s5  }
0x12c: {  	[tilespmem:s14], [sflag:$0x2] =	stream.linear.gather [hbm4b:s5+s3], $0xA00, $0x200038;
	[tilespmem:$0x1D800] =	vst v63  }
0x12d: {  	_ =	swait.ge [sflag:s13], $0xA00  }
0x12e: {  	[sflag:s13] =	ssyncset.done $0x0  }
0x12f: {  	[sflag:s13] =	ssyncadd.s32 $0xFFFFF600  }
0x130: {  	_ =	strace $0x9000005F  }
0x131: {  	[tilespmem:s12], [sflag:$0x1] =	stream.indirect.gather [hbm4b:s4+s15], $0x80, s3, s15, $0xb8;
	[tilespmem:$0x1D800] =	vst v63  }
0x132: {  	_ =	strace $0x80000060  }
0x133: {  	_ =	swait.ge [sflag:s16], $0x4000  }
0x134: {  	[sflag:s16] =	ssyncset.done $0x0  }
0x135: {  	[sflag:s16] =	ssyncadd.s32 $0xFFFFC000  }
0x136: {  	[tilespmem:s17], [sflag:$0x1] =	stream.indirect.gather [hbm4b:s4+s15], $0x80, s15, s15, $0x2000b8;
	[tilespmem:$0x1D800] =	vst v63  }
0x137: {  	_ = 	snop  }
0x138: {  	[spmem:s1] =	stream.indirect.scatter.add.f32 [tilespmem:s12], [sflag:$0x2], $0x80, s14, s15, $0x2000b8;
	[tilespmem:$0x1D800] =	vst v63  }
0x139: {  	_ =	swait.ge [sflag:s13], $0x4000  }
0x13a: {  	[sflag:s13] =	ssyncset.done $0x0  }
0x13b: {  	[sflag:s13] =	ssyncadd.s32 $0xFFFFC000  }
0x13c: {  	_ =	swait.ge [sflag:s16], $0x4000  }
0x13d: {  	[sflag:s16] =	ssyncset.done $0x0  }
0x13e: {  	s5 =	rddreg [dreg:$0x6];
	[sflag:s16] =	ssyncadd.s32 $0xFFFFC000  }
0x13f: {  	[tilespmem:s12], [sflag:$0x1] =	stream.indirect.gather [hbm4b:s4+s15], $0x80, s5, s15, $0x2000b8;
	[tilespmem:$0x1D800] =	vst v63  }
0x140: {  	s11 =	rddreg [dreg:$0x7]  }
0x141: {  	[spmem:s1] =	stream.indirect.scatter.add.f32 [tilespmem:s17], [sflag:$0x2], $0x80, s11, s15, $0x2000b8;
	[tilespmem:$0x1D800] =	vst v63  }
0x142: {  	_ =	swait.ge [sflag:s13], $0x4000  }
0x143: {  	[sflag:s13] =	ssyncset.done $0x0  }
0x144: {  	[sflag:s13] =	ssyncadd.s32 $0xFFFFC000  }
0x145: {  	_ =	strace $0x90000060  }
0x146: {  	_ =	strace $0x80000060  }
0x147: {  	_ =	swait.ge [sflag:s16], $0x4000  }
0x148: {  	[sflag:s16] =	ssyncset.done $0x0  }
0x149: {  	s5 =	rddreg [dreg:$0x8];
	[sflag:s16] =	ssyncadd.s32 $0xFFFFC000  }
0x14a: {  	[tilespmem:s17], [sflag:$0x1] =	stream.indirect.gather [hbm4b:s4+s15], $0x80, s5, s15, $0x2000b8;
	[tilespmem:$0x1D800] =	vst v63  }
0x14b: {  	s11 =	rddreg [dreg:$0x9]  }
0x14c: {  	[spmem:s1] =	stream.indirect.scatter.add.f32 [tilespmem:s12], [sflag:$0x2], $0x80, s11, s15, $0x2000b8;
	[tilespmem:$0x1D800] =	vst v63  }
0x14d: {  	_ =	swait.ge [sflag:s13], $0x4000  }
0x14e: {  	[sflag:s13] =	ssyncset.done $0x0  }
0x14f: {  	[sflag:s13] =	ssyncadd.s32 $0xFFFFC000  }
0x150: {  	_ =	swait.ge [sflag:s16], $0x4000  }
0x151: {  	[sflag:s16] =	ssyncset.done $0x0  }
0x152: {  	s5 =	rddreg [dreg:$0xa];
	[sflag:s16] =	ssyncadd.s32 $0xFFFFC000  }
0x153: {  	[tilespmem:s12], [sflag:$0x1] =	stream.indirect.gather [hbm4b:s4+s15], $0x80, s5, s15, $0x2000b8;
	[tilespmem:$0x1D800] =	vst v63  }
0x154: {  	s11 =	rddreg [dreg:$0xb]  }
0x155: {  	[spmem:s1] =	stream.indirect.scatter.add.f32 [tilespmem:s17], [sflag:$0x2], $0x80, s11, s15, $0x2000b8;
	[tilespmem:$0x1D800] =	vst v63  }
0x156: {  	_ =	swait.ge [sflag:s13], $0x4000  }
0x157: {  	[sflag:s13] =	ssyncset.done $0x0  }
0x158: {  	[sflag:s13] =	ssyncadd.s32 $0xFFFFC000  }
0x159: {  	_ =	strace $0x90000060  }
0x15a: {  	_ =	strace $0x80000060  }
0x15b: {  	_ =	swait.ge [sflag:s16], $0x4000  }
0x15c: {  	[sflag:s16] =	ssyncset.done $0x0  }
0x15d: {  	s5 =	rddreg [dreg:$0xc];
	[sflag:s16] =	ssyncadd.s32 $0xFFFFC000  }
0x15e: {  	[tilespmem:s17], [sflag:$0x1] =	stream.indirect.gather [hbm4b:s4+s15], $0x80, s5, s15, $0x2000b8;
	[tilespmem:$0x1D800] =	vst v63  }
0x15f: {  	s11 =	rddreg [dreg:$0xd]  }
0x160: {  	[spmem:s1] =	stream.indirect.scatter.add.f32 [tilespmem:s12], [sflag:$0x2], $0x80, s11, s15, $0x2000b8;
	[tilespmem:$0x1D800] =	vst v63  }
0x161: {  	_ =	swait.ge [sflag:s13], $0x4000  }
0x162: {  	[sflag:s13] =	ssyncset.done $0x0  }
0x163: {  	[sflag:s13] =	ssyncadd.s32 $0xFFFFC000  }
0x164: {  	_ =	swait.ge [sflag:s16], $0x4000  }
0x165: {  	[sflag:s16] =	ssyncset.done $0x0  }
0x166: {  	s5 =	rddreg [dreg:$0xe];
	[sflag:s16] =	ssyncadd.s32 $0xFFFFC000  }
0x167: {  	[tilespmem:s12], [sflag:$0x1] =	stream.indirect.gather [hbm4b:s4+s15], $0x80, s5, s15, $0x2000b8;
	[tilespmem:$0x1D800] =	vst v63  }
0x168: {  	s11 =	rddreg [dreg:$0xf]  }
0x169: {  	[spmem:s1] =	stream.indirect.scatter.add.f32 [tilespmem:s17], [sflag:$0x2], $0x80, s11, s15, $0x2000b8;
	[tilespmem:$0x1D800] =	vst v63  }
0x16a: {  	_ =	swait.ge [sflag:s13], $0x4000  }
0x16b: {  	[sflag:s13] =	ssyncset.done $0x0  }
0x16c: {  	[sflag:s13] =	ssyncadd.s32 $0xFFFFC000  }
0x16d: {  	_ =	strace $0x90000060  }
0x16e: {  	_ =	strace $0x80000060  }
0x16f: {  	_ =	swait.ge [sflag:s16], $0x4000  }
0x170: {  	[sflag:s16] =	ssyncset.done $0x0  }
0x171: {  	s5 =	rddreg [dreg:$0x10];
	[sflag:s16] =	ssyncadd.s32 $0xFFFFC000  }
0x172: {  	[tilespmem:s17], [sflag:$0x1] =	stream.indirect.gather [hbm4b:s4+s15], $0x80, s5, s15, $0x2000b8;
	[tilespmem:$0x1D800] =	vst v63  }
0x173: {  	s11 =	rddreg [dreg:$0x11]  }
0x174: {  	[spmem:s1] =	stream.indirect.scatter.add.f32 [tilespmem:s12], [sflag:$0x2], $0x80, s11, s15, $0x2000b8;
	[tilespmem:$0x1D800] =	vst v63  }
0x175: {  	_ =	swait.ge [sflag:s13], $0x4000  }
0x176: {  	[sflag:s13] =	ssyncset.done $0x0  }
0x177: {  	[sflag:s13] =	ssyncadd.s32 $0xFFFFC000  }
0x178: {  	_ =	swait.ge [sflag:s16], $0x4000  }
0x179: {  	[sflag:s16] =	ssyncset.done $0x0  }
0x17a: {  	s5 =	rddreg [dreg:$0x12];
	[sflag:s16] =	ssyncadd.s32 $0xFFFFC000  }
0x17b: {  	[tilespmem:s12], [sflag:$0x1] =	stream.indirect.gather [hbm4b:s4+s15], $0x80, s5, s15, $0x2000b8;
	[tilespmem:$0x1D800] =	vst v63  }
0x17c: {  	s11 =	rddreg [dreg:$0x13]  }
0x17d: {  	[spmem:s1] =	stream.indirect.scatter.add.f32 [tilespmem:s17], [sflag:$0x2], $0x80, s11, s15, $0x2000b8;
	[tilespmem:$0x1D800] =	vst v63  }
0x17e: {  	_ =	swait.ge [sflag:s13], $0x4000  }
0x17f: {  	[sflag:s13] =	ssyncset.done $0x0  }
0x180: {  	[sflag:s13] =	ssyncadd.s32 $0xFFFFC000  }
0x181: {  	_ =	strace $0x90000060  }
0x182: {  	_ =	strace $0x80000060  }
0x183: {  	_ =	swait.ge [sflag:s16], $0x4000  }
0x184: {  	[sflag:s16] =	ssyncset.done $0x0  }
0x185: {  	s5 =	rddreg [dreg:$0x14];
	[sflag:s16] =	ssyncadd.s32 $0xFFFFC000  }
0x186: {  	[tilespmem:s17], [sflag:$0x1] =	stream.indirect.gather [hbm4b:s4+s15], $0x80, s5, s15, $0x2000b8;
	[tilespmem:$0x1D800] =	vst v63  }
0x187: {  	s11 =	rddreg [dreg:$0x15]  }
0x188: {  	[spmem:s1] =	stream.indirect.scatter.add.f32 [tilespmem:s12], [sflag:$0x2], $0x80, s11, s15, $0x2000b8;
	[tilespmem:$0x1D800] =	vst v63  }
0x189: {  	_ =	swait.ge [sflag:s13], $0x4000  }
0x18a: {  	[sflag:s13] =	ssyncset.done $0x0  }
0x18b: {  	[sflag:s13] =	ssyncadd.s32 $0xFFFFC000  }
0x18c: {  	_ =	swait.ge [sflag:s16], $0x4000  }
0x18d: {  	[sflag:s16] =	ssyncset.done $0x0  }
0x18e: {  	s5 =	rddreg [dreg:$0x16];
	[sflag:s16] =	ssyncadd.s32 $0xFFFFC000  }
0x18f: {  	[tilespmem:s12], [sflag:$0x1] =	stream.indirect.gather [hbm4b:s4+s15], $0x80, s5, s15, $0x2000b8;
	[tilespmem:$0x1D800] =	vst v63  }
0x190: {  	s11 =	rddreg [dreg:$0x17]  }
0x191: {  	[spmem:s1] =	stream.indirect.scatter.add.f32 [tilespmem:s17], [sflag:$0x2], $0x80, s11, s15, $0x2000b8;
	[tilespmem:$0x1D800] =	vst v63  }
0x192: {  	_ =	swait.ge [sflag:s13], $0x4000  }
0x193: {  	[sflag:s13] =	ssyncset.done $0x0  }
0x194: {  	[sflag:s13] =	ssyncadd.s32 $0xFFFFC000  }
0x195: {  	_ =	strace $0x90000060  }
0x196: {  	_ =	strace $0x80000060  }
0x197: {  	_ =	swait.ge [sflag:s16], $0x4000  }
0x198: {  	[sflag:s16] =	ssyncset.done $0x0  }
0x199: {  	s11 =	rddreg [dreg:$0x18];
	[sflag:s16] =	ssyncadd.s32 $0xFFFFC000  }
0x19a: {  	[tilespmem:s17], [sflag:$0x1] =	stream.indirect.gather [hbm4b:s4+s15], $0x80, s11, s15, $0x2000b8;
	[tilespmem:$0x1D800] =	vst v63  }
0x19b: {  	_ = 	snop  }
0x19c: {  	[spmem:s1] =	stream.indirect.scatter.add.f32 [tilespmem:s12], [sflag:$0x2], $0x80, s18, s15, $0x2000b8;
	[tilespmem:$0x1D800] =	vst v63  }
0x19d: {  	_ =	swait.ge [sflag:s13], $0x4000  }
0x19e: {  	[sflag:s13] =	ssyncset.done $0x0  }
0x19f: {  	[sflag:s13] =	ssyncadd.s32 $0xFFFFC000  }
0x1a0: {  	_ =	swait.ge [sflag:s16], $0x4000  }
0x1a1: {  	[sflag:s16] =	ssyncset.done $0x0  }
0x1a2: {  	[sflag:s16] =	ssyncadd.s32 $0xFFFFC000  }
0x1a3: {  	[tilespmem:s12], [sflag:$0x1] =	stream.indirect.gather [hbm4b:s4+s15], $0x80, s19, s15, $0x2000b8;
	[tilespmem:$0x1D800] =	vst v63  }
0x1a4: {  	_ = 	snop  }
0x1a5: {  	[spmem:s1] =	stream.indirect.scatter.add.f32 [tilespmem:s17], [sflag:$0x2], $0x80, s20, s15, $0x2000b8;
	[tilespmem:$0x1D800] =	vst v63  }
0x1a6: {  	_ =	swait.ge [sflag:s13], $0x4000  }
0x1a7: {  	[sflag:s13] =	ssyncset.done $0x0  }
0x1a8: {  	[sflag:s13] =	ssyncadd.s32 $0xFFFFC000  }
0x1a9: {  	_ =	strace $0x90000060  }
0x1aa: {  	_ =	strace $0x80000060  }
0x1ab: {  	_ =	swait.ge [sflag:s16], $0x4000  }
0x1ac: {  	[sflag:s16] =	ssyncset.done $0x0  }
0x1ad: {  	[sflag:s16] =	ssyncadd.s32 $0xFFFFC000  }
0x1ae: {  	[tilespmem:s17], [sflag:$0x1] =	stream.indirect.gather [hbm4b:s4+s15], $0x80, s21, s15, $0x2000b8;
	[tilespmem:$0x1D800] =	vst v63  }
0x1af: {  	_ = 	snop  }
0x1b0: {  	[spmem:s1] =	stream.indirect.scatter.add.f32 [tilespmem:s12], [sflag:$0x2], $0x80, s22, s15, $0x2000b8;
	[tilespmem:$0x1D800] =	vst v63  }
0x1b1: {  	_ =	swait.ge [sflag:s13], $0x4000  }
0x1b2: {  	[sflag:s13] =	ssyncset.done $0x0  }
0x1b3: {  	[sflag:s13] =	ssyncadd.s32 $0xFFFFC000  }
0x1b4: {  	_ =	swait.ge [sflag:s16], $0x4000  }
0x1b5: {  	[sflag:s16] =	ssyncset.done $0x0  }
0x1b6: {  	[sflag:s16] =	ssyncadd.s32 $0xFFFFC000  }
0x1b7: {  	[tilespmem:s12], [sflag:$0x1] =	stream.indirect.gather [hbm4b:s4+s15], $0x80, s23, s15, $0x2000b8;
	[tilespmem:$0x1D800] =	vst v63  }
0x1b8: {  	_ = 	snop  }
0x1b9: {  	[spmem:s1] =	stream.indirect.scatter.add.f32 [tilespmem:s17], [sflag:$0x2], $0x80, s24, s15, $0x2000b8;
	[tilespmem:$0x1D800] =	vst v63  }
0x1ba: {  	_ =	swait.ge [sflag:s13], $0x4000  }
0x1bb: {  	[sflag:s13] =	ssyncset.done $0x0  }
0x1bc: {  	[sflag:s13] =	ssyncadd.s32 $0xFFFFC000  }
0x1bd: {  	_ =	strace $0x90000060  }
0x1be: {  	_ =	strace $0x80000060  }
0x1bf: {  	_ =	swait.ge [sflag:s16], $0x4000  }
0x1c0: {  	[sflag:s16] =	ssyncset.done $0x0  }
0x1c1: {  	[sflag:s16] =	ssyncadd.s32 $0xFFFFC000  }
0x1c2: {  	[tilespmem:s17], [sflag:$0x1] =	stream.indirect.gather [hbm4b:s4+s15], $0x80, s25, s15, $0x2000b8;
	[tilespmem:$0x1D800] =	vst v63  }
0x1c3: {  	_ = 	snop  }
0x1c4: {  	[spmem:s1] =	stream.indirect.scatter.add.f32 [tilespmem:s12], [sflag:$0x2], $0x80, s26, s15, $0x2000b8;
	[tilespmem:$0x1D800] =	vst v63  }
0x1c5: {  	_ =	swait.ge [sflag:s13], $0x4000  }
0x1c6: {  	[sflag:s13] =	ssyncset.done $0x0  }
0x1c7: {  	[sflag:s13] =	ssyncadd.s32 $0xFFFFC000  }
0x1c8: {  	_ =	swait.ge [sflag:s16], $0x4000  }
0x1c9: {  	[sflag:s16] =	ssyncset.done $0x0  }
0x1ca: {  	[sflag:s16] =	ssyncadd.s32 $0xFFFFC000  }
0x1cb: {  	[tilespmem:s12], [sflag:$0x1] =	stream.indirect.gather [hbm4b:s4+s15], $0x80, s28, s15, $0x2000b8;
	[tilespmem:$0x1D800] =	vst v63  }
0x1cc: {  	_ = 	snop  }
0x1cd: {  	[spmem:s1] =	stream.indirect.scatter.add.f32 [tilespmem:s17], [sflag:$0x2], $0x80, s29, s15, $0x2000b8;
	[tilespmem:$0x1D800] =	vst v63  }
0x1ce: {  	_ =	swait.ge [sflag:s13], $0x4000  }
0x1cf: {  	[sflag:s13] =	ssyncset.done $0x0  }
0x1d0: {  	[sflag:s13] =	ssyncadd.s32 $0xFFFFC000  }
0x1d1: {  	_ =	strace $0x90000060  }
0x1d2: {  	_ =	strace $0x80000060  }
0x1d3: {  	_ =	swait.ge [sflag:s16], $0x4000  }
0x1d4: {  	[sflag:s16] =	ssyncset.done $0x0  }
0x1d5: {  	[sflag:s16] =	ssyncadd.s32 $0xFFFFC000  }
0x1d6: {  	[tilespmem:s17], [sflag:$0x1] =	stream.indirect.gather [hbm4b:s4+s15], $0x80, s30, s15, $0x2000b8;
	[tilespmem:$0x1D800] =	vst v63  }
0x1d7: {  	_ = 	snop  }
0x1d8: {  	[spmem:s1] =	stream.indirect.scatter.add.f32 [tilespmem:s12], [sflag:$0x2], $0x80, s31, s15, $0x2000b8;
	[tilespmem:$0x1D800] =	vst v63  }
0x1d9: {  	_ =	swait.ge [sflag:s13], $0x4000  }
0x1da: {  	[sflag:s13] =	ssyncset.done $0x0  }
0x1db: {  	[sflag:s13] =	ssyncadd.s32 $0xFFFFC000  }
0x1dc: {  	_ =	swait.ge [sflag:s16], $0x4000  }
0x1dd: {  	[sflag:s16] =	ssyncset.done $0x0  }
0x1de: {  	[sflag:s16] =	ssyncadd.s32 $0xFFFFC000  }
0x1df: {  	[tilespmem:s12], [sflag:$0x1] =	stream.indirect.gather [hbm4b:s4+s15], $0x80, s0, s15, $0x2000b8;
	[tilespmem:$0x1D800] =	vst v63  }
0x1e0: {  	_ = 	snop  }
0x1e1: {  	[spmem:s1] =	stream.indirect.scatter.add.f32 [tilespmem:s17], [sflag:$0x2], $0x80, s2, s15, $0x2000b8;
	[tilespmem:$0x1D800] =	vst v63  }
0x1e2: {  	_ =	swait.ge [sflag:s13], $0x4000  }
0x1e3: {  	[sflag:s13] =	ssyncset.done $0x0  }
0x1e4: {  	[sflag:s13] =	ssyncadd.s32 $0xFFFFC000  }
0x1e5: {  	_ =	strace $0x90000060  }
0x1e6: {  	_ =	strace $0x80000060  }
0x1e7: {  	_ =	swait.ge [sflag:s16], $0x4000  }
0x1e8: {  	[sflag:s16] =	ssyncset.done $0x0  }
0x1e9: {  	[sflag:s16] =	ssyncadd.s32 $0xFFFFC000  }
0x1ea: {  	[tilespmem:s17], [sflag:$0x1] =	stream.indirect.gather [hbm4b:s4+s15], $0x80, s6, s15, $0x2000b8;
	[tilespmem:$0x1D800] =	vst v63  }
0x1eb: {  	_ = 	snop  }
0x1ec: {  	[spmem:s1] =	stream.indirect.scatter.add.f32 [tilespmem:s12], [sflag:$0x2], $0x80, s7, s15, $0x2000b8;
	[tilespmem:$0x1D800] =	vst v63  }
0x1ed: {  	_ =	swait.ge [sflag:s13], $0x4000  }
0x1ee: {  	[sflag:s13] =	ssyncset.done $0x0  }
0x1ef: {  	[sflag:s13] =	ssyncadd.s32 $0xFFFFC000  }
0x1f0: {  	_ =	swait.ge [sflag:s16], $0x4000  }
0x1f1: {  	p0 =	sne.s32 s10, $0x480;
	[sflag:s16] =	ssyncset.done $0x0  }
.Ltmp1:
0x1f2: {  	[sflag:s16] =	ssyncadd.s32 $0xFFFFC000;
	(pc) =	sbr.rel @p0 .LBB2_4-.Ltmp1, $4  }
0x1f3: {  	[spmem:s1] =	stream.indirect.scatter.add.f32 [tilespmem:s17], [sflag:$0x2], $0x80, s8, s15, $0x2000b8;
	[tilespmem:$0x1D800] =	vst v63  }
0x1f4: {  	_ =	swait.ge [sflag:s13], $0x4000  }
0x1f5: {  	[sflag:s13] =	ssyncset.done $0x0  }
0x1f6: {  	s10 =	sadd.s32 $0x180, s10;
	[sflag:s13] =	ssyncadd.s32 $0xFFFFC000  }
0x1f7: {  	_ =	strace $0x90000060  }
0x1f8: {  	_ =	strace $0x80000061  }
0x1f9: {  	[bflag:$0x0] =	sbarrier.arrive $0xFFFF  }
0x1fa: {  	_ =	strace $0x90000061  }
0x1fb: {  	s5 =	stileid.u32;
	_ =	strace $0x80000062  }
0x1fc: {  	s5 =	sshll.u32 s5, $0x6;
	s10 =	rddreg [dreg:$0x19]  }
0x1fd: {  	s5 =	sor.u32 $0x1C02, s5;
	s11 =	rddreg [dreg:$0x1a];
	s10 =	sshrl.u32 s10, $0x3  }
0x1fe: {  	[hbm:s11], [sflag:s5] =	dma.local [spmem:s10], $0x2800  }
0x1ff: {  	_ =	swait.ge [sflag:s13], $0x2800  }
0x200: {  	s9 =	sadd.s32 $0x1, s9;
	s11 =	rddreg [dreg:$0x1b]  }
0x201: {  	p0 =	sne.s32 s9, s11  }
.Ltmp2:
0x202: {  	_ = 	snop;
	(pc) =	sbr.rel @p0 .LBB2_1-.Ltmp2, $4  }
0x203: {  	_ = 	snop  }
0x204: {  	[sflag:s13] =	ssyncset.done $0x0  }
0x205: {  	[sflag:s13] =	ssyncadd.s32 $0xFFFFD800  }
0x206: {  	_ =	strace $0x90000062  }
0x207: {  	_ =	sfence.sel $0x180000  }
0x208: {  	[bflag:$0x0] =	sbarrier.arrive $0xFFFF  }
0x209: {  	_ =	strace $0x9000005B  }
0x20a: {  	s0 =	stileid.u32;
	[bflag:$0x2] =	sbarrier.arrive $0xFFFF  }
0x20b: {  	p0 =	sne.s32 s0, $0x0;
	s0 =	rddreg [dreg:$0x3]  }
0x20c: {  	s0 =	sadd.s32 @!p0 $0x100000, s0  }
0x20d: {  	[sflag:s0] =	ssyncadd.tile.s32 @!p0 $0x1;
	_ =	shalt  }
.Lfunc_end2:
_tile_overlayer_lowered:
.L_overlay_start_2:
0x20e: {  	(tag) =	ssettag $0x2  }
0x20f: {  	s0 =	rddreg [dreg:$0x0];
	s2 =	stileid.u32  }
0x210: {  	s1 =	rddreg [dreg:$0x1];
	p0 =	sne.s32 s2, $0x0  }
0x211: {  	s3 =	rddreg [dreg:$0x2];
	[bflag:$0x3] =	sbarrier.arrive $0xFFFF;
	s2 =	simm.s32 @!p0 $0x1C02  }
0x212: {  	[timem:s3], [sflag:s2] =	dma.local @!p0 [hbm:s0], s1  }
0x213: {  	s0 =	simm.s32 @!p0 $0x2  }
0x214: {  	_ =	swait.ge @!p0 [sflag:s0], s1  }
0x215: {  	s1 =	ssub.s32 @!p0 $0x0, s1;
	[sflag:s0] =	ssyncset.done @!p0 $0x0  }
0x216: {  	[sflag:s0] =	ssyncadd.s32 @!p0 s1  }
0x217: {  	[bflag:$0x3] =	sbarrier.arrive $0xFFFF  }
0x218: {  	_ =	shalt  }

// kernel: kernel.8.cloned.1.call-start
scs
__scs_entry_jumppad:
0x0: {  	(pc) =	sbr.rel $0x88, $3  }
0x1: {  	(tag) =	ssettag $0x0;
	lr =	simm.s32 $0x1  }
0x2: {  	[smem:$0x3F9B] =	sst lr;
	_ =	strace $0xD0000000  }
0x3: {  	_ = 	snop  }
0x4: {  	_ = 	snop  }
0x5: {  	_ = 	snop  }
0x6: {  	_ = 	snop  }
0x7: {  	_ = 	snop  }
__scs_overlays_trampoline_lowered:
0x8: {  	[smem:$0x3FAA] =	sst s0  }
0x9: {  	[smem:$0x3FAB] =	sst s1  }
0xa: {  	[smem:$0x3FAC] =	sst s2  }
0xb: {  	[smem:$0x3FAD] =	sst s3  }
0xc: {  	[smem:$0x3FAE] =	sst s4  }
0xd: {  	[smem:$0x3FAF] =	sst s5  }
0xe: {  	[smem:$0x3FB0] =	sst s6  }
0xf: {  	[smem:$0x3FB1] =	sst s7  }
0x10: {  	[smem:$0x3FB2] =	sst s8  }
0x11: {  	[smem:$0x3FB3] =	sst s9;
	s0 =	simm.s32 @!p0 $0x0  }
0x12: {  	s1 =	sld [smem:$0x3F99];
	s0 =	simm.s32 @p0 $0x1  }
0x13: {  	[smem:$0x3FB4] =	sst s0;
	s0 =	simm.s32 @!p1 $0x0  }
0x14: {  	s2 =	sld [smem:$0x3F98];
	s0 =	simm.s32 @p1 $0x1  }
0x15: {  	[smem:$0x3FB5] =	sst s0;
	s0 =	simm.s32 @!p2 $0x0  }
0x16: {  	s3 =	sld [smem:$0x3FDB];
	s0 =	simm.s32 @p2 $0x1  }
0x17: {  	s4 =	simm.s32 $0x1BF5;
	[smem:$0x3FB7] =	sst s0  }
0x18: {  	s0 =	sld [smem:$0x3F9A];
	_ =	swait.ge [sflag:s4], $0x0  }
0x19: {  	s7 =	sld [smem:$0x3F9B]  }
0x1a: {  	s8 =	sadd.s32 $0xFFFFE003, lr  }
0x1b: {  	s9 =	sadd.s32 $0xFFFFFEF7, lr;
	s5 =	simm.s32 $0xFFFFFFFF;
	p2 =	slt.u32 s8, $0xFFFFF086  }
0x1c: {  	p1 =	slt.u32 s9, $0xF7A;
	s5 =	simm.s32 @!p2 $0x0  }
0x1d: {  	s5 =	simm.s32 @p1 $0x1;
	p0 =	seq.s32 s7, s2  }
0x1e: {  	s7 =	smul.u32 @!p0 $0xF7A, s2;
	p2 =	seq.s32 @!p0 s5, $0x0  }
0x1f: {  	s9 =	smul.u32 $0xF7A, s1;
	s8 =	simm.s32 @!p0 $0x1BF5;
	p2 =	por !p2, p0  }
0x20: {  	[sflag:s8] =	ssyncset.s32 @!p0 $0xFFFFF086;
	s6 =	sadd.s32 @!p0 s3, s7;
	s7 =	simm.s32 @!p0 $0x108  }
0x21: {  	s3 =	sadd.s32 s3, s9;
	s6 =	sadd.s32 @!p0 $0x88, s6;
	s7 =	simm.s32 @p2 $0x1082  }
0x22: {  	[simem:s7], [sflag:s8] =	dma.local @!p0 [hbm:s6], $0xF7A  }
0x23: {  	s9 =	sor.u32 $0xD0000000, s2;
	s6 =	simm.s32 $0x108;
	_ =	swait.ge @!p0 [sflag:s8], $0x0  }
0x24: {  	s3 =	sadd.s32 $0x88, s3;
	s6 =	simm.s32 @!p1 $0x1082;
	[sflag:s4] =	ssyncset.s32 $0xFFFFF086  }
0x25: {  	[simem:s6], [sflag:s4] =	dma.local [hbm:s3], $0xF7A  }
0x26: {  	[smem:$0x3F9B] =	sst s1;
	(tag) =	ssettag s2;
	_ =	strace s9  }
0x27: {  	s1 =	sld [smem:$0x3FAB]  }
0x28: {  	s2 =	sld [smem:$0x3FAC]  }
0x29: {  	s4 =	sld [smem:$0x3FAE]  }
0x2a: {  	p0 =	seq.s32 s5, $0x0;
	s5 =	sld [smem:$0x3FAF]  }
0x2b: {  	s6 =	sld [smem:$0x3FB0]  }
0x2c: {  	s7 =	sld [smem:$0x3FB1]  }
0x2d: {  	s3 =	simm.s32 $0x108;
	s8 =	sld [smem:$0x3FB2]  }
0x2e: {  	s3 =	simm.s32 @!p0 $0x1082;
	s9 =	sld [smem:$0x3FB3]  }
0x2f: {  	lr =	sadd.s32 s0, s3;
	s0 =	sld [smem:$0x3FAA]  }
0x30: {  	s3 =	sld [smem:$0x3FAD]  }
0x31: {  	[smem:$0x3FB6] =	sst s10  }
0x32: {  	s10 =	sld [smem:$0x3FB4];
	_ =	sdelay $0x3  }
0x33: {  	p0 =	seq.s32 s10, $0x1;
	s10 =	sld [smem:$0x3FB6];
	_ =	sdelay $0x3  }
0x34: {  	[smem:$0x3FB6] =	sst s10  }
0x35: {  	s10 =	sld [smem:$0x3FB5];
	_ =	sdelay $0x3  }
0x36: {  	p1 =	seq.s32 s10, $0x1;
	s10 =	sld [smem:$0x3FB6];
	_ =	sdelay $0x3  }
0x37: {  	[smem:$0x3FB6] =	sst s10  }
0x38: {  	s10 =	sld [smem:$0x3FB7]  }
0x39: {  	_ = 	snop;
	(pc) =	sbr.ind lr, $3  }
0x3a: {  	_ = 	snop  }
0x3b: {  	_ = 	snop  }
0x3c: {  	p2 =	seq.s32 s10, $0x1;
	s10 =	sld [smem:$0x3FB6]  }
0x3d: {  	_ =	shalt  }
0x3e: {  	_ =	shalt  }
0x3f: {  	_ =	shalt  }
0x40: {  	_ =	shalt  }
0x41: {  	_ =	shalt  }
0x42: {  	_ =	shalt  }
0x43: {  	_ =	shalt  }
0x44: {  	_ =	shalt  }
0x45: {  	_ =	shalt  }
0x46: {  	_ =	shalt  }
0x47: {  	_ =	shalt  }
0x48: {  	_ =	shalt  }
0x49: {  	_ =	shalt  }
0x4a: {  	_ =	shalt  }
0x4b: {  	_ =	shalt  }
0x4c: {  	_ =	shalt  }
0x4d: {  	_ =	shalt  }
0x4e: {  	_ =	shalt  }
0x4f: {  	_ =	shalt  }
0x50: {  	_ =	shalt  }
0x51: {  	_ =	shalt  }
0x52: {  	_ =	shalt  }
0x53: {  	_ =	shalt  }
0x54: {  	_ =	shalt  }
0x55: {  	_ =	shalt  }
0x56: {  	_ =	shalt  }
0x57: {  	_ =	shalt  }
0x58: {  	_ =	shalt  }
0x59: {  	_ =	shalt  }
0x5a: {  	_ =	shalt  }
0x5b: {  	_ =	shalt  }
0x5c: {  	_ =	shalt  }
0x5d: {  	_ =	shalt  }
0x5e: {  	_ =	shalt  }
0x5f: {  	_ =	shalt  }
0x60: {  	_ =	shalt  }
0x61: {  	_ =	shalt  }
0x62: {  	_ =	shalt  }
0x63: {  	_ =	shalt  }
0x64: {  	_ =	shalt  }
0x65: {  	_ =	shalt  }
0x66: {  	_ =	shalt  }
0x67: {  	_ =	shalt  }
0x68: {  	_ =	shalt  }
0x69: {  	_ =	shalt  }
0x6a: {  	_ =	shalt  }
0x6b: {  	_ =	shalt  }
0x6c: {  	_ =	shalt  }
0x6d: {  	_ =	shalt  }
0x6e: {  	_ =	shalt  }
0x6f: {  	_ =	shalt  }
0x70: {  	_ =	shalt  }
0x71: {  	_ =	shalt  }
0x72: {  	_ =	shalt  }
0x73: {  	_ =	shalt  }
0x74: {  	_ =	shalt  }
0x75: {  	_ =	shalt  }
0x76: {  	_ =	shalt  }
0x77: {  	_ =	shalt  }
0x78: {  	_ =	shalt  }
0x79: {  	_ =	shalt  }
0x7a: {  	_ =	shalt  }
0x7b: {  	_ =	shalt  }
0x7c: {  	_ =	shalt  }
0x7d: {  	_ =	shalt  }
0x7e: {  	_ =	shalt  }
0x7f: {  	_ =	shalt  }
0x80: {  	_ =	shalt  }
0x81: {  	_ =	shalt  }
0x82: {  	_ =	shalt  }
0x83: {  	_ =	shalt  }
0x84: {  	_ =	shalt  }
0x85: {  	_ =	shalt  }
0x86: {  	_ =	shalt  }
0x87: {  	_ =	shalt  }
.Lfunc_end0:
.L_simem_size_0:
called_computation_lowered:
.L_overlay_start_0:
0x88: {  	s2 =	sld [smem:$0x3FD9]  }
0x89: {  	s3 =	sld [smem:$0x3FFE];
	_ =	sdelay $0x1  }
0x8a: {  	s1 =	srdreg.scid  }
0x8b: {  	s0 =	sand.u32 $0x1, s1  }
0x8c: {  	s17 =	sshll.u32 s0, $0xA;
	s2 =	sadd.s32 s3, s2  }
0x8d: {  	s2 =	sadd.s32 s2, s17  }
0x8e: {  	[smem:$0x3FC2] =	sst s2  }
0x8f: {  	_ = 	snop  }
0x90: {  	s2 =	sld [smem:$0x3FD0];
	(tm) =	ssettm $0x1  }
0x91: {  	s18 =	sld [smem:$0x3FFB];
	_ =	sdelay $0x3  }
0x92: {  	_ =	strace s18  }
0x93: {  	s3 =	sld [smem:$0x3FFC];
	_ =	sdelay $0x3  }
0x94: {  	_ =	strace s3  }
0x95: {  	s3 =	sld [smem:$0x3FFD];
	_ =	sdelay $0x3  }
0x96: {  	_ =	strace s3  }
0x97: {  	_ =	strace $0x8FFFFFFF  }
0x98: {  	s19 =	sld [smem:$0x3FDB];
	_ =	sdelay $0x1  }
0x99: {  	s4 =	simm.s32 $_scs_section_size  }
0x9a: {  	s5 =	simm.s32 $_size__tile_overlayer_lowered;
	s6 =	simm.s32 $_tile_overlayer_lowered  }
0x9b: {  	s22 =	simm.s32 $0x1BFF;
	s21 =	sshll.u32 s6, $0x1;
	s3 =	sadd.s32 s4, s19  }
0x9c: {  	s7 =	simm.s32 $0x0;
	s20 =	sshll.u32 s5, $0x1;
	s5 =	sadd.s32 s21, s3  }
0x9d: {  	[timem:s7], [sflag:s22] =	dma.local [hbm:s5], s20  }
0x9e: {  	_ =	swait.ge [sflag:s22], s20  }
0x9f: {  	s4 =	ssub.s32 $0x0, s20;
	[sflag:s22] =	ssyncset.done $0x0  }
0xa0: {  	[sflag:s22] =	ssyncadd.s32 s4;
	_ =	sdelay $0x1  }
0xa1: {  	s23 =	simm.s32 $0x1B8B  }
0xa2: {  	_ =	swait.ge [sflag:s23], $0x1  }
0xa3: {  	[sflag:s23] =	ssyncset.done $0x0  }
0xa4: {  	s25 =	simm.s32 $0x1B8E;
	s24 =	sld [smem:$0x3FFE];
	[sflag:s23] =	ssyncadd.s32 $0xFFFFFFFF  }
0xa5: {  	s26 =	simm.s32 $execute0_lowered;
	[smem:$0x3FD2] =	sst s25  }
0xa6: {  	s5 =	sshll.u32 s26, $0x1;
	_ =	strace $0x80000046;
	[dreg:$0x1] =	wrdreg $0xFFFFFFFF  }
0xa7: {  	s28 =	simm.s32 $_size_execute0_lowered;
	s3 =	sadd.s32 s3, s5;
	[dreg:$0x0] =	wrdreg $0x0  }
0xa8: {  	s5 =	sshll.u32 s28, $0x1;
	[dreg:$0x2] =	wrdreg s3  }
0xa9: {  	[dreg:$0x3] =	wrdreg s5  }
0xaa: {  	[dreg:$0x4] =	wrdreg $0xC0  }
0xab: {  	_ =	task [dreg:s7], $0x5FFFF  }
0xac: {  	[dreg:$0x1] =	wrdreg $0xFFFFFFFF  }
0xad: {  	[dreg:$0x0] =	wrdreg $0x60  }
0xae: {  	[dreg:$0x2] =	wrdreg s24  }
0xaf: {  	[dreg:$0x3] =	wrdreg s2  }
0xb0: {  	[dreg:$0x4] =	wrdreg $0x98000  }
0xb1: {  	[dreg:$0x5] =	wrdreg $0x9  }
0xb2: {  	_ =	task.clear_ibuf [dreg:s7], $0x6FFFF;
	_ =	strace $0x90000046  }
0xb3: {  	s29 =	simm.s32 $0x9;
	_ =	strace $0x8000004F  }
0xb4: {  	_ =	swait.ge [sflag:s29], $0x1  }
0xb5: {  	[sflag:s29] =	ssyncadd.s32 $0xFFFFFFFF  }
0xb6: {  	_ =	strace $0x9000004F  }
0xb7: {  	_ =	sfence  }
0xb8: {  	s30 =	sld [smem:$0x0];
	_ =	sdelay $0x2  }
0xb9: {  	s31 =	sshll.u32 s1, $0xD;
	s1 =	sshrl.u32 s1, $0x2  }
0xba: {  	s3 =	sand.u32 $0x4000, s31;
	s1 =	sadd.s32 s1, s30  }
0xbb: {  	s0 =	sor.u32 s3, s0;
	s1 =	sshll.u32 s1, $0x11  }
0xbc: {  	s0 =	sor.u32 s1, s0  }
0xbd: {  	s0 =	sadd.s32 $0x8F2B, s0  }
0xbe: {  	[sflag:s0] =	ssyncadd.remote.s32 $0x1  }
0xbf: {  	_ =	sfence.sel $0xFFFF  }
0xc0: {  	[dreg:$0x0] =	wrdreg $0xFFFFFFFF;
	(pc) =	sbr.abs _section_cstart, $3  }
0xc1: {  	[dreg:$0x1] =	wrdreg $0xFFFFFFFF  }
0xc2: {  	_ =	task.clear_ibuf [dreg:s7], $0x2FFFF;
	_ =	strace $0x9FFFFFFF  }
0xc3: {  	(tm) =	ssettm $0x7FFFFFFF  }
tec
execute0_lowered:
.L_overlay_start_1:
0x0: {  	(tag) =	ssettag $0x1  }
0x1: {  	s0 =	rddreg [dreg:$0x0]  }
0x2: {  	s2 =	rddreg [dreg:$0x1]  }
0x3: {  	s1 =	rddreg [dreg:$0x2];
	s4 =	srdreg.scid  }
0x4: {  	s3 =	simm.s32 $0x0;
	s10 =	stileid.u32;
	s20 =	simm.s32 $0x100  }
0x5: {  	s21 =	simm.s32 $0xC80;
	s22 =	simm.s32 $0x180;
	[smem:$0x7FF] =	sst s3  }
0x6: {  	s24 =	simm.s32 $0xD00;
	_ =	strace $0x80000047;
	[dreg:$0x6] =	wrdreg s20  }
0x7: {  	s26 =	simm.s32 $0x200;
	s11 =	simm.s32 $0x300;
	[dreg:$0x7] =	wrdreg s21  }
0x8: {  	s13 =	simm.s32 $0xE80;
	s7 =	smul.u32 $0x600, s10;
	[dreg:$0x8] =	wrdreg s22  }
0x9: {  	s15 =	simm.s32 $0x380;
	s9 =	smul.u32 $0x14000, s10;
	[dreg:$0x9] =	wrdreg s24  }
0xa: {  	s25 =	smul.u32 $0x50000, s10;
	s10 =	simm.s32 $0xE00;
	[dreg:$0xa] =	wrdreg s26  }
0xb: {  	s17 =	simm.s32 $0xF00;
	s28 =	simm.s32 $0x800;
	[dreg:$0xd] =	wrdreg s10  }
0xc: {  	s29 =	simm.s32 $0x1380;
	s5 =	sand.u32 $0x1, s4;
	[dreg:$0xe] =	wrdreg s11  }
0xd: {  	s30 =	simm.s32 $0x880;
	s4 =	smul.u32 $0x6000, s5;
	[dreg:$0xf] =	wrdreg s13  }
0xe: {  	s31 =	simm.s32 $0x1400;
	s6 =	smul.u32 $0x140000, s5;
	[dreg:$0x10] =	wrdreg s15  }
0xf: {  	s5 =	ssub.s32 $0x2, s5;
	[dreg:$0x11] =	wrdreg s17;
	s21 =	simm.s32 $0xF80  }
0x10: {  	s22 =	simm.s32 $0x480;
	s13 =	simm.s32 $0x2;
	[dreg:$0x13] =	wrdreg s21  }
0x11: {  	s24 =	simm.s32 $0x500;
	s15 =	simm.s32 $0x80;
	[dreg:$0x14] =	wrdreg s22  }
0x12: {  	s26 =	simm.s32 $0x580;
	s17 =	simm.s32 $0x5800;
	[dreg:$0x16] =	wrdreg s24  }
0x13: {  	s23 =	sshrl.u32 s5, $0x1;
	[dreg:$0x18] =	wrdreg s26;
	s21 =	simm.s32 $0x680  }
0x14: {  	s22 =	simm.s32 $0x1200;
	s24 =	simm.s32 $0x1280;
	s26 =	simm.s32 $0x1300  }
0x15: {  	s8 =	sadd.s32 s4, s0;
	s2 =	sadd.s32 s4, s2;
	s4 =	sadd.s32 $0xE600, s0  }
0x16: {  	s6 =	sadd.s32 s9, s6;
	s9 =	simm.s32 $0x280;
	s2 =	sadd.s32 s7, s2  }
0x17: {  	s7 =	sadd.s32 s7, s8;
	s6 =	sshrl.u32 s6, $0x3;
	[dreg:$0xc] =	wrdreg s9  }
0x18: {  	s8 =	sshrl.u32 s25, $0x2;
	s25 =	simm.s32 $0x1080;
	[dreg:$0x4] =	wrdreg s2  }
0x19: {  	s19 =	sadd.s32 $0x2600, s7;
	s0 =	sadd.s32 s6, s0;
	[dreg:$0x17] =	wrdreg s25  }
0x1a: {  	s6 =	ssub.s32 s5, s23;
	s5 =	simm.s32 $0xD80;
	[dreg:$0x5] =	wrdreg s19  }
0x1b: {  	s9 =	simm.s32 $0x0;
	s23 =	simm.s32 $0x1000;
	[dreg:$0xb] =	wrdreg s5  }
0x1c: {  	s25 =	simm.s32 $0x780;
	s0 =	sadd.s32 $0x36600, s0;
	[dreg:$0x15] =	wrdreg s23  }
0x1d: {  	s2 =	simm.s32 $0x1480;
	s12 =	smax.u32 s6, $0x1;
	[dreg:$0x1a] =	wrdreg s0  }
0x1e: {  	s7 =	simm.s32 $0x1500;
	s5 =	sadd.s32 s8, s1;
	[dreg:$0x1b] =	wrdreg s12  }
0x1f: {  	s19 =	simm.s32 $0x400;
	s23 =	simm.s32 $0x700;
	[dreg:$0x19] =	wrdreg s5  }
0x20: {  	s6 =	simm.s32 $0x980;
	s14 =	sadd.s32 $0x4000, s5;
	[dreg:$0x12] =	wrdreg s19  }
0x21: {  	s8 =	simm.s32 $0x1580;
	s16 =	sadd.s32 $0x8000, s5;
	[dreg:$0x1c] =	wrdreg s14  }
0x22: {  	s18 =	sadd.s32 $0xC000, s5;
	s20 =	sadd.s32 $0x10000, s5;
	[dreg:$0x1d] =	wrdreg s16  }
0x23: {  	s12 =	simm.s32 $0x1800;
	s19 =	simm.s32 $0x600;
	[dreg:$0x1e] =	wrdreg s18  }
0x24: {  	s0 =	simm.s32 $0x900;
	[dreg:$0x1f] =	wrdreg s20;
	s14 =	simm.s32 $0xC00  }
0x25: {  	v0 =	vimm.f32 $0.0e+00;
	s16 =	simm.s32 $0x1;
	s18 =	simm.s32 $0x1100;
	s20 =	simm.s32 $0x1180  }
.LBB2_1:
0x26: {  	_ =	strace $0x80000048;
	s10 =	simm.s32 $0x0;
	s11 =	simm.s32 $0x200  }
.LBB2_2:
0x27: {  	p0 =	sne.s32 s11, $0xFE00;
	[tilespmem:s10+$0x1870] =	vst v0  }
0x28: {  	[tilespmem:s10+$0x1800] =	vst v0  }
0x29: {  	[tilespmem:s10+$0x1810] =	vst v0  }
.Ltmp0:
0x2a: {  	[tilespmem:s10+$0x1820] =	vst v0;
	(pc) =	sbr.rel @p0 .LBB2_2-.Ltmp0, $4  }
0x2b: {  	[tilespmem:s10+$0x1830] =	vst v0  }
0x2c: {  	[tilespmem:s10+$0x1840] =	vst v0  }
0x2d: {  	[tilespmem:s10+$0x1850] =	vst v0  }
0x2e: {  	[tilespmem:s10+$0x1860] =	vst v0;
	s10 =	sshra.s32 s11, $0x2;
	s11 =	sadd.s32 $0x200, s11  }
0x2f: {  	[tilespmem:s10+$0x1870] =	vst v0  }
0x30: {  	[tilespmem:s10+$0x1800] =	vst v0  }
0x31: {  	[tilespmem:s10+$0x1810] =	vst v0  }
0x32: {  	[tilespmem:s10+$0x1820] =	vst v0  }
0x33: {  	[tilespmem:s10+$0x1830] =	vst v0  }
0x34: {  	[tilespmem:s10+$0x1840] =	vst v0  }
0x35: {  	[tilespmem:s10+$0x1850] =	vst v0  }
0x36: {  	[tilespmem:s10+$0x1860] =	vst v0  }
0x37: {  	_ =	strace $0x90000048  }
0x38: {  	_ =	strace $0x80000049  }
0x39: {  	s5 =	rddreg [dreg:$0x19]  }
0x3a: {  	[spmem:s5] =	stream.linear.scatter [tilespmem:s12], [sflag:$0x2], $0x4000, $0x200038;
	[tilespmem:$0x1D800] =	vst v63  }
0x3b: {  	_ =	swait.ge [sflag:s13], $0x4000  }
0x3c: {  	[sflag:s13] =	ssyncset.done $0x0  }
0x3d: {  	s10 =	rddreg [dreg:$0x1c];
	[sflag:s13] =	ssyncadd.s32 $0xFFFFC000  }
0x3e: {  	[spmem:s10] =	stream.linear.scatter [tilespmem:s12], [sflag:$0x2], $0x4000, $0x200038;
	[tilespmem:$0x1D800] =	vst v63  }
0x3f: {  	_ =	swait.ge [sflag:s13], $0x4000  }
0x40: {  	[sflag:s13] =	ssyncset.done $0x0  }
0x41: {  	s11 =	rddreg [dreg:$0x1d];
	[sflag:s13] =	ssyncadd.s32 $0xFFFFC000  }
0x42: {  	[spmem:s11] =	stream.linear.scatter [tilespmem:s12], [sflag:$0x2], $0x4000, $0x200038;
	[tilespmem:$0x1D800] =	vst v63  }
0x43: {  	_ =	swait.ge [sflag:s13], $0x4000  }
0x44: {  	[sflag:s13] =	ssyncset.done $0x0  }
0x45: {  	s10 =	rddreg [dreg:$0x1e];
	[sflag:s13] =	ssyncadd.s32 $0xFFFFC000  }
0x46: {  	[spmem:s10] =	stream.linear.scatter [tilespmem:s12], [sflag:$0x2], $0x4000, $0x200038;
	[tilespmem:$0x1D800] =	vst v63  }
0x47: {  	_ =	swait.ge [sflag:s13], $0x4000  }
0x48: {  	[sflag:s13] =	ssyncset.done $0x0  }
0x49: {  	s11 =	rddreg [dreg:$0x1f];
	[sflag:s13] =	ssyncadd.s32 $0xFFFFC000  }
0x4a: {  	[spmem:s11] =	stream.linear.scatter [tilespmem:s12], [sflag:$0x2], $0x4000, $0x200038;
	[tilespmem:$0x1D800] =	vst v63  }
0x4b: {  	_ =	swait.ge [sflag:s13], $0x4000  }
0x4c: {  	[sflag:s13] =	ssyncset.done $0x0  }
0x4d: {  	[sflag:s13] =	ssyncadd.s32 $0xFFFFC000  }
0x4e: {  	_ =	strace $0x90000049  }
0x4f: {  	_ =	strace $0x8000004A  }
0x50: {  	[bflag:$0x0] =	sbarrier.arrive $0xFFFF  }
0x51: {  	_ =	strace $0x9000004A  }
0x52: {  	_ =	strace $0x8000004B  }
0x53: {  	s5 =	rddreg [dreg:$0x4]  }
0x54: {  	s10 =	sadd.s32 $0x0, s5  }
0x55: {  	[tilespmem:s3], [sflag:$0x2] =	stream.linear.gather [hbm4b:s10+s3], $0xA00, $0x200038;
	[tilespmem:$0x1D800] =	vst v63  }
0x56: {  	_ =	swait.ge [sflag:s13], $0xA00  }
0x57: {  	s11 =	rddreg [dreg:$0x5];
	[sflag:s13] =	ssyncset.done $0x0  }
0x58: {  	[sflag:s13] =	ssyncadd.s32 $0xFFFFF600;
	s10 =	sadd.s32 $0x0, s11  }
0x59: {  	[tilespmem:s14], [sflag:$0x2] =	stream.linear.gather [hbm4b:s10+s3], $0xA00, $0x200038;
	[tilespmem:$0x1D800] =	vst v63  }
0x5a: {  	_ =	swait.ge [sflag:s13], $0xA00  }
0x5b: {  	[sflag:s13] =	ssyncset.done $0x0  }
0x5c: {  	[sflag:s13] =	ssyncadd.s32 $0xFFFFF600  }
0x5d: {  	_ =	strace $0x9000004B  }
0x5e: {  	[tilespmem:s12], [sflag:$0x1] =	stream.indirect.gather [hbm4b:s4+s15], $0x80, s3, s15, $0xb8;
	[tilespmem:$0x1D800] =	vst v63  }
0x5f: {  	_ =	strace $0x8000004C  }
0x60: {  	_ =	swait.ge [sflag:s16], $0x4000  }
0x61: {  	[sflag:s16] =	ssyncset.done $0x0  }
0x62: {  	[sflag:s16] =	ssyncadd.s32 $0xFFFFC000  }
0x63: {  	[tilespmem:s17], [sflag:$0x1] =	stream.indirect.gather [hbm4b:s4+s15], $0x80, s15, s15, $0x2000b8;
	[tilespmem:$0x1D800] =	vst v63  }
0x64: {  	_ = 	snop  }
0x65: {  	[spmem:s1] =	stream.indirect.scatter.add.f32 [tilespmem:s12], [sflag:$0x2], $0x80, s14, s15, $0x2000b8;
	[tilespmem:$0x1D800] =	vst v63  }
0x66: {  	_ =	swait.ge [sflag:s13], $0x4000  }
0x67: {  	[sflag:s13] =	ssyncset.done $0x0  }
0x68: {  	[sflag:s13] =	ssyncadd.s32 $0xFFFFC000  }
0x69: {  	_ =	swait.ge [sflag:s16], $0x4000  }
0x6a: {  	[sflag:s16] =	ssyncset.done $0x0  }
0x6b: {  	s5 =	rddreg [dreg:$0x6];
	[sflag:s16] =	ssyncadd.s32 $0xFFFFC000  }
0x6c: {  	[tilespmem:s12], [sflag:$0x1] =	stream.indirect.gather [hbm4b:s4+s15], $0x80, s5, s15, $0x2000b8;
	[tilespmem:$0x1D800] =	vst v63  }
0x6d: {  	s11 =	rddreg [dreg:$0x7]  }
0x6e: {  	[spmem:s1] =	stream.indirect.scatter.add.f32 [tilespmem:s17], [sflag:$0x2], $0x80, s11, s15, $0x2000b8;
	[tilespmem:$0x1D800] =	vst v63  }
0x6f: {  	_ =	swait.ge [sflag:s13], $0x4000  }
0x70: {  	[sflag:s13] =	ssyncset.done $0x0  }
0x71: {  	[sflag:s13] =	ssyncadd.s32 $0xFFFFC000  }
0x72: {  	_ =	strace $0x9000004C  }
0x73: {  	_ =	strace $0x8000004C  }
0x74: {  	_ =	swait.ge [sflag:s16], $0x4000  }
0x75: {  	[sflag:s16] =	ssyncset.done $0x0  }
0x76: {  	s11 =	rddreg [dreg:$0x8];
	[sflag:s16] =	ssyncadd.s32 $0xFFFFC000  }
0x77: {  	[tilespmem:s17], [sflag:$0x1] =	stream.indirect.gather [hbm4b:s4+s15], $0x80, s11, s15, $0x2000b8;
	[tilespmem:$0x1D800] =	vst v63  }
0x78: {  	s5 =	rddreg [dreg:$0x9]  }
0x79: {  	[spmem:s1] =	stream.indirect.scatter.add.f32 [tilespmem:s12], [sflag:$0x2], $0x80, s5, s15, $0x2000b8;
	[tilespmem:$0x1D800] =	vst v63  }
0x7a: {  	_ =	swait.ge [sflag:s13], $0x4000  }
0x7b: {  	[sflag:s13] =	ssyncset.done $0x0  }
0x7c: {  	[sflag:s13] =	ssyncadd.s32 $0xFFFFC000  }
0x7d: {  	_ =	swait.ge [sflag:s16], $0x4000  }
0x7e: {  	[sflag:s16] =	ssyncset.done $0x0  }
0x7f: {  	s11 =	rddreg [dreg:$0xa];
	[sflag:s16] =	ssyncadd.s32 $0xFFFFC000  }
0x80: {  	[tilespmem:s12], [sflag:$0x1] =	stream.indirect.gather [hbm4b:s4+s15], $0x80, s11, s15, $0x2000b8;
	[tilespmem:$0x1D800] =	vst v63  }
0x81: {  	s5 =	rddreg [dreg:$0xb]  }
0x82: {  	[spmem:s1] =	stream.indirect.scatter.add.f32 [tilespmem:s17], [sflag:$0x2], $0x80, s5, s15, $0x2000b8;
	[tilespmem:$0x1D800] =	vst v63  }
0x83: {  	_ =	swait.ge [sflag:s13], $0x4000  }
0x84: {  	[sflag:s13] =	ssyncset.done $0x0  }
0x85: {  	[sflag:s13] =	ssyncadd.s32 $0xFFFFC000  }
0x86: {  	_ =	strace $0x9000004C  }
0x87: {  	_ =	strace $0x8000004C  }
0x88: {  	_ =	swait.ge [sflag:s16], $0x4000  }
0x89: {  	[sflag:s16] =	ssyncset.done $0x0  }
0x8a: {  	s11 =	rddreg [dreg:$0xc];
	[sflag:s16] =	ssyncadd.s32 $0xFFFFC000  }
0x8b: {  	[tilespmem:s17], [sflag:$0x1] =	stream.indirect.gather [hbm4b:s4+s15], $0x80, s11, s15, $0x2000b8;
	[tilespmem:$0x1D800] =	vst v63  }
0x8c: {  	s5 =	rddreg [dreg:$0xd]  }
0x8d: {  	[spmem:s1] =	stream.indirect.scatter.add.f32 [tilespmem:s12], [sflag:$0x2], $0x80, s5, s15, $0x2000b8;
	[tilespmem:$0x1D800] =	vst v63  }
0x8e: {  	_ =	swait.ge [sflag:s13], $0x4000  }
0x8f: {  	[sflag:s13] =	ssyncset.done $0x0  }
0x90: {  	[sflag:s13] =	ssyncadd.s32 $0xFFFFC000  }
0x91: {  	_ =	swait.ge [sflag:s16], $0x4000  }
0x92: {  	[sflag:s16] =	ssyncset.done $0x0  }
0x93: {  	s11 =	rddreg [dreg:$0xe];
	[sflag:s16] =	ssyncadd.s32 $0xFFFFC000  }
0x94: {  	[tilespmem:s12], [sflag:$0x1] =	stream.indirect.gather [hbm4b:s4+s15], $0x80, s11, s15, $0x2000b8;
	[tilespmem:$0x1D800] =	vst v63  }
0x95: {  	s5 =	rddreg [dreg:$0xf]  }
0x96: {  	[spmem:s1] =	stream.indirect.scatter.add.f32 [tilespmem:s17], [sflag:$0x2], $0x80, s5, s15, $0x2000b8;
	[tilespmem:$0x1D800] =	vst v63  }
0x97: {  	_ =	swait.ge [sflag:s13], $0x4000  }
0x98: {  	[sflag:s13] =	ssyncset.done $0x0  }
0x99: {  	[sflag:s13] =	ssyncadd.s32 $0xFFFFC000  }
0x9a: {  	_ =	strace $0x9000004C  }
0x9b: {  	_ =	strace $0x8000004C  }
0x9c: {  	_ =	swait.ge [sflag:s16], $0x4000  }
0x9d: {  	[sflag:s16] =	ssyncset.done $0x0  }
0x9e: {  	s11 =	rddreg [dreg:$0x10];
	[sflag:s16] =	ssyncadd.s32 $0xFFFFC000  }
0x9f: {  	[tilespmem:s17], [sflag:$0x1] =	stream.indirect.gather [hbm4b:s4+s15], $0x80, s11, s15, $0x2000b8;
	[tilespmem:$0x1D800] =	vst v63  }
0xa0: {  	s5 =	rddreg [dreg:$0x11]  }
0xa1: {  	[spmem:s1] =	stream.indirect.scatter.add.f32 [tilespmem:s12], [sflag:$0x2], $0x80, s5, s15, $0x2000b8;
	[tilespmem:$0x1D800] =	vst v63  }
0xa2: {  	_ =	swait.ge [sflag:s13], $0x4000  }
0xa3: {  	[sflag:s13] =	ssyncset.done $0x0  }
0xa4: {  	[sflag:s13] =	ssyncadd.s32 $0xFFFFC000  }
0xa5: {  	_ =	swait.ge [sflag:s16], $0x4000  }
0xa6: {  	[sflag:s16] =	ssyncset.done $0x0  }
0xa7: {  	s11 =	rddreg [dreg:$0x12];
	[sflag:s16] =	ssyncadd.s32 $0xFFFFC000  }
0xa8: {  	[tilespmem:s12], [sflag:$0x1] =	stream.indirect.gather [hbm4b:s4+s15], $0x80, s11, s15, $0x2000b8;
	[tilespmem:$0x1D800] =	vst v63  }
0xa9: {  	s5 =	rddreg [dreg:$0x13]  }
0xaa: {  	[spmem:s1] =	stream.indirect.scatter.add.f32 [tilespmem:s17], [sflag:$0x2], $0x80, s5, s15, $0x2000b8;
	[tilespmem:$0x1D800] =	vst v63  }
0xab: {  	_ =	swait.ge [sflag:s13], $0x4000  }
0xac: {  	[sflag:s13] =	ssyncset.done $0x0  }
0xad: {  	[sflag:s13] =	ssyncadd.s32 $0xFFFFC000  }
0xae: {  	_ =	strace $0x9000004C  }
0xaf: {  	_ =	strace $0x8000004C  }
0xb0: {  	_ =	swait.ge [sflag:s16], $0x4000  }
0xb1: {  	[sflag:s16] =	ssyncset.done $0x0  }
0xb2: {  	s11 =	rddreg [dreg:$0x14];
	[sflag:s16] =	ssyncadd.s32 $0xFFFFC000  }
0xb3: {  	[tilespmem:s17], [sflag:$0x1] =	stream.indirect.gather [hbm4b:s4+s15], $0x80, s11, s15, $0x2000b8;
	[tilespmem:$0x1D800] =	vst v63  }
0xb4: {  	s5 =	rddreg [dreg:$0x15]  }
0xb5: {  	[spmem:s1] =	stream.indirect.scatter.add.f32 [tilespmem:s12], [sflag:$0x2], $0x80, s5, s15, $0x2000b8;
	[tilespmem:$0x1D800] =	vst v63  }
0xb6: {  	_ =	swait.ge [sflag:s13], $0x4000  }
0xb7: {  	[sflag:s13] =	ssyncset.done $0x0  }
0xb8: {  	[sflag:s13] =	ssyncadd.s32 $0xFFFFC000  }
0xb9: {  	_ =	swait.ge [sflag:s16], $0x4000  }
0xba: {  	[sflag:s16] =	ssyncset.done $0x0  }
0xbb: {  	s11 =	rddreg [dreg:$0x16];
	[sflag:s16] =	ssyncadd.s32 $0xFFFFC000  }
0xbc: {  	[tilespmem:s12], [sflag:$0x1] =	stream.indirect.gather [hbm4b:s4+s15], $0x80, s11, s15, $0x2000b8;
	[tilespmem:$0x1D800] =	vst v63  }
0xbd: {  	s5 =	rddreg [dreg:$0x17]  }
0xbe: {  	[spmem:s1] =	stream.indirect.scatter.add.f32 [tilespmem:s17], [sflag:$0x2], $0x80, s5, s15, $0x2000b8;
	[tilespmem:$0x1D800] =	vst v63  }
0xbf: {  	_ =	swait.ge [sflag:s13], $0x4000  }
0xc0: {  	[sflag:s13] =	ssyncset.done $0x0  }
0xc1: {  	[sflag:s13] =	ssyncadd.s32 $0xFFFFC000  }
0xc2: {  	_ =	strace $0x9000004C  }
0xc3: {  	_ =	strace $0x8000004C  }
0xc4: {  	_ =	swait.ge [sflag:s16], $0x4000  }
0xc5: {  	[sflag:s16] =	ssyncset.done $0x0  }
0xc6: {  	s11 =	rddreg [dreg:$0x18];
	[sflag:s16] =	ssyncadd.s32 $0xFFFFC000  }
0xc7: {  	[tilespmem:s17], [sflag:$0x1] =	stream.indirect.gather [hbm4b:s4+s15], $0x80, s11, s15, $0x2000b8;
	[tilespmem:$0x1D800] =	vst v63  }
0xc8: {  	_ = 	snop  }
0xc9: {  	[spmem:s1] =	stream.indirect.scatter.add.f32 [tilespmem:s12], [sflag:$0x2], $0x80, s18, s15, $0x2000b8;
	[tilespmem:$0x1D800] =	vst v63  }
0xca: {  	_ =	swait.ge [sflag:s13], $0x4000  }
0xcb: {  	[sflag:s13] =	ssyncset.done $0x0  }
0xcc: {  	[sflag:s13] =	ssyncadd.s32 $0xFFFFC000  }
0xcd: {  	_ =	swait.ge [sflag:s16], $0x4000  }
0xce: {  	[sflag:s16] =	ssyncset.done $0x0  }
0xcf: {  	[sflag:s16] =	ssyncadd.s32 $0xFFFFC000  }
0xd0: {  	[tilespmem:s12], [sflag:$0x1] =	stream.indirect.gather [hbm4b:s4+s15], $0x80, s19, s15, $0x2000b8;
	[tilespmem:$0x1D800] =	vst v63  }
0xd1: {  	_ = 	snop  }
0xd2: {  	[spmem:s1] =	stream.indirect.scatter.add.f32 [tilespmem:s17], [sflag:$0x2], $0x80, s20, s15, $0x2000b8;
	[tilespmem:$0x1D800] =	vst v63  }
0xd3: {  	_ =	swait.ge [sflag:s13], $0x4000  }
0xd4: {  	[sflag:s13] =	ssyncset.done $0x0  }
0xd5: {  	[sflag:s13] =	ssyncadd.s32 $0xFFFFC000  }
0xd6: {  	_ =	strace $0x9000004C  }
0xd7: {  	_ =	strace $0x8000004C  }
0xd8: {  	_ =	swait.ge [sflag:s16], $0x4000  }
0xd9: {  	[sflag:s16] =	ssyncset.done $0x0  }
0xda: {  	[sflag:s16] =	ssyncadd.s32 $0xFFFFC000  }
0xdb: {  	[tilespmem:s17], [sflag:$0x1] =	stream.indirect.gather [hbm4b:s4+s15], $0x80, s21, s15, $0x2000b8;
	[tilespmem:$0x1D800] =	vst v63  }
0xdc: {  	_ = 	snop  }
0xdd: {  	[spmem:s1] =	stream.indirect.scatter.add.f32 [tilespmem:s12], [sflag:$0x2], $0x80, s22, s15, $0x2000b8;
	[tilespmem:$0x1D800] =	vst v63  }
0xde: {  	_ =	swait.ge [sflag:s13], $0x4000  }
0xdf: {  	[sflag:s13] =	ssyncset.done $0x0  }
0xe0: {  	[sflag:s13] =	ssyncadd.s32 $0xFFFFC000  }
0xe1: {  	_ =	swait.ge [sflag:s16], $0x4000  }
0xe2: {  	[sflag:s16] =	ssyncset.done $0x0  }
0xe3: {  	[sflag:s16] =	ssyncadd.s32 $0xFFFFC000  }
0xe4: {  	[tilespmem:s12], [sflag:$0x1] =	stream.indirect.gather [hbm4b:s4+s15], $0x80, s23, s15, $0x2000b8;
	[tilespmem:$0x1D800] =	vst v63  }
0xe5: {  	_ = 	snop  }
0xe6: {  	[spmem:s1] =	stream.indirect.scatter.add.f32 [tilespmem:s17], [sflag:$0x2], $0x80, s24, s15, $0x2000b8;
	[tilespmem:$0x1D800] =	vst v63  }
0xe7: {  	_ =	swait.ge [sflag:s13], $0x4000  }
0xe8: {  	[sflag:s13] =	ssyncset.done $0x0  }
0xe9: {  	[sflag:s13] =	ssyncadd.s32 $0xFFFFC000  }
0xea: {  	_ =	strace $0x9000004C  }
0xeb: {  	_ =	strace $0x8000004C  }
0xec: {  	_ =	swait.ge [sflag:s16], $0x4000  }
0xed: {  	[sflag:s16] =	ssyncset.done $0x0  }
0xee: {  	[sflag:s16] =	ssyncadd.s32 $0xFFFFC000  }
0xef: {  	[tilespmem:s17], [sflag:$0x1] =	stream.indirect.gather [hbm4b:s4+s15], $0x80, s25, s15, $0x2000b8;
	[tilespmem:$0x1D800] =	vst v63  }
0xf0: {  	_ = 	snop  }
0xf1: {  	[spmem:s1] =	stream.indirect.scatter.add.f32 [tilespmem:s12], [sflag:$0x2], $0x80, s26, s15, $0x2000b8;
	[tilespmem:$0x1D800] =	vst v63  }
0xf2: {  	_ =	swait.ge [sflag:s13], $0x4000  }
0xf3: {  	[sflag:s13] =	ssyncset.done $0x0  }
0xf4: {  	[sflag:s13] =	ssyncadd.s32 $0xFFFFC000  }
0xf5: {  	_ =	swait.ge [sflag:s16], $0x4000  }
0xf6: {  	[sflag:s16] =	ssyncset.done $0x0  }
0xf7: {  	[sflag:s16] =	ssyncadd.s32 $0xFFFFC000  }
0xf8: {  	[tilespmem:s12], [sflag:$0x1] =	stream.indirect.gather [hbm4b:s4+s15], $0x80, s28, s15, $0x2000b8;
	[tilespmem:$0x1D800] =	vst v63  }
0xf9: {  	_ = 	snop  }
0xfa: {  	[spmem:s1] =	stream.indirect.scatter.add.f32 [tilespmem:s17], [sflag:$0x2], $0x80, s29, s15, $0x2000b8;
	[tilespmem:$0x1D800] =	vst v63  }
0xfb: {  	_ =	swait.ge [sflag:s13], $0x4000  }
0xfc: {  	[sflag:s13] =	ssyncset.done $0x0  }
0xfd: {  	[sflag:s13] =	ssyncadd.s32 $0xFFFFC000  }
0xfe: {  	_ =	strace $0x9000004C  }
0xff: {  	_ =	strace $0x8000004C  }
0x100: {  	_ =	swait.ge [sflag:s16], $0x4000  }
0x101: {  	[sflag:s16] =	ssyncset.done $0x0  }
0x102: {  	[sflag:s16] =	ssyncadd.s32 $0xFFFFC000  }
0x103: {  	[tilespmem:s17], [sflag:$0x1] =	stream.indirect.gather [hbm4b:s4+s15], $0x80, s30, s15, $0x2000b8;
	[tilespmem:$0x1D800] =	vst v63  }
0x104: {  	_ = 	snop  }
0x105: {  	[spmem:s1] =	stream.indirect.scatter.add.f32 [tilespmem:s12], [sflag:$0x2], $0x80, s31, s15, $0x2000b8;
	[tilespmem:$0x1D800] =	vst v63  }
0x106: {  	_ =	swait.ge [sflag:s13], $0x4000  }
0x107: {  	[sflag:s13] =	ssyncset.done $0x0  }
0x108: {  	[sflag:s13] =	ssyncadd.s32 $0xFFFFC000  }
0x109: {  	_ =	swait.ge [sflag:s16], $0x4000  }
0x10a: {  	[sflag:s16] =	ssyncset.done $0x0  }
0x10b: {  	[sflag:s16] =	ssyncadd.s32 $0xFFFFC000  }
0x10c: {  	[tilespmem:s12], [sflag:$0x1] =	stream.indirect.gather [hbm4b:s4+s15], $0x80, s0, s15, $0x2000b8;
	[tilespmem:$0x1D800] =	vst v63  }
0x10d: {  	_ = 	snop  }
0x10e: {  	[spmem:s1] =	stream.indirect.scatter.add.f32 [tilespmem:s17], [sflag:$0x2], $0x80, s2, s15, $0x2000b8;
	[tilespmem:$0x1D800] =	vst v63  }
0x10f: {  	_ =	swait.ge [sflag:s13], $0x4000  }
0x110: {  	[sflag:s13] =	ssyncset.done $0x0  }
0x111: {  	[sflag:s13] =	ssyncadd.s32 $0xFFFFC000  }
0x112: {  	_ =	strace $0x9000004C  }
0x113: {  	_ =	strace $0x8000004C  }
0x114: {  	_ =	swait.ge [sflag:s16], $0x4000  }
0x115: {  	[sflag:s16] =	ssyncset.done $0x0  }
0x116: {  	[sflag:s16] =	ssyncadd.s32 $0xFFFFC000  }
0x117: {  	[tilespmem:s17], [sflag:$0x1] =	stream.indirect.gather [hbm4b:s4+s15], $0x80, s6, s15, $0x2000b8;
	[tilespmem:$0x1D800] =	vst v63  }
0x118: {  	_ = 	snop  }
0x119: {  	[spmem:s1] =	stream.indirect.scatter.add.f32 [tilespmem:s12], [sflag:$0x2], $0x80, s7, s15, $0x2000b8;
	[tilespmem:$0x1D800] =	vst v63  }
0x11a: {  	_ =	swait.ge [sflag:s13], $0x4000  }
0x11b: {  	[sflag:s13] =	ssyncset.done $0x0  }
0x11c: {  	[sflag:s13] =	ssyncadd.s32 $0xFFFFC000  }
0x11d: {  	_ =	swait.ge [sflag:s16], $0x4000  }
0x11e: {  	[sflag:s16] =	ssyncset.done $0x0  }
0x11f: {  	[sflag:s16] =	ssyncadd.s32 $0xFFFFC000  }
0x120: {  	[spmem:s1] =	stream.indirect.scatter.add.f32 [tilespmem:s17], [sflag:$0x2], $0x80, s8, s15, $0x2000b8;
	[tilespmem:$0x1D800] =	vst v63  }
0x121: {  	_ =	swait.ge [sflag:s13], $0x4000  }
0x122: {  	[sflag:s13] =	ssyncset.done $0x0  }
0x123: {  	s10 =	simm.s32 $0x180;
	[sflag:s13] =	ssyncadd.s32 $0xFFFFC000  }
.LBB2_4:
0x124: {  	_ =	strace $0x9000004C  }
0x125: {  	_ =	strace $0x8000004B  }
0x126: {  	s11 =	smov.u32 s10;
	s5 =	rddreg [dreg:$0x4]  }
0x127: {  	s5 =	sadd.s32 s11, s5  }
0x128: {  	[tilespmem:s3], [sflag:$0x2] =	stream.linear.gather [hbm4b:s5+s3], $0xA00, $0x200038;
	[tilespmem:$0x1D800] =	vst v63  }
0x129: {  	_ =	swait.ge [sflag:s13], $0xA00  }
0x12a: {  	s5 =	rddreg [dreg:$0x5];
	[sflag:s13] =	ssyncset.done $0x0  }
0x12b: {  	[sflag:s13] =	ssyncadd.s32 $0xFFFFF600;
	s5 =	sadd.s32 s11, s5  }
0x12c: {  	[tilespmem:s14], [sflag:$0x2] =	stream.linear.gather [hbm4b:s5+s3], $0xA00, $0x200038;
	[tilespmem:$0x1D800] =	vst v63  }
0x12d: {  	_ =	swait.ge [sflag:s13], $0xA00  }
0x12e: {  	[sflag:s13] =	ssyncset.done $0x0  }
0x12f: {  	[sflag:s13] =	ssyncadd.s32 $0xFFFFF600  }
0x130: {  	_ =	strace $0x9000004B  }
0x131: {  	[tilespmem:s12], [sflag:$0x1] =	stream.indirect.gather [hbm4b:s4+s15], $0x80, s3, s15, $0xb8;
	[tilespmem:$0x1D800] =	vst v63  }
0x132: {  	_ =	strace $0x8000004C  }
0x133: {  	_ =	swait.ge [sflag:s16], $0x4000  }
0x134: {  	[sflag:s16] =	ssyncset.done $0x0  }
0x135: {  	[sflag:s16] =	ssyncadd.s32 $0xFFFFC000  }
0x136: {  	[tilespmem:s17], [sflag:$0x1] =	stream.indirect.gather [hbm4b:s4+s15], $0x80, s15, s15, $0x2000b8;
	[tilespmem:$0x1D800] =	vst v63  }
0x137: {  	_ = 	snop  }
0x138: {  	[spmem:s1] =	stream.indirect.scatter.add.f32 [tilespmem:s12], [sflag:$0x2], $0x80, s14, s15, $0x2000b8;
	[tilespmem:$0x1D800] =	vst v63  }
0x139: {  	_ =	swait.ge [sflag:s13], $0x4000  }
0x13a: {  	[sflag:s13] =	ssyncset.done $0x0  }
0x13b: {  	[sflag:s13] =	ssyncadd.s32 $0xFFFFC000  }
0x13c: {  	_ =	swait.ge [sflag:s16], $0x4000  }
0x13d: {  	[sflag:s16] =	ssyncset.done $0x0  }
0x13e: {  	s5 =	rddreg [dreg:$0x6];
	[sflag:s16] =	ssyncadd.s32 $0xFFFFC000  }
0x13f: {  	[tilespmem:s12], [sflag:$0x1] =	stream.indirect.gather [hbm4b:s4+s15], $0x80, s5, s15, $0x2000b8;
	[tilespmem:$0x1D800] =	vst v63  }
0x140: {  	s11 =	rddreg [dreg:$0x7]  }
0x141: {  	[spmem:s1] =	stream.indirect.scatter.add.f32 [tilespmem:s17], [sflag:$0x2], $0x80, s11, s15, $0x2000b8;
	[tilespmem:$0x1D800] =	vst v63  }
0x142: {  	_ =	swait.ge [sflag:s13], $0x4000  }
0x143: {  	[sflag:s13] =	ssyncset.done $0x0  }
0x144: {  	[sflag:s13] =	ssyncadd.s32 $0xFFFFC000  }
0x145: {  	_ =	strace $0x9000004C  }
0x146: {  	_ =	strace $0x8000004C  }
0x147: {  	_ =	swait.ge [sflag:s16], $0x4000  }
0x148: {  	[sflag:s16] =	ssyncset.done $0x0  }
0x149: {  	s5 =	rddreg [dreg:$0x8];
	[sflag:s16] =	ssyncadd.s32 $0xFFFFC000  }
0x14a: {  	[tilespmem:s17], [sflag:$0x1] =	stream.indirect.gather [hbm4b:s4+s15], $0x80, s5, s15, $0x2000b8;
	[tilespmem:$0x1D800] =	vst v63  }
0x14b: {  	s11 =	rddreg [dreg:$0x9]  }
0x14c: {  	[spmem:s1] =	stream.indirect.scatter.add.f32 [tilespmem:s12], [sflag:$0x2], $0x80, s11, s15, $0x2000b8;
	[tilespmem:$0x1D800] =	vst v63  }
0x14d: {  	_ =	swait.ge [sflag:s13], $0x4000  }
0x14e: {  	[sflag:s13] =	ssyncset.done $0x0  }
0x14f: {  	[sflag:s13] =	ssyncadd.s32 $0xFFFFC000  }
0x150: {  	_ =	swait.ge [sflag:s16], $0x4000  }
0x151: {  	[sflag:s16] =	ssyncset.done $0x0  }
0x152: {  	s5 =	rddreg [dreg:$0xa];
	[sflag:s16] =	ssyncadd.s32 $0xFFFFC000  }
0x153: {  	[tilespmem:s12], [sflag:$0x1] =	stream.indirect.gather [hbm4b:s4+s15], $0x80, s5, s15, $0x2000b8;
	[tilespmem:$0x1D800] =	vst v63  }
0x154: {  	s11 =	rddreg [dreg:$0xb]  }
0x155: {  	[spmem:s1] =	stream.indirect.scatter.add.f32 [tilespmem:s17], [sflag:$0x2], $0x80, s11, s15, $0x2000b8;
	[tilespmem:$0x1D800] =	vst v63  }
0x156: {  	_ =	swait.ge [sflag:s13], $0x4000  }
0x157: {  	[sflag:s13] =	ssyncset.done $0x0  }
0x158: {  	[sflag:s13] =	ssyncadd.s32 $0xFFFFC000  }
0x159: {  	_ =	strace $0x9000004C  }
0x15a: {  	_ =	strace $0x8000004C  }
0x15b: {  	_ =	swait.ge [sflag:s16], $0x4000  }
0x15c: {  	[sflag:s16] =	ssyncset.done $0x0  }
0x15d: {  	s5 =	rddreg [dreg:$0xc];
	[sflag:s16] =	ssyncadd.s32 $0xFFFFC000  }
0x15e: {  	[tilespmem:s17], [sflag:$0x1] =	stream.indirect.gather [hbm4b:s4+s15], $0x80, s5, s15, $0x2000b8;
	[tilespmem:$0x1D800] =	vst v63  }
0x15f: {  	s11 =	rddreg [dreg:$0xd]  }
0x160: {  	[spmem:s1] =	stream.indirect.scatter.add.f32 [tilespmem:s12], [sflag:$0x2], $0x80, s11, s15, $0x2000b8;
	[tilespmem:$0x1D800] =	vst v63  }
0x161: {  	_ =	swait.ge [sflag:s13], $0x4000  }
0x162: {  	[sflag:s13] =	ssyncset.done $0x0  }
0x163: {  	[sflag:s13] =	ssyncadd.s32 $0xFFFFC000  }
0x164: {  	_ =	swait.ge [sflag:s16], $0x4000  }
0x165: {  	[sflag:s16] =	ssyncset.done $0x0  }
0x166: {  	s5 =	rddreg [dreg:$0xe];
	[sflag:s16] =	ssyncadd.s32 $0xFFFFC000  }
0x167: {  	[tilespmem:s12], [sflag:$0x1] =	stream.indirect.gather [hbm4b:s4+s15], $0x80, s5, s15, $0x2000b8;
	[tilespmem:$0x1D800] =	vst v63  }
0x168: {  	s11 =	rddreg [dreg:$0xf]  }
0x169: {  	[spmem:s1] =	stream.indirect.scatter.add.f32 [tilespmem:s17], [sflag:$0x2], $0x80, s11, s15, $0x2000b8;
	[tilespmem:$0x1D800] =	vst v63  }
0x16a: {  	_ =	swait.ge [sflag:s13], $0x4000  }
0x16b: {  	[sflag:s13] =	ssyncset.done $0x0  }
0x16c: {  	[sflag:s13] =	ssyncadd.s32 $0xFFFFC000  }
0x16d: {  	_ =	strace $0x9000004C  }
0x16e: {  	_ =	strace $0x8000004C  }
0x16f: {  	_ =	swait.ge [sflag:s16], $0x4000  }
0x170: {  	[sflag:s16] =	ssyncset.done $0x0  }
0x171: {  	s5 =	rddreg [dreg:$0x10];
	[sflag:s16] =	ssyncadd.s32 $0xFFFFC000  }
0x172: {  	[tilespmem:s17], [sflag:$0x1] =	stream.indirect.gather [hbm4b:s4+s15], $0x80, s5, s15, $0x2000b8;
	[tilespmem:$0x1D800] =	vst v63  }
0x173: {  	s11 =	rddreg [dreg:$0x11]  }
0x174: {  	[spmem:s1] =	stream.indirect.scatter.add.f32 [tilespmem:s12], [sflag:$0x2], $0x80, s11, s15, $0x2000b8;
	[tilespmem:$0x1D800] =	vst v63  }
0x175: {  	_ =	swait.ge [sflag:s13], $0x4000  }
0x176: {  	[sflag:s13] =	ssyncset.done $0x0  }
0x177: {  	[sflag:s13] =	ssyncadd.s32 $0xFFFFC000  }
0x178: {  	_ =	swait.ge [sflag:s16], $0x4000  }
0x179: {  	[sflag:s16] =	ssyncset.done $0x0  }
0x17a: {  	s5 =	rddreg [dreg:$0x12];
	[sflag:s16] =	ssyncadd.s32 $0xFFFFC000  }
0x17b: {  	[tilespmem:s12], [sflag:$0x1] =	stream.indirect.gather [hbm4b:s4+s15], $0x80, s5, s15, $0x2000b8;
	[tilespmem:$0x1D800] =	vst v63  }
0x17c: {  	s11 =	rddreg [dreg:$0x13]  }
0x17d: {  	[spmem:s1] =	stream.indirect.scatter.add.f32 [tilespmem:s17], [sflag:$0x2], $0x80, s11, s15, $0x2000b8;
	[tilespmem:$0x1D800] =	vst v63  }
0x17e: {  	_ =	swait.ge [sflag:s13], $0x4000  }
0x17f: {  	[sflag:s13] =	ssyncset.done $0x0  }
0x180: {  	[sflag:s13] =	ssyncadd.s32 $0xFFFFC000  }
0x181: {  	_ =	strace $0x9000004C  }
0x182: {  	_ =	strace $0x8000004C  }
0x183: {  	_ =	swait.ge [sflag:s16], $0x4000  }
0x184: {  	[sflag:s16] =	ssyncset.done $0x0  }
0x185: {  	s5 =	rddreg [dreg:$0x14];
	[sflag:s16] =	ssyncadd.s32 $0xFFFFC000  }
0x186: {  	[tilespmem:s17], [sflag:$0x1] =	stream.indirect.gather [hbm4b:s4+s15], $0x80, s5, s15, $0x2000b8;
	[tilespmem:$0x1D800] =	vst v63  }
0x187: {  	s11 =	rddreg [dreg:$0x15]  }
0x188: {  	[spmem:s1] =	stream.indirect.scatter.add.f32 [tilespmem:s12], [sflag:$0x2], $0x80, s11, s15, $0x2000b8;
	[tilespmem:$0x1D800] =	vst v63  }
0x189: {  	_ =	swait.ge [sflag:s13], $0x4000  }
0x18a: {  	[sflag:s13] =	ssyncset.done $0x0  }
0x18b: {  	[sflag:s13] =	ssyncadd.s32 $0xFFFFC000  }
0x18c: {  	_ =	swait.ge [sflag:s16], $0x4000  }
0x18d: {  	[sflag:s16] =	ssyncset.done $0x0  }
0x18e: {  	s5 =	rddreg [dreg:$0x16];
	[sflag:s16] =	ssyncadd.s32 $0xFFFFC000  }
0x18f: {  	[tilespmem:s12], [sflag:$0x1] =	stream.indirect.gather [hbm4b:s4+s15], $0x80, s5, s15, $0x2000b8;
	[tilespmem:$0x1D800] =	vst v63  }
0x190: {  	s11 =	rddreg [dreg:$0x17]  }
0x191: {  	[spmem:s1] =	stream.indirect.scatter.add.f32 [tilespmem:s17], [sflag:$0x2], $0x80, s11, s15, $0x2000b8;
	[tilespmem:$0x1D800] =	vst v63  }
0x192: {  	_ =	swait.ge [sflag:s13], $0x4000  }
0x193: {  	[sflag:s13] =	ssyncset.done $0x0  }
0x194: {  	[sflag:s13] =	ssyncadd.s32 $0xFFFFC000  }
0x195: {  	_ =	strace $0x9000004C  }
0x196: {  	_ =	strace $0x8000004C  }
0x197: {  	_ =	swait.ge [sflag:s16], $0x4000  }
0x198: {  	[sflag:s16] =	ssyncset.done $0x0  }
0x199: {  	s11 =	rddreg [dreg:$0x18];
	[sflag:s16] =	ssyncadd.s32 $0xFFFFC000  }
0x19a: {  	[tilespmem:s17], [sflag:$0x1] =	stream.indirect.gather [hbm4b:s4+s15], $0x80, s11, s15, $0x2000b8;
	[tilespmem:$0x1D800] =	vst v63  }
0x19b: {  	_ = 	snop  }
0x19c: {  	[spmem:s1] =	stream.indirect.scatter.add.f32 [tilespmem:s12], [sflag:$0x2], $0x80, s18, s15, $0x2000b8;
	[tilespmem:$0x1D800] =	vst v63  }
0x19d: {  	_ =	swait.ge [sflag:s13], $0x4000  }
0x19e: {  	[sflag:s13] =	ssyncset.done $0x0  }
0x19f: {  	[sflag:s13] =	ssyncadd.s32 $0xFFFFC000  }
0x1a0: {  	_ =	swait.ge [sflag:s16], $0x4000  }
0x1a1: {  	[sflag:s16] =	ssyncset.done $0x0  }
0x1a2: {  	[sflag:s16] =	ssyncadd.s32 $0xFFFFC000  }
0x1a3: {  	[tilespmem:s12], [sflag:$0x1] =	stream.indirect.gather [hbm4b:s4+s15], $0x80, s19, s15, $0x2000b8;
	[tilespmem:$0x1D800] =	vst v63  }
0x1a4: {  	_ = 	snop  }
0x1a5: {  	[spmem:s1] =	stream.indirect.scatter.add.f32 [tilespmem:s17], [sflag:$0x2], $0x80, s20, s15, $0x2000b8;
	[tilespmem:$0x1D800] =	vst v63  }
0x1a6: {  	_ =	swait.ge [sflag:s13], $0x4000  }
0x1a7: {  	[sflag:s13] =	ssyncset.done $0x0  }
0x1a8: {  	[sflag:s13] =	ssyncadd.s32 $0xFFFFC000  }
0x1a9: {  	_ =	strace $0x9000004C  }
0x1aa: {  	_ =	strace $0x8000004C  }
0x1ab: {  	_ =	swait.ge [sflag:s16], $0x4000  }
0x1ac: {  	[sflag:s16] =	ssyncset.done $0x0  }
0x1ad: {  	[sflag:s16] =	ssyncadd.s32 $0xFFFFC000  }
0x1ae: {  	[tilespmem:s17], [sflag:$0x1] =	stream.indirect.gather [hbm4b:s4+s15], $0x80, s21, s15, $0x2000b8;
	[tilespmem:$0x1D800] =	vst v63  }
0x1af: {  	_ = 	snop  }
0x1b0: {  	[spmem:s1] =	stream.indirect.scatter.add.f32 [tilespmem:s12], [sflag:$0x2], $0x80, s22, s15, $0x2000b8;
	[tilespmem:$0x1D800] =	vst v63  }
0x1b1: {  	_ =	swait.ge [sflag:s13], $0x4000  }
0x1b2: {  	[sflag:s13] =	ssyncset.done $0x0  }
0x1b3: {  	[sflag:s13] =	ssyncadd.s32 $0xFFFFC000  }
0x1b4: {  	_ =	swait.ge [sflag:s16], $0x4000  }
0x1b5: {  	[sflag:s16] =	ssyncset.done $0x0  }
0x1b6: {  	[sflag:s16] =	ssyncadd.s32 $0xFFFFC000  }
0x1b7: {  	[tilespmem:s12], [sflag:$0x1] =	stream.indirect.gather [hbm4b:s4+s15], $0x80, s23, s15, $0x2000b8;
	[tilespmem:$0x1D800] =	vst v63  }
0x1b8: {  	_ = 	snop  }
0x1b9: {  	[spmem:s1] =	stream.indirect.scatter.add.f32 [tilespmem:s17], [sflag:$0x2], $0x80, s24, s15, $0x2000b8;
	[tilespmem:$0x1D800] =	vst v63  }
0x1ba: {  	_ =	swait.ge [sflag:s13], $0x4000  }
0x1bb: {  	[sflag:s13] =	ssyncset.done $0x0  }
0x1bc: {  	[sflag:s13] =	ssyncadd.s32 $0xFFFFC000  }
0x1bd: {  	_ =	strace $0x9000004C  }
0x1be: {  	_ =	strace $0x8000004C  }
0x1bf: {  	_ =	swait.ge [sflag:s16], $0x4000  }
0x1c0: {  	[sflag:s16] =	ssyncset.done $0x0  }
0x1c1: {  	[sflag:s16] =	ssyncadd.s32 $0xFFFFC000  }
0x1c2: {  	[tilespmem:s17], [sflag:$0x1] =	stream.indirect.gather [hbm4b:s4+s15], $0x80, s25, s15, $0x2000b8;
	[tilespmem:$0x1D800] =	vst v63  }
0x1c3: {  	_ = 	snop  }
0x1c4: {  	[spmem:s1] =	stream.indirect.scatter.add.f32 [tilespmem:s12], [sflag:$0x2], $0x80, s26, s15, $0x2000b8;
	[tilespmem:$0x1D800] =	vst v63  }
0x1c5: {  	_ =	swait.ge [sflag:s13], $0x4000  }
0x1c6: {  	[sflag:s13] =	ssyncset.done $0x0  }
0x1c7: {  	[sflag:s13] =	ssyncadd.s32 $0xFFFFC000  }
0x1c8: {  	_ =	swait.ge [sflag:s16], $0x4000  }
0x1c9: {  	[sflag:s16] =	ssyncset.done $0x0  }
0x1ca: {  	[sflag:s16] =	ssyncadd.s32 $0xFFFFC000  }
0x1cb: {  	[tilespmem:s12], [sflag:$0x1] =	stream.indirect.gather [hbm4b:s4+s15], $0x80, s28, s15, $0x2000b8;
	[tilespmem:$0x1D800] =	vst v63  }
0x1cc: {  	_ = 	snop  }
0x1cd: {  	[spmem:s1] =	stream.indirect.scatter.add.f32 [tilespmem:s17], [sflag:$0x2], $0x80, s29, s15, $0x2000b8;
	[tilespmem:$0x1D800] =	vst v63  }
0x1ce: {  	_ =	swait.ge [sflag:s13], $0x4000  }
0x1cf: {  	[sflag:s13] =	ssyncset.done $0x0  }
0x1d0: {  	[sflag:s13] =	ssyncadd.s32 $0xFFFFC000  }
0x1d1: {  	_ =	strace $0x9000004C  }
0x1d2: {  	_ =	strace $0x8000004C  }
0x1d3: {  	_ =	swait.ge [sflag:s16], $0x4000  }
0x1d4: {  	[sflag:s16] =	ssyncset.done $0x0  }
0x1d5: {  	[sflag:s16] =	ssyncadd.s32 $0xFFFFC000  }
0x1d6: {  	[tilespmem:s17], [sflag:$0x1] =	stream.indirect.gather [hbm4b:s4+s15], $0x80, s30, s15, $0x2000b8;
	[tilespmem:$0x1D800] =	vst v63  }
0x1d7: {  	_ = 	snop  }
0x1d8: {  	[spmem:s1] =	stream.indirect.scatter.add.f32 [tilespmem:s12], [sflag:$0x2], $0x80, s31, s15, $0x2000b8;
	[tilespmem:$0x1D800] =	vst v63  }
0x1d9: {  	_ =	swait.ge [sflag:s13], $0x4000  }
0x1da: {  	[sflag:s13] =	ssyncset.done $0x0  }
0x1db: {  	[sflag:s13] =	ssyncadd.s32 $0xFFFFC000  }
0x1dc: {  	_ =	swait.ge [sflag:s16], $0x4000  }
0x1dd: {  	[sflag:s16] =	ssyncset.done $0x0  }
0x1de: {  	[sflag:s16] =	ssyncadd.s32 $0xFFFFC000  }
0x1df: {  	[tilespmem:s12], [sflag:$0x1] =	stream.indirect.gather [hbm4b:s4+s15], $0x80, s0, s15, $0x2000b8;
	[tilespmem:$0x1D800] =	vst v63  }
0x1e0: {  	_ = 	snop  }
0x1e1: {  	[spmem:s1] =	stream.indirect.scatter.add.f32 [tilespmem:s17], [sflag:$0x2], $0x80, s2, s15, $0x2000b8;
	[tilespmem:$0x1D800] =	vst v63  }
0x1e2: {  	_ =	swait.ge [sflag:s13], $0x4000  }
0x1e3: {  	[sflag:s13] =	ssyncset.done $0x0  }
0x1e4: {  	[sflag:s13] =	ssyncadd.s32 $0xFFFFC000  }
0x1e5: {  	_ =	strace $0x9000004C  }
0x1e6: {  	_ =	strace $0x8000004C  }
0x1e7: {  	_ =	swait.ge [sflag:s16], $0x4000  }
0x1e8: {  	[sflag:s16] =	ssyncset.done $0x0  }
0x1e9: {  	[sflag:s16] =	ssyncadd.s32 $0xFFFFC000  }
0x1ea: {  	[tilespmem:s17], [sflag:$0x1] =	stream.indirect.gather [hbm4b:s4+s15], $0x80, s6, s15, $0x2000b8;
	[tilespmem:$0x1D800] =	vst v63  }
0x1eb: {  	_ = 	snop  }
0x1ec: {  	[spmem:s1] =	stream.indirect.scatter.add.f32 [tilespmem:s12], [sflag:$0x2], $0x80, s7, s15, $0x2000b8;
	[tilespmem:$0x1D800] =	vst v63  }
0x1ed: {  	_ =	swait.ge [sflag:s13], $0x4000  }
0x1ee: {  	[sflag:s13] =	ssyncset.done $0x0  }
0x1ef: {  	[sflag:s13] =	ssyncadd.s32 $0xFFFFC000  }
0x1f0: {  	_ =	swait.ge [sflag:s16], $0x4000  }
0x1f1: {  	p0 =	sne.s32 s10, $0x480;
	[sflag:s16] =	ssyncset.done $0x0  }
.Ltmp1:
0x1f2: {  	[sflag:s16] =	ssyncadd.s32 $0xFFFFC000;
	(pc) =	sbr.rel @p0 .LBB2_4-.Ltmp1, $4  }
0x1f3: {  	[spmem:s1] =	stream.indirect.scatter.add.f32 [tilespmem:s17], [sflag:$0x2], $0x80, s8, s15, $0x2000b8;
	[tilespmem:$0x1D800] =	vst v63  }
0x1f4: {  	_ =	swait.ge [sflag:s13], $0x4000  }
0x1f5: {  	[sflag:s13] =	ssyncset.done $0x0  }
0x1f6: {  	s10 =	sadd.s32 $0x180, s10;
	[sflag:s13] =	ssyncadd.s32 $0xFFFFC000  }
0x1f7: {  	_ =	strace $0x9000004C  }
0x1f8: {  	_ =	strace $0x8000004D  }
0x1f9: {  	[bflag:$0x0] =	sbarrier.arrive $0xFFFF  }
0x1fa: {  	_ =	strace $0x9000004D  }
0x1fb: {  	s5 =	stileid.u32;
	_ =	strace $0x8000004E  }
0x1fc: {  	s5 =	sshll.u32 s5, $0x6;
	s10 =	rddreg [dreg:$0x19]  }
0x1fd: {  	s5 =	sor.u32 $0x1C02, s5;
	s11 =	rddreg [dreg:$0x1a];
	s10 =	sshrl.u32 s10, $0x3  }
0x1fe: {  	[hbm:s11], [sflag:s5] =	dma.local [spmem:s10], $0x2800  }
0x1ff: {  	_ =	swait.ge [sflag:s13], $0x2800  }
0x200: {  	s9 =	sadd.s32 $0x1, s9;
	s11 =	rddreg [dreg:$0x1b]  }
0x201: {  	p0 =	sne.s32 s9, s11  }
.Ltmp2:
0x202: {  	_ = 	snop;
	(pc) =	sbr.rel @p0 .LBB2_1-.Ltmp2, $4  }
0x203: {  	_ = 	snop  }
0x204: {  	[sflag:s13] =	ssyncset.done $0x0  }
0x205: {  	[sflag:s13] =	ssyncadd.s32 $0xFFFFD800  }
0x206: {  	_ =	strace $0x9000004E  }
0x207: {  	_ =	sfence.sel $0x180000  }
0x208: {  	[bflag:$0x0] =	sbarrier.arrive $0xFFFF  }
0x209: {  	_ =	strace $0x90000047  }
0x20a: {  	s0 =	stileid.u32;
	[bflag:$0x2] =	sbarrier.arrive $0xFFFF  }
0x20b: {  	p0 =	sne.s32 s0, $0x0;
	s0 =	rddreg [dreg:$0x3]  }
0x20c: {  	s0 =	sadd.s32 @!p0 $0x100000, s0  }
0x20d: {  	[sflag:s0] =	ssyncadd.tile.s32 @!p0 $0x1;
	_ =	shalt  }
.Lfunc_end2:
_tile_overlayer_lowered:
.L_overlay_start_2:
0x20e: {  	(tag) =	ssettag $0x2  }
0x20f: {  	s0 =	rddreg [dreg:$0x0];
	s2 =	stileid.u32  }
0x210: {  	s1 =	rddreg [dreg:$0x1];
	p0 =	sne.s32 s2, $0x0  }
0x211: {  	s3 =	rddreg [dreg:$0x2];
	[bflag:$0x3] =	sbarrier.arrive $0xFFFF;
	s2 =	simm.s32 @!p0 $0x1C02  }
0x212: {  	[timem:s3], [sflag:s2] =	dma.local @!p0 [hbm:s0], s1  }
0x213: {  	s0 =	simm.s32 @!p0 $0x2  }
0x214: {  	_ =	swait.ge @!p0 [sflag:s0], s1  }
0x215: {  	s1 =	ssub.s32 @!p0 $0x0, s1;
	[sflag:s0] =	ssyncset.done @!p0 $0x0  }
0x216: {  	[sflag:s0] =	ssyncadd.s32 @!p0 s1  }
0x217: {  	[bflag:$0x3] =	sbarrier.arrive $0xFFFF  }
0x218: {  	_ =	shalt  }

</sc_bundles>
